<compile_context>
chip_gen: v7x
topology: tpu7x:2x2x1
jax: 0.10.2.dev20260603
libtpu: 0.0.44.dev20260713+nightly
codegen_flags: <defaults>
</compile_context>

<pallas_src>
import functools

import jax
import jax.numpy as jnp
from jax import lax
from jax.experimental import pallas as pl
from jax.experimental.pallas import tpu as pltpu
from jax.experimental.pallas import tpu_sc as plsc

N = 10000
F = 128
E = 320000
NPAD = 10240
EPT = 20480
NCH = EPT // 128
ROWS_PER_TILE = NPAD // 16

_mesh = plsc.VectorSubcoreMesh(core_axis_name="c", subcore_axis_name="s")



@functools.partial(
    pl.kernel,
    out_type=jax.ShapeDtypeStruct((2, NPAD), jnp.float32),
    mesh=_mesh,
    scratch_types=[
        pltpu.VMEM((NCH, 128), jnp.int32),
        pltpu.VMEM((128,), jnp.float32),
        pltpu.VMEM_SHARED((NPAD,), jnp.float32),
    ],
)
def _deg_kernel(dst_hbm, ones_hbm, zeros1_hbm, out_hbm, idx_v, ones_v, deg_sh):
    c = lax.axis_index("c")
    s = lax.axis_index("s")
    w = c * 16 + s
    pltpu.sync_copy(dst_hbm.at[w], idx_v)
    pltpu.sync_copy(ones_hbm, ones_v)

    @pl.when(s == 0)
    def _():
        pltpu.sync_copy(zeros1_hbm, deg_sh)

    plsc.subcore_barrier()

    def body(j, carry):
        pltpu.sync_copy(ones_v, deg_sh.at[idx_v.at[j]], add=True)
        return carry

    lax.fori_loop(0, NCH, body, 0)
    plsc.subcore_barrier()

    @pl.when(s == 0)
    def _():
        pltpu.sync_copy(deg_sh, out_hbm.at[c])



@functools.partial(
    pl.kernel,
    out_type=jax.ShapeDtypeStruct((2, NPAD, F), jnp.float32),
    mesh=_mesh,
    scratch_types=[
        pltpu.VMEM((40, 64), jnp.int32),
        pltpu.VMEM((40, 64), jnp.int32),
        pltpu.VMEM((4, 64, F), jnp.float32),
        pltpu.VMEM_SHARED((NPAD, F), jnp.float32),
        [pltpu.SemaphoreType.DMA] * 4,
        [pltpu.SemaphoreType.DMA] * 4,
    ],
)
def _agg_kernel(y_hbm, src_hbm, dst_hbm, zeros2_hbm, out_hbm,
                src_v, dst_v, bufs, acc_sh, gsems, ssems):
    c = lax.axis_index("c")
    s = lax.axis_index("s")
    w = c * 16 + s
    base = pl.multiple_of(s * ROWS_PER_TILE, 8)
    pltpu.sync_copy(zeros2_hbm.at[pl.ds(base, ROWS_PER_TILE)],
                    acc_sh.at[pl.ds(base, ROWS_PER_TILE)])
    plsc.subcore_barrier()

    def wait_gather(b):
        pltpu.make_async_copy(y_hbm.at[pl.ds(0, 64)], bufs.at[b], gsems[b]).wait()

    def wait_scatter(b):
        pltpu.make_async_copy(bufs.at[b], acc_sh.at[pl.ds(0, 64)], ssems[b]).wait()

    def superchunk(g, carry):
        off = pl.multiple_of(g * 40, 8)
        pltpu.sync_copy(src_hbm.at[w].at[pl.ds(off, 40)], src_v)
        pltpu.sync_copy(dst_hbm.at[w].at[pl.ds(off, 40)], dst_v)
        for b in range(4):
            pltpu.async_copy(y_hbm.at[src_v.at[b]], bufs.at[b], gsems[b])

        def body(i, carry2):
            for b in range(4):
                wait_gather(b)
                pltpu.async_copy(bufs.at[b], acc_sh.at[dst_v.at[4 * i + b]],
                                 ssems[b], add=True)

            @pl.when(i < 9)
            def _():
                for b in range(4):
                    wait_scatter(b)
                    pltpu.async_copy(y_hbm.at[src_v.at[4 * (i + 1) + b]],
                                     bufs.at[b], gsems[b])

            @pl.when(i == 9)
            def _():
                for b in range(4):
                    wait_scatter(b)

            return carry2

        lax.fori_loop(0, 10, body, 0)
        return carry

    lax.fori_loop(0, 8, superchunk, 0)
    plsc.subcore_barrier()
    pltpu.sync_copy(acc_sh.at[pl.ds(base, ROWS_PER_TILE)],
                    out_hbm.at[c].at[pl.ds(base, ROWS_PER_TILE)])



_BLK = 400
_GRID = N // _BLK


def _k1_body(x_ref, w_ref, deg_ref, y_ref, dinv_ref):
    dinv = lax.rsqrt(deg_ref[...] + 1.0)
    xw = jnp.dot(x_ref[...], w_ref[0], preferred_element_type=jnp.float32)
    y_ref[...] = (dinv[0] * xw)[None]
    dinv_ref[...] = dinv


def _tc_pre(x, w_stack, deg3):
    return pl.pallas_call(
        _k1_body,
        grid=(2, _GRID),
        in_specs=[
            pl.BlockSpec((_BLK, F), lambda t, i: (i, 0)),
            pl.BlockSpec((1, F, F), lambda t, i: (t, 0, 0)),
            pl.BlockSpec((1, _BLK, 1), lambda t, i: (t, i, 0)),
        ],
        out_specs=[
            pl.BlockSpec((1, _BLK, F), lambda t, i: (t, i, 0)),
            pl.BlockSpec((1, _BLK, 1), lambda t, i: (t, i, 0)),
        ],
        out_shape=[
            jax.ShapeDtypeStruct((2, N, F), jnp.float32),
            jax.ShapeDtypeStruct((2, N, 1), jnp.float32),
        ],
    )(x, w_stack, deg3)


def _k2_body(acc_ref, y_ref, dinv_ref, b_ref, w_ref, out_ref):
    t = pl.program_id(0)
    dinv = dinv_ref[...]
    pre = (dinv[0] * (acc_ref[0] + y_ref[0]) + b_ref[0]
           + dinv[1] * (acc_ref[1] + y_ref[1]) + b_ref[1])
    h = jnp.maximum(pre, 0.0)
    dt = jnp.where(t == 0, dinv[0], dinv[1])
    out_ref[...] = (dt * jnp.dot(h, w_ref[0], preferred_element_type=jnp.float32))[None]


def _tc_mid(acc, y, dinv2, b_stack, w_stack):
    return pl.pallas_call(
        _k2_body,
        grid=(2, _GRID),
        in_specs=[
            pl.BlockSpec((2, _BLK, F), lambda t, i: (0, i, 0)),
            pl.BlockSpec((2, _BLK, F), lambda t, i: (0, i, 0)),
            pl.BlockSpec((2, _BLK, 1), lambda t, i: (0, i, 0)),
            pl.BlockSpec((2, 1, F), lambda t, i: (0, 0, 0)),
            pl.BlockSpec((1, F, F), lambda t, i: (t, 0, 0)),
        ],
        out_specs=pl.BlockSpec((1, _BLK, F), lambda t, i: (t, i, 0)),
        out_shape=jax.ShapeDtypeStruct((2, N, F), jnp.float32),
    )(acc, y, dinv2, b_stack, w_stack)


def _k3_body(acc_ref, y_ref, dinv_ref, b_ref, out_ref):
    dinv = dinv_ref[...]
    out_ref[...] = (dinv[0] * (acc_ref[0] + y_ref[0]) + b_ref[0]
                    + dinv[1] * (acc_ref[1] + y_ref[1]) + b_ref[1])


def _tc_post(acc, y, dinv2, b_stack):
    return pl.pallas_call(
        _k3_body,
        grid=(_GRID,),
        in_specs=[
            pl.BlockSpec((2, _BLK, F), lambda i: (0, i, 0)),
            pl.BlockSpec((2, _BLK, F), lambda i: (0, i, 0)),
            pl.BlockSpec((2, _BLK, 1), lambda i: (0, i, 0)),
            pl.BlockSpec((2, 1, F), lambda i: (0, 0, 0)),
        ],
        out_specs=pl.BlockSpec((_BLK, F), lambda i: (i, 0)),
        out_shape=jax.ShapeDtypeStruct((N, F), jnp.float32),
    )(acc, y, dinv2, b_stack)



def kernel(x, edge_index, control_edge_index, Wc0, bc0, Wc1, bc1, Wk0, bk0, Wk1, bk1):
    npad_e = 16 * EPT - E
    es, ed = edge_index[0], edge_index[1]
    cs, cd = control_edge_index[0], control_edge_index[1]
    pad_src = jnp.zeros((npad_e,), jnp.int32)
    pad_dst = jnp.full((npad_e,), N, jnp.int32)
    src_flat = jnp.concatenate([es, pad_src, cs + N, pad_src])
    dst_flat = jnp.concatenate([ed, pad_dst, cd, pad_dst])
    src_all = src_flat.reshape(32, 320, 64)
    dst_all = dst_flat.reshape(32, 320, 64)
    dst_deg = dst_flat.reshape(32, NCH, 128)

    ones128 = jnp.ones((128,), jnp.float32)
    zeros1 = jnp.zeros((NPAD,), jnp.float32)
    zeros2 = jnp.zeros((NPAD, F), jnp.float32)

    deg2 = _deg_kernel(dst_deg, ones128, zeros1)
    deg3 = deg2.reshape(2, NPAD, 1)

    w_stack0 = jnp.stack([Wc0, Wk0])
    w_stack1 = jnp.stack([Wc1, Wk1])
    b_stack0 = jnp.stack([bc0, bk0]).reshape(2, 1, F)
    b_stack1 = jnp.stack([bc1, bk1]).reshape(2, 1, F)

    y0, dinv2 = _tc_pre(x, w_stack0, deg3)
    acc0 = _agg_kernel(y0.reshape(2 * N, F), src_all, dst_all, zeros2)
    y1 = _tc_mid(acc0, y0, dinv2, b_stack0, w_stack1)
    acc1 = _agg_kernel(y1.reshape(2 * N, F), src_all, dst_all, zeros2)
    return _tc_post(acc1, y1, dinv2, b_stack1)

# --- scband reference (transcript-rebuilt; emitter-appended) ---
"""Pipeline reference for scband-gcnblock-3143916060941 (READ-ONLY COPY).

The authoritative reference and input builder live on the scoring server;
editing this copy changes nothing except your own understanding.
"""

import jax, jax.numpy as jnp
import numpy as np

FEATURE_DIM = 128
N_NODES = 10000
N_EDGES = 320000
DEPTH = 2


def _glorot(key, shape):
    fan_in, fan_out = shape[0], shape[1]
    limit = jnp.sqrt(6.0 / (fan_in + fan_out))
    return jax.random.uniform(key, shape, dtype=jnp.float32, minval=-limit, maxval=limit)


def setup_inputs(seed: int = 0) -> dict:
    key = jax.random.key(seed)
    ks = jax.random.split(key, 12)
    x = jax.random.normal(ks[0], (N_NODES, FEATURE_DIM), dtype=jnp.float32)
    edge_index = jax.random.randint(ks[1], (2, N_EDGES), 0, N_NODES, dtype=jnp.int32)
    control_edge_index = jax.random.randint(ks[2], (2, N_EDGES), 0, N_NODES, dtype=jnp.int32)
    Wc0 = _glorot(ks[3], (FEATURE_DIM, FEATURE_DIM))
    bc0 = jnp.zeros((FEATURE_DIM,), dtype=jnp.float32)
    Wc1 = _glorot(ks[4], (FEATURE_DIM, FEATURE_DIM))
    bc1 = jnp.zeros((FEATURE_DIM,), dtype=jnp.float32)
    Wk0 = _glorot(ks[5], (FEATURE_DIM, FEATURE_DIM))
    bk0 = jnp.zeros((FEATURE_DIM,), dtype=jnp.float32)
    Wk1 = _glorot(ks[6], (FEATURE_DIM, FEATURE_DIM))
    bk1 = jnp.zeros((FEATURE_DIM,), dtype=jnp.float32)
    return {"x": x, "edge_index": edge_index, "control_edge_index": control_edge_index,
            "Wc0": Wc0, "bc0": bc0, "Wc1": Wc1, "bc1": bc1,
            "Wk0": Wk0, "bk0": bk0, "Wk1": Wk1, "bk1": bk1}


def gcn_conv(x, edge_index, W, b):
    # GCNConv with add_self_loops=True and symmetric normalization
    N = x.shape[0]
    loop = jnp.arange(N, dtype=edge_index.dtype)
    src = jnp.concatenate([edge_index[0], loop])
    dst = jnp.concatenate([edge_index[1], loop])
    deg = jnp.zeros((N,), dtype=x.dtype).at[dst].add(1.0)
    deg_inv_sqrt = jnp.where(deg > 0, 1.0 / jnp.sqrt(deg), 0.0)
    norm = deg_inv_sqrt[src] * deg_inv_sqrt[dst]
    xw = x @ W
    msg = xw[src] * norm[:, None]
    out = jnp.zeros_like(xw).at[dst].add(msg)
    return out + b


def reference(x, edge_index, control_edge_index, Wc0, bc0, Wc1, bc1, Wk0, bk0, Wk1, bk1):
    # GCNBlock forward (eval mode: dropout is identity), depth=2, linear=False, time_inv=False
    h = gcn_conv(x, edge_index, Wc0, bc0) + gcn_conv(x, control_edge_index, Wk0, bk0)
    h = jax.nn.relu(h)  # applied because i != depth-1 and linear=False; dropout no-op in eval
    h = gcn_conv(h, edge_index, Wc1, bc1) + gcn_conv(h, control_edge_index, Wk1, bk1)
    return h

if __name__ == "__main__":
    import jax
    _d = setup_inputs()
    print(jax.jit(kernel)(*tuple(_d.values())))

</pallas_src>

<mosaic_0001>
#map = affine_map<(d0, d1) -> (0, 0)>
#map1 = affine_map<(d0, d1) -> (0, 0, 0)>
module attributes {stable_mosaic.version = 14 : i64} {
  func.func @_agg_kernel(%arg0: i32, %arg1: i32, %arg2: memref<20000x128xf32, #tpu.memory_space<hbm>>, %arg3: memref<32x320x64xi32, #tpu.memory_space<hbm>>, %arg4: memref<32x320x64xi32, #tpu.memory_space<hbm>>, %arg5: memref<10240x128xf32, #tpu.memory_space<hbm>>, %arg6: memref<2x10240x128xf32, #tpu.memory_space<hbm>>, %arg7: memref<40x64xi32, #tpu.memory_space<vmem>>, %arg8: memref<40x64xi32, #tpu.memory_space<vmem>>, %arg9: memref<4x64x128xf32, #tpu.memory_space<vmem>>, %arg10: memref<10240x128xf32, #tpu.memory_space<vmem_shared>>, %arg11: memref<!tpu.dma_semaphore, #tpu.memory_space<semaphore_mem>>, %arg12: memref<!tpu.dma_semaphore, #tpu.memory_space<semaphore_mem>>, %arg13: memref<!tpu.dma_semaphore, #tpu.memory_space<semaphore_mem>>, %arg14: memref<!tpu.dma_semaphore, #tpu.memory_space<semaphore_mem>>, %arg15: memref<!tpu.dma_semaphore, #tpu.memory_space<semaphore_mem>>, %arg16: memref<!tpu.dma_semaphore, #tpu.memory_space<semaphore_mem>>, %arg17: memref<!tpu.dma_semaphore, #tpu.memory_space<semaphore_mem>>, %arg18: memref<!tpu.dma_semaphore, #tpu.memory_space<semaphore_mem>>) attributes {dimension_semantics = [#tpu.dimension_semantics<core_parallel>, #tpu.dimension_semantics<subcore_parallel>], iteration_bounds = array<i64: 2, 16>, scalar_prefetch = 0 : i64, scratch_operands = 12 : i64, tpu.core_type = #tpu.core_type<sc_vector_subcore>, window_params = [{transform_indices = #map}, {transform_indices = #map1}, {transform_indices = #map1}, {transform_indices = #map}, {transform_indices = #map1}]} {
    %mul3A = arith.constant 16 : i32
    %mul3A_0 = arith.muli %arg0, %mul3A : i32
    %add3A = arith.addi %mul3A_0, %arg1 : i32
    %mul3A_1 = arith.constant 640 : i32
    %mul3A_2 = arith.muli %arg1, %mul3A_1 : i32
    %multiple_of3A = tpu.assume_multiple %mul3A_2, 8 : i32
    "tpu.region"() ({
      %run_scoped3A = tpu.sem_alloc : memref<!tpu.dma_semaphore, #tpu.memory_space<semaphore_mem>>
      %dma_start3A = arith.constant 0 : i32
      %dma_start3A_9 = tpu.memref_slice %arg10[%multiple_of3A, %dma_start3A] : memref<10240x128xf32, #tpu.memory_space<vmem_shared>> -> memref<640x128xf32, #tpu.memory_space<vmem_shared>>
      %dma_start3A_10 = arith.constant 0 : i32
      %dma_start3A_11 = tpu.memref_slice %arg5[%multiple_of3A, %dma_start3A_10] : memref<10240x128xf32, #tpu.memory_space<hbm>> -> memref<640x128xf32, #tpu.memory_space<hbm>>
      tpu.enqueue_dma source(%dma_start3A_11 : memref<640x128xf32, #tpu.memory_space<hbm>>) target(%dma_start3A_9 : memref<640x128xf32, #tpu.memory_space<vmem_shared>>) target_semaphore(%run_scoped3A : memref<!tpu.dma_semaphore, #tpu.memory_space<semaphore_mem>>)
      %dma_wait3A = arith.constant 0 : i32
      %dma_wait3A_12 = tpu.memref_slice %arg10[%multiple_of3A, %dma_wait3A] : memref<10240x128xf32, #tpu.memory_space<vmem_shared>> -> memref<640x128xf32, #tpu.memory_space<vmem_shared>>
      %dma_wait3A_13 = arith.constant 0 : i32
      %dma_wait3A_14 = tpu.memref_slice %arg5[%multiple_of3A, %dma_wait3A_13] : memref<10240x128xf32, #tpu.memory_space<hbm>> -> memref<640x128xf32, #tpu.memory_space<hbm>>
      tpu.wait_dma2 semaphore(%run_scoped3A : memref<!tpu.dma_semaphore, #tpu.memory_space<semaphore_mem>>) src(%dma_wait3A_14 : memref<640x128xf32, #tpu.memory_space<hbm>>) dst(%dma_wait3A_12 : memref<640x128xf32, #tpu.memory_space<vmem_shared>>)
      tpu.yield
    }) : () -> ()
    %barrier3A = arith.constant 0 : index
    tpu.barrier barrier_id(%barrier3A)
    %scan3A = arith.constant 0 : i32
    %scan3A_3 = arith.constant 0 : i32
    %scan3A_4 = arith.constant 8 : i32
    %scan3A_5 = arith.addi %scan3A_3, %scan3A_4 : i32
    %scan3A_6 = arith.constant 1 : i32
    scf.for %scan3A_9 = %scan3A_3 to %scan3A_5 step %scan3A_6  : i32 {
      %mul3A_10 = arith.constant 40 : i32
      %mul3A_11 = arith.muli %scan3A_9, %mul3A_10 : i32
      %multiple_of3A_12 = tpu.assume_multiple %mul3A_11, 8 : i32
      "tpu.region"() ({
        %run_scoped3A = tpu.sem_alloc : memref<!tpu.dma_semaphore, #tpu.memory_space<semaphore_mem>>
        %dma_start3A_66 = arith.constant 0 : i32
        %dma_start3A_67 = arith.constant 0 : i32
        %dma_start3A_68 = tpu.memref_slice %arg3[%add3A, %dma_start3A_66, %dma_start3A_67] : memref<32x320x64xi32, #tpu.memory_space<hbm>> -> memref<1x320x64xi32, #tpu.memory_space<hbm>>
        %dma_start3A_69 = tpu.memref_squeeze %dma_start3A_68 : memref<1x320x64xi32, #tpu.memory_space<hbm>> -> memref<320x64xi32, #tpu.memory_space<hbm>>
        %dma_start3A_70 = arith.constant 0 : i32
        %dma_start3A_71 = tpu.memref_slice %dma_start3A_69[%multiple_of3A_12, %dma_start3A_70] : memref<320x64xi32, #tpu.memory_space<hbm>> -> memref<40x64xi32, #tpu.memory_space<hbm>>
        %dma_start3A_72 = arith.constant 0 : i32
        %dma_start3A_73 = arith.constant 0 : i32
        %dma_start3A_74 = tpu.memref_slice %arg3[%add3A, %dma_start3A_72, %dma_start3A_73] : memref<32x320x64xi32, #tpu.memory_space<hbm>> -> memref<1x320x64xi32, #tpu.memory_space<hbm>>
        %dma_start3A_75 = tpu.memref_squeeze %dma_start3A_74 : memref<1x320x64xi32, #tpu.memory_space<hbm>> -> memref<320x64xi32, #tpu.memory_space<hbm>>
        %dma_start3A_76 = arith.constant 0 : i32
        %dma_start3A_77 = tpu.memref_slice %dma_start3A_75[%multiple_of3A_12, %dma_start3A_76] : memref<320x64xi32, #tpu.memory_space<hbm>> -> memref<40x64xi32, #tpu.memory_space<hbm>>
        tpu.enqueue_dma source(%dma_start3A_77 : memref<40x64xi32, #tpu.memory_space<hbm>>) target(%arg7 : memref<40x64xi32, #tpu.memory_space<vmem>>) target_semaphore(%run_scoped3A : memref<!tpu.dma_semaphore, #tpu.memory_space<semaphore_mem>>)
        %dma_wait3A = arith.constant 0 : i32
        %dma_wait3A_78 = arith.constant 0 : i32
        %dma_wait3A_79 = tpu.memref_slice %arg3[%add3A, %dma_wait3A, %dma_wait3A_78] : memref<32x320x64xi32, #tpu.memory_space<hbm>> -> memref<1x320x64xi32, #tpu.memory_space<hbm>>
        %dma_wait3A_80 = tpu.memref_squeeze %dma_wait3A_79 : memref<1x320x64xi32, #tpu.memory_space<hbm>> -> memref<320x64xi32, #tpu.memory_space<hbm>>
        %dma_wait3A_81 = arith.constant 0 : i32
        %dma_wait3A_82 = tpu.memref_slice %dma_wait3A_80[%multiple_of3A_12, %dma_wait3A_81] : memref<320x64xi32, #tpu.memory_space<hbm>> -> memref<40x64xi32, #tpu.memory_space<hbm>>
        %dma_wait3A_83 = arith.constant 0 : i32
        %dma_wait3A_84 = arith.constant 0 : i32
        %dma_wait3A_85 = tpu.memref_slice %arg3[%add3A, %dma_wait3A_83, %dma_wait3A_84] : memref<32x320x64xi32, #tpu.memory_space<hbm>> -> memref<1x320x64xi32, #tpu.memory_space<hbm>>
        %dma_wait3A_86 = tpu.memref_squeeze %dma_wait3A_85 : memref<1x320x64xi32, #tpu.memory_space<hbm>> -> memref<320x64xi32, #tpu.memory_space<hbm>>
        %dma_wait3A_87 = arith.constant 0 : i32
        %dma_wait3A_88 = tpu.memref_slice %dma_wait3A_86[%multiple_of3A_12, %dma_wait3A_87] : memref<320x64xi32, #tpu.memory_space<hbm>> -> memref<40x64xi32, #tpu.memory_space<hbm>>
        tpu.wait_dma2 semaphore(%run_scoped3A : memref<!tpu.dma_semaphore, #tpu.memory_space<semaphore_mem>>) src(%dma_wait3A_88 : memref<40x64xi32, #tpu.memory_space<hbm>>) dst(%arg7 : memref<40x64xi32, #tpu.memory_space<vmem>>)
        tpu.yield
      }) : () -> ()
      "tpu.region"() ({
        %run_scoped3A = tpu.sem_alloc : memref<!tpu.dma_semaphore, #tpu.memory_space<semaphore_mem>>
        %dma_start3A_66 = arith.constant 0 : i32
        %dma_start3A_67 = arith.constant 0 : i32
        %dma_start3A_68 = tpu.memref_slice %arg4[%add3A, %dma_start3A_66, %dma_start3A_67] : memref<32x320x64xi32, #tpu.memory_space<hbm>> -> memref<1x320x64xi32, #tpu.memory_space<hbm>>
        %dma_start3A_69 = tpu.memref_squeeze %dma_start3A_68 : memref<1x320x64xi32, #tpu.memory_space<hbm>> -> memref<320x64xi32, #tpu.memory_space<hbm>>
        %dma_start3A_70 = arith.constant 0 : i32
        %dma_start3A_71 = tpu.memref_slice %dma_start3A_69[%multiple_of3A_12, %dma_start3A_70] : memref<320x64xi32, #tpu.memory_space<hbm>> -> memref<40x64xi32, #tpu.memory_space<hbm>>
        %dma_start3A_72 = arith.constant 0 : i32
        %dma_start3A_73 = arith.constant 0 : i32
        %dma_start3A_74 = tpu.memref_slice %arg4[%add3A, %dma_start3A_72, %dma_start3A_73] : memref<32x320x64xi32, #tpu.memory_space<hbm>> -> memref<1x320x64xi32, #tpu.memory_space<hbm>>
        %dma_start3A_75 = tpu.memref_squeeze %dma_start3A_74 : memref<1x320x64xi32, #tpu.memory_space<hbm>> -> memref<320x64xi32, #tpu.memory_space<hbm>>
        %dma_start3A_76 = arith.constant 0 : i32
        %dma_start3A_77 = tpu.memref_slice %dma_start3A_75[%multiple_of3A_12, %dma_start3A_76] : memref<320x64xi32, #tpu.memory_space<hbm>> -> memref<40x64xi32, #tpu.memory_space<hbm>>
        tpu.enqueue_dma source(%dma_start3A_77 : memref<40x64xi32, #tpu.memory_space<hbm>>) target(%arg8 : memref<40x64xi32, #tpu.memory_space<vmem>>) target_semaphore(%run_scoped3A : memref<!tpu.dma_semaphore, #tpu.memory_space<semaphore_mem>>)
        %dma_wait3A = arith.constant 0 : i32
        %dma_wait3A_78 = arith.constant 0 : i32
        %dma_wait3A_79 = tpu.memref_slice %arg4[%add3A, %dma_wait3A, %dma_wait3A_78] : memref<32x320x64xi32, #tpu.memory_space<hbm>> -> memref<1x320x64xi32, #tpu.memory_space<hbm>>
        %dma_wait3A_80 = tpu.memref_squeeze %dma_wait3A_79 : memref<1x320x64xi32, #tpu.memory_space<hbm>> -> memref<320x64xi32, #tpu.memory_space<hbm>>
        %dma_wait3A_81 = arith.constant 0 : i32
        %dma_wait3A_82 = tpu.memref_slice %dma_wait3A_80[%multiple_of3A_12, %dma_wait3A_81] : memref<320x64xi32, #tpu.memory_space<hbm>> -> memref<40x64xi32, #tpu.memory_space<hbm>>
        %dma_wait3A_83 = arith.constant 0 : i32
        %dma_wait3A_84 = arith.constant 0 : i32
        %dma_wait3A_85 = tpu.memref_slice %arg4[%add3A, %dma_wait3A_83, %dma_wait3A_84] : memref<32x320x64xi32, #tpu.memory_space<hbm>> -> memref<1x320x64xi32, #tpu.memory_space<hbm>>
        %dma_wait3A_86 = tpu.memref_squeeze %dma_wait3A_85 : memref<1x320x64xi32, #tpu.memory_space<hbm>> -> memref<320x64xi32, #tpu.memory_space<hbm>>
        %dma_wait3A_87 = arith.constant 0 : i32
        %dma_wait3A_88 = tpu.memref_slice %dma_wait3A_86[%multiple_of3A_12, %dma_wait3A_87] : memref<320x64xi32, #tpu.memory_space<hbm>> -> memref<40x64xi32, #tpu.memory_space<hbm>>
        tpu.wait_dma2 semaphore(%run_scoped3A : memref<!tpu.dma_semaphore, #tpu.memory_space<semaphore_mem>>) src(%dma_wait3A_88 : memref<40x64xi32, #tpu.memory_space<hbm>>) dst(%arg8 : memref<40x64xi32, #tpu.memory_space<vmem>>)
        tpu.yield
      }) : () -> ()
      %dma_start3A = arith.constant 0 : i32
      %dma_start3A_13 = arith.constant 0 : i32
      %dma_start3A_14 = arith.constant 0 : i32
      %dma_start3A_15 = arith.constant 0 : i32
      %dma_start3A_16 = tpu.memref_slice %arg9[%dma_start3A_13, %dma_start3A_14, %dma_start3A_15] : memref<4x64x128xf32, #tpu.memory_space<vmem>> -> memref<1x64x128xf32, #tpu.memory_space<vmem>>
      %dma_start3A_17 = tpu.memref_squeeze %dma_start3A_16 : memref<1x64x128xf32, #tpu.memory_space<vmem>> -> memref<64x128xf32, #tpu.memory_space<vmem>>
      %dma_start3A_18 = arith.constant 0 : i32
      %dma_start3A_19 = tpu.memref_slice %arg7[%dma_start3A, %dma_start3A_18] : memref<40x64xi32, #tpu.memory_space<vmem>> -> memref<1x64xi32, #tpu.memory_space<vmem>>
      %dma_start3A_20 = tpu.memref_squeeze %dma_start3A_19 : memref<1x64xi32, #tpu.memory_space<vmem>> -> memref<64xi32, #tpu.memory_space<vmem>>
      %dma_start3A_21 = arith.constant 0 : i32
      %dma_start3A_22 = arith.constant 0 : i32
      %dma_start3A_23 = tpu.memref_slice %arg2[%dma_start3A_21, %dma_start3A_22] : memref<20000x128xf32, #tpu.memory_space<hbm>> -> memref<20000x128xf32, #tpu.memory_space<hbm>>
      tpu.enqueue_indirect_dma source(%dma_start3A_23 : memref<20000x128xf32, #tpu.memory_space<hbm>>) target(%dma_start3A_17 : memref<64x128xf32, #tpu.memory_space<vmem>>) offsets(%dma_start3A_20 : memref<64xi32, #tpu.memory_space<vmem>>) semaphore(%arg11 : memref<!tpu.dma_semaphore, #tpu.memory_space<semaphore_mem>>)
      %dma_start3A_24 = arith.constant 1 : i32
      %dma_start3A_25 = arith.constant 1 : i32
      %dma_start3A_26 = arith.constant 0 : i32
      %dma_start3A_27 = arith.constant 0 : i32
      %dma_start3A_28 = tpu.memref_slice %arg9[%dma_start3A_25, %dma_start3A_26, %dma_start3A_27] : memref<4x64x128xf32, #tpu.memory_space<vmem>> -> memref<1x64x128xf32, #tpu.memory_space<vmem>>
      %dma_start3A_29 = tpu.memref_squeeze %dma_start3A_28 : memref<1x64x128xf32, #tpu.memory_space<vmem>> -> memref<64x128xf32, #tpu.memory_space<vmem>>
      %dma_start3A_30 = arith.constant 0 : i32
      %dma_start3A_31 = tpu.memref_slice %arg7[%dma_start3A_24, %dma_start3A_30] : memref<40x64xi32, #tpu.memory_space<vmem>> -> memref<1x64xi32, #tpu.memory_space<vmem>>
      %dma_start3A_32 = tpu.memref_squeeze %dma_start3A_31 : memref<1x64xi32, #tpu.memory_space<vmem>> -> memref<64xi32, #tpu.memory_space<vmem>>
      %dma_start3A_33 = arith.constant 0 : i32
      %dma_start3A_34 = arith.constant 0 : i32
      %dma_start3A_35 = tpu.memref_slice %arg2[%dma_start3A_33, %dma_start3A_34] : memref<20000x128xf32, #tpu.memory_space<hbm>> -> memref<20000x128xf32, #tpu.memory_space<hbm>>
      tpu.enqueue_indirect_dma source(%dma_start3A_35 : memref<20000x128xf32, #tpu.memory_space<hbm>>) target(%dma_start3A_29 : memref<64x128xf32, #tpu.memory_space<vmem>>) offsets(%dma_start3A_32 : memref<64xi32, #tpu.memory_space<vmem>>) semaphore(%arg12 : memref<!tpu.dma_semaphore, #tpu.memory_space<semaphore_mem>>)
      %dma_start3A_36 = arith.constant 2 : i32
      %dma_start3A_37 = arith.constant 2 : i32
      %dma_start3A_38 = arith.constant 0 : i32
      %dma_start3A_39 = arith.constant 0 : i32
      %dma_start3A_40 = tpu.memref_slice %arg9[%dma_start3A_37, %dma_start3A_38, %dma_start3A_39] : memref<4x64x128xf32, #tpu.memory_space<vmem>> -> memref<1x64x128xf32, #tpu.memory_space<vmem>>
      %dma_start3A_41 = tpu.memref_squeeze %dma_start3A_40 : memref<1x64x128xf32, #tpu.memory_space<vmem>> -> memref<64x128xf32, #tpu.memory_space<vmem>>
      %dma_start3A_42 = arith.constant 0 : i32
      %dma_start3A_43 = tpu.memref_slice %arg7[%dma_start3A_36, %dma_start3A_42] : memref<40x64xi32, #tpu.memory_space<vmem>> -> memref<1x64xi32, #tpu.memory_space<vmem>>
      %dma_start3A_44 = tpu.memref_squeeze %dma_start3A_43 : memref<1x64xi32, #tpu.memory_space<vmem>> -> memref<64xi32, #tpu.memory_space<vmem>>
      %dma_start3A_45 = arith.constant 0 : i32
      %dma_start3A_46 = arith.constant 0 : i32
      %dma_start3A_47 = tpu.memref_slice %arg2[%dma_start3A_45, %dma_start3A_46] : memref<20000x128xf32, #tpu.memory_space<hbm>> -> memref<20000x128xf32, #tpu.memory_space<hbm>>
      tpu.enqueue_indirect_dma source(%dma_start3A_47 : memref<20000x128xf32, #tpu.memory_space<hbm>>) target(%dma_start3A_41 : memref<64x128xf32, #tpu.memory_space<vmem>>) offsets(%dma_start3A_44 : memref<64xi32, #tpu.memory_space<vmem>>) semaphore(%arg13 : memref<!tpu.dma_semaphore, #tpu.memory_space<semaphore_mem>>)
      %dma_start3A_48 = arith.constant 3 : i32
      %dma_start3A_49 = arith.constant 3 : i32
      %dma_start3A_50 = arith.constant 0 : i32
      %dma_start3A_51 = arith.constant 0 : i32
      %dma_start3A_52 = tpu.memref_slice %arg9[%dma_start3A_49, %dma_start3A_50, %dma_start3A_51] : memref<4x64x128xf32, #tpu.memory_space<vmem>> -> memref<1x64x128xf32, #tpu.memory_space<vmem>>
      %dma_start3A_53 = tpu.memref_squeeze %dma_start3A_52 : memref<1x64x128xf32, #tpu.memory_space<vmem>> -> memref<64x128xf32, #tpu.memory_space<vmem>>
      %dma_start3A_54 = arith.constant 0 : i32
      %dma_start3A_55 = tpu.memref_slice %arg7[%dma_start3A_48, %dma_start3A_54] : memref<40x64xi32, #tpu.memory_space<vmem>> -> memref<1x64xi32, #tpu.memory_space<vmem>>
      %dma_start3A_56 = tpu.memref_squeeze %dma_start3A_55 : memref<1x64xi32, #tpu.memory_space<vmem>> -> memref<64xi32, #tpu.memory_space<vmem>>
      %dma_start3A_57 = arith.constant 0 : i32
      %dma_start3A_58 = arith.constant 0 : i32
      %dma_start3A_59 = tpu.memref_slice %arg2[%dma_start3A_57, %dma_start3A_58] : memref<20000x128xf32, #tpu.memory_space<hbm>> -> memref<20000x128xf32, #tpu.memory_space<hbm>>
      tpu.enqueue_indirect_dma source(%dma_start3A_59 : memref<20000x128xf32, #tpu.memory_space<hbm>>) target(%dma_start3A_53 : memref<64x128xf32, #tpu.memory_space<vmem>>) offsets(%dma_start3A_56 : memref<64xi32, #tpu.memory_space<vmem>>) semaphore(%arg14 : memref<!tpu.dma_semaphore, #tpu.memory_space<semaphore_mem>>)
      %scan3A_60 = arith.constant 0 : i32
      %scan3A_61 = arith.constant 0 : i32
      %scan3A_62 = arith.constant 10 : i32
      %scan3A_63 = arith.addi %scan3A_61, %scan3A_62 : i32
      %scan3A_64 = arith.constant 1 : i32
      scf.for %scan3A_66 = %scan3A_61 to %scan3A_63 step %scan3A_64  : i32 {
        %dma_wait3A = arith.constant 0 : i32
        %dma_wait3A_67 = arith.constant 0 : i32
        %dma_wait3A_68 = arith.constant 0 : i32
        %dma_wait3A_69 = tpu.memref_slice %arg9[%dma_wait3A, %dma_wait3A_67, %dma_wait3A_68] : memref<4x64x128xf32, #tpu.memory_space<vmem>> -> memref<1x64x128xf32, #tpu.memory_space<vmem>>
        %dma_wait3A_70 = tpu.memref_squeeze %dma_wait3A_69 : memref<1x64x128xf32, #tpu.memory_space<vmem>> -> memref<64x128xf32, #tpu.memory_space<vmem>>
        %dma_wait3A_71 = arith.constant 0 : i32
        %dma_wait3A_72 = arith.constant 0 : i32
        %dma_wait3A_73 = tpu.memref_slice %arg2[%dma_wait3A_71, %dma_wait3A_72] : memref<20000x128xf32, #tpu.memory_space<hbm>> -> memref<64x128xf32, #tpu.memory_space<hbm>>
        %dma_wait3A_74 = arith.constant 0 : i32
        %dma_wait3A_75 = arith.constant 0 : i32
        %dma_wait3A_76 = tpu.memref_slice %arg9[%dma_wait3A, %dma_wait3A_74, %dma_wait3A_75] : memref<4x64x128xf32, #tpu.memory_space<vmem>> -> memref<1x64x128xf32, #tpu.memory_space<vmem>>
        %dma_wait3A_77 = tpu.memref_squeeze %dma_wait3A_76 : memref<1x64x128xf32, #tpu.memory_space<vmem>> -> memref<64x128xf32, #tpu.memory_space<vmem>>
        %dma_wait3A_78 = arith.constant 0 : i32
        %dma_wait3A_79 = arith.constant 0 : i32
        %dma_wait3A_80 = tpu.memref_slice %arg2[%dma_wait3A_78, %dma_wait3A_79] : memref<20000x128xf32, #tpu.memory_space<hbm>> -> memref<64x128xf32, #tpu.memory_space<hbm>>
        tpu.wait_dma2 semaphore(%arg11 : memref<!tpu.dma_semaphore, #tpu.memory_space<semaphore_mem>>) src(%dma_wait3A_80 : memref<64x128xf32, #tpu.memory_space<hbm>>) dst(%dma_wait3A_77 : memref<64x128xf32, #tpu.memory_space<vmem>>)
        %mul3A_81 = arith.constant 4 : i32
        %mul3A_82 = arith.muli %mul3A_81, %scan3A_66 : i32
        %add3A_83 = arith.constant 0 : i32
        %add3A_84 = arith.addi %mul3A_82, %add3A_83 : i32
        %dma_start3A_85 = arith.constant 0 : i32
        %dma_start3A_86 = arith.constant 0 : i32
        %dma_start3A_87 = arith.constant 0 : i32
        %dma_start3A_88 = tpu.memref_slice %arg9[%dma_start3A_85, %dma_start3A_86, %dma_start3A_87] : memref<4x64x128xf32, #tpu.memory_space<vmem>> -> memref<1x64x128xf32, #tpu.memory_space<vmem>>
        %dma_start3A_89 = tpu.memref_squeeze %dma_start3A_88 : memref<1x64x128xf32, #tpu.memory_space<vmem>> -> memref<64x128xf32, #tpu.memory_space<vmem>>
        %dma_start3A_90 = arith.constant 0 : i32
        %dma_start3A_91 = tpu.memref_slice %arg8[%add3A_84, %dma_start3A_90] : memref<40x64xi32, #tpu.memory_space<vmem>> -> memref<1x64xi32, #tpu.memory_space<vmem>>
        %dma_start3A_92 = tpu.memref_squeeze %dma_start3A_91 : memref<1x64xi32, #tpu.memory_space<vmem>> -> memref<64xi32, #tpu.memory_space<vmem>>
        %dma_start3A_93 = arith.constant 0 : i32
        %dma_start3A_94 = arith.constant 0 : i32
        %dma_start3A_95 = tpu.memref_slice %arg10[%dma_start3A_93, %dma_start3A_94] : memref<10240x128xf32, #tpu.memory_space<vmem_shared>> -> memref<10240x128xf32, #tpu.memory_space<vmem_shared>>
        tpu.enqueue_indirect_dma source(%dma_start3A_89 : memref<64x128xf32, #tpu.memory_space<vmem>>) target(%dma_start3A_95 : memref<10240x128xf32, #tpu.memory_space<vmem_shared>>) offsets(%dma_start3A_92 : memref<64xi32, #tpu.memory_space<vmem>>) semaphore(%arg15 : memref<!tpu.dma_semaphore, #tpu.memory_space<semaphore_mem>>) {add = true}
        %dma_wait3A_96 = arith.constant 1 : i32
        %dma_wait3A_97 = arith.constant 0 : i32
        %dma_wait3A_98 = arith.constant 0 : i32
        %dma_wait3A_99 = tpu.memref_slice %arg9[%dma_wait3A_96, %dma_wait3A_97, %dma_wait3A_98] : memref<4x64x128xf32, #tpu.memory_space<vmem>> -> memref<1x64x128xf32, #tpu.memory_space<vmem>>
        %dma_wait3A_100 = tpu.memref_squeeze %dma_wait3A_99 : memref<1x64x128xf32, #tpu.memory_space<vmem>> -> memref<64x128xf32, #tpu.memory_space<vmem>>
        %dma_wait3A_101 = arith.constant 0 : i32
        %dma_wait3A_102 = arith.constant 0 : i32
        %dma_wait3A_103 = tpu.memref_slice %arg2[%dma_wait3A_101, %dma_wait3A_102] : memref<20000x128xf32, #tpu.memory_space<hbm>> -> memref<64x128xf32, #tpu.memory_space<hbm>>
        %dma_wait3A_104 = arith.constant 0 : i32
        %dma_wait3A_105 = arith.constant 0 : i32
        %dma_wait3A_106 = tpu.memref_slice %arg9[%dma_wait3A_96, %dma_wait3A_104, %dma_wait3A_105] : memref<4x64x128xf32, #tpu.memory_space<vmem>> -> memref<1x64x128xf32, #tpu.memory_space<vmem>>
        %dma_wait3A_107 = tpu.memref_squeeze %dma_wait3A_106 : memref<1x64x128xf32, #tpu.memory_space<vmem>> -> memref<64x128xf32, #tpu.memory_space<vmem>>
        %dma_wait3A_108 = arith.constant 0 : i32
        %dma_wait3A_109 = arith.constant 0 : i32
        %dma_wait3A_110 = tpu.memref_slice %arg2[%dma_wait3A_108, %dma_wait3A_109] : memref<20000x128xf32, #tpu.memory_space<hbm>> -> memref<64x128xf32, #tpu.memory_space<hbm>>
        tpu.wait_dma2 semaphore(%arg12 : memref<!tpu.dma_semaphore, #tpu.memory_space<semaphore_mem>>) src(%dma_wait3A_110 : memref<64x128xf32, #tpu.memory_space<hbm>>) dst(%dma_wait3A_107 : memref<64x128xf32, #tpu.memory_space<vmem>>)
        %mul3A_111 = arith.constant 4 : i32
        %mul3A_112 = arith.muli %mul3A_111, %scan3A_66 : i32
        %add3A_113 = arith.constant 1 : i32
        %add3A_114 = arith.addi %mul3A_112, %add3A_113 : i32
        %dma_start3A_115 = arith.constant 1 : i32
        %dma_start3A_116 = arith.constant 0 : i32
        %dma_start3A_117 = arith.constant 0 : i32
        %dma_start3A_118 = tpu.memref_slice %arg9[%dma_start3A_115, %dma_start3A_116, %dma_start3A_117] : memref<4x64x128xf32, #tpu.memory_space<vmem>> -> memref<1x64x128xf32, #tpu.memory_space<vmem>>
        %dma_start3A_119 = tpu.memref_squeeze %dma_start3A_118 : memref<1x64x128xf32, #tpu.memory_space<vmem>> -> memref<64x128xf32, #tpu.memory_space<vmem>>
        %dma_start3A_120 = arith.constant 0 : i32
        %dma_start3A_121 = tpu.memref_slice %arg8[%add3A_114, %dma_start3A_120] : memref<40x64xi32, #tpu.memory_space<vmem>> -> memref<1x64xi32, #tpu.memory_space<vmem>>
        %dma_start3A_122 = tpu.memref_squeeze %dma_start3A_121 : memref<1x64xi32, #tpu.memory_space<vmem>> -> memref<64xi32, #tpu.memory_space<vmem>>
        %dma_start3A_123 = arith.constant 0 : i32
        %dma_start3A_124 = arith.constant 0 : i32
        %dma_start3A_125 = tpu.memref_slice %arg10[%dma_start3A_123, %dma_start3A_124] : memref<10240x128xf32, #tpu.memory_space<vmem_shared>> -> memref<10240x128xf32, #tpu.memory_space<vmem_shared>>
        tpu.enqueue_indirect_dma source(%dma_start3A_119 : memref<64x128xf32, #tpu.memory_space<vmem>>) target(%dma_start3A_125 : memref<10240x128xf32, #tpu.memory_space<vmem_shared>>) offsets(%dma_start3A_122 : memref<64xi32, #tpu.memory_space<vmem>>) semaphore(%arg16 : memref<!tpu.dma_semaphore, #tpu.memory_space<semaphore_mem>>) {add = true}
        %dma_wait3A_126 = arith.constant 2 : i32
        %dma_wait3A_127 = arith.constant 0 : i32
        %dma_wait3A_128 = arith.constant 0 : i32
        %dma_wait3A_129 = tpu.memref_slice %arg9[%dma_wait3A_126, %dma_wait3A_127, %dma_wait3A_128] : memref<4x64x128xf32, #tpu.memory_space<vmem>> -> memref<1x64x128xf32, #tpu.memory_space<vmem>>
        %dma_wait3A_130 = tpu.memref_squeeze %dma_wait3A_129 : memref<1x64x128xf32, #tpu.memory_space<vmem>> -> memref<64x128xf32, #tpu.memory_space<vmem>>
        %dma_wait3A_131 = arith.constant 0 : i32
        %dma_wait3A_132 = arith.constant 0 : i32
        %dma_wait3A_133 = tpu.memref_slice %arg2[%dma_wait3A_131, %dma_wait3A_132] : memref<20000x128xf32, #tpu.memory_space<hbm>> -> memref<64x128xf32, #tpu.memory_space<hbm>>
        %dma_wait3A_134 = arith.constant 0 : i32
        %dma_wait3A_135 = arith.constant 0 : i32
        %dma_wait3A_136 = tpu.memref_slice %arg9[%dma_wait3A_126, %dma_wait3A_134, %dma_wait3A_135] : memref<4x64x128xf32, #tpu.memory_space<vmem>> -> memref<1x64x128xf32, #tpu.memory_space<vmem>>
        %dma_wait3A_137 = tpu.memref_squeeze %dma_wait3A_136 : memref<1x64x128xf32, #tpu.memory_space<vmem>> -> memref<64x128xf32, #tpu.memory_space<vmem>>
        %dma_wait3A_138 = arith.constant 0 : i32
        %dma_wait3A_139 = arith.constant 0 : i32
        %dma_wait3A_140 = tpu.memref_slice %arg2[%dma_wait3A_138, %dma_wait3A_139] : memref<20000x128xf32, #tpu.memory_space<hbm>> -> memref<64x128xf32, #tpu.memory_space<hbm>>
        tpu.wait_dma2 semaphore(%arg13 : memref<!tpu.dma_semaphore, #tpu.memory_space<semaphore_mem>>) src(%dma_wait3A_140 : memref<64x128xf32, #tpu.memory_space<hbm>>) dst(%dma_wait3A_137 : memref<64x128xf32, #tpu.memory_space<vmem>>)
        %mul3A_141 = arith.constant 4 : i32
        %mul3A_142 = arith.muli %mul3A_141, %scan3A_66 : i32
        %add3A_143 = arith.constant 2 : i32
        %add3A_144 = arith.addi %mul3A_142, %add3A_143 : i32
        %dma_start3A_145 = arith.constant 2 : i32
        %dma_start3A_146 = arith.constant 0 : i32
        %dma_start3A_147 = arith.constant 0 : i32
        %dma_start3A_148 = tpu.memref_slice %arg9[%dma_start3A_145, %dma_start3A_146, %dma_start3A_147] : memref<4x64x128xf32, #tpu.memory_space<vmem>> -> memref<1x64x128xf32, #tpu.memory_space<vmem>>
        %dma_start3A_149 = tpu.memref_squeeze %dma_start3A_148 : memref<1x64x128xf32, #tpu.memory_space<vmem>> -> memref<64x128xf32, #tpu.memory_space<vmem>>
        %dma_start3A_150 = arith.constant 0 : i32
        %dma_start3A_151 = tpu.memref_slice %arg8[%add3A_144, %dma_start3A_150] : memref<40x64xi32, #tpu.memory_space<vmem>> -> memref<1x64xi32, #tpu.memory_space<vmem>>
        %dma_start3A_152 = tpu.memref_squeeze %dma_start3A_151 : memref<1x64xi32, #tpu.memory_space<vmem>> -> memref<64xi32, #tpu.memory_space<vmem>>
        %dma_start3A_153 = arith.constant 0 : i32
        %dma_start3A_154 = arith.constant 0 : i32
        %dma_start3A_155 = tpu.memref_slice %arg10[%dma_start3A_153, %dma_start3A_154] : memref<10240x128xf32, #tpu.memory_space<vmem_shared>> -> memref<10240x128xf32, #tpu.memory_space<vmem_shared>>
        tpu.enqueue_indirect_dma source(%dma_start3A_149 : memref<64x128xf32, #tpu.memory_space<vmem>>) target(%dma_start3A_155 : memref<10240x128xf32, #tpu.memory_space<vmem_shared>>) offsets(%dma_start3A_152 : memref<64xi32, #tpu.memory_space<vmem>>) semaphore(%arg17 : memref<!tpu.dma_semaphore, #tpu.memory_space<semaphore_mem>>) {add = true}
        %dma_wait3A_156 = arith.constant 3 : i32
        %dma_wait3A_157 = arith.constant 0 : i32
        %dma_wait3A_158 = arith.constant 0 : i32
        %dma_wait3A_159 = tpu.memref_slice %arg9[%dma_wait3A_156, %dma_wait3A_157, %dma_wait3A_158] : memref<4x64x128xf32, #tpu.memory_space<vmem>> -> memref<1x64x128xf32, #tpu.memory_space<vmem>>
        %dma_wait3A_160 = tpu.memref_squeeze %dma_wait3A_159 : memref<1x64x128xf32, #tpu.memory_space<vmem>> -> memref<64x128xf32, #tpu.memory_space<vmem>>
        %dma_wait3A_161 = arith.constant 0 : i32
        %dma_wait3A_162 = arith.constant 0 : i32
        %dma_wait3A_163 = tpu.memref_slice %arg2[%dma_wait3A_161, %dma_wait3A_162] : memref<20000x128xf32, #tpu.memory_space<hbm>> -> memref<64x128xf32, #tpu.memory_space<hbm>>
        %dma_wait3A_164 = arith.constant 0 : i32
        %dma_wait3A_165 = arith.constant 0 : i32
        %dma_wait3A_166 = tpu.memref_slice %arg9[%dma_wait3A_156, %dma_wait3A_164, %dma_wait3A_165] : memref<4x64x128xf32, #tpu.memory_space<vmem>> -> memref<1x64x128xf32, #tpu.memory_space<vmem>>
        %dma_wait3A_167 = tpu.memref_squeeze %dma_wait3A_166 : memref<1x64x128xf32, #tpu.memory_space<vmem>> -> memref<64x128xf32, #tpu.memory_space<vmem>>
        %dma_wait3A_168 = arith.constant 0 : i32
        %dma_wait3A_169 = arith.constant 0 : i32
        %dma_wait3A_170 = tpu.memref_slice %arg2[%dma_wait3A_168, %dma_wait3A_169] : memref<20000x128xf32, #tpu.memory_space<hbm>> -> memref<64x128xf32, #tpu.memory_space<hbm>>
        tpu.wait_dma2 semaphore(%arg14 : memref<!tpu.dma_semaphore, #tpu.memory_space<semaphore_mem>>) src(%dma_wait3A_170 : memref<64x128xf32, #tpu.memory_space<hbm>>) dst(%dma_wait3A_167 : memref<64x128xf32, #tpu.memory_space<vmem>>)
        %mul3A_171 = arith.constant 4 : i32
        %mul3A_172 = arith.muli %mul3A_171, %scan3A_66 : i32
        %add3A_173 = arith.constant 3 : i32
        %add3A_174 = arith.addi %mul3A_172, %add3A_173 : i32
        %dma_start3A_175 = arith.constant 3 : i32
        %dma_start3A_176 = arith.constant 0 : i32
        %dma_start3A_177 = arith.constant 0 : i32
        %dma_start3A_178 = tpu.memref_slice %arg9[%dma_start3A_175, %dma_start3A_176, %dma_start3A_177] : memref<4x64x128xf32, #tpu.memory_space<vmem>> -> memref<1x64x128xf32, #tpu.memory_space<vmem>>
        %dma_start3A_179 = tpu.memref_squeeze %dma_start3A_178 : memref<1x64x128xf32, #tpu.memory_space<vmem>> -> memref<64x128xf32, #tpu.memory_space<vmem>>
        %dma_start3A_180 = arith.constant 0 : i32
        %dma_start3A_181 = tpu.memref_slice %arg8[%add3A_174, %dma_start3A_180] : memref<40x64xi32, #tpu.memory_space<vmem>> -> memref<1x64xi32, #tpu.memory_space<vmem>>
        %dma_start3A_182 = tpu.memref_squeeze %dma_start3A_181 : memref<1x64xi32, #tpu.memory_space<vmem>> -> memref<64xi32, #tpu.memory_space<vmem>>
        %dma_start3A_183 = arith.constant 0 : i32
        %dma_start3A_184 = arith.constant 0 : i32
        %dma_start3A_185 = tpu.memref_slice %arg10[%dma_start3A_183, %dma_start3A_184] : memref<10240x128xf32, #tpu.memory_space<vmem_shared>> -> memref<10240x128xf32, #tpu.memory_space<vmem_shared>>
        tpu.enqueue_indirect_dma source(%dma_start3A_179 : memref<64x128xf32, #tpu.memory_space<vmem>>) target(%dma_start3A_185 : memref<10240x128xf32, #tpu.memory_space<vmem_shared>>) offsets(%dma_start3A_182 : memref<64xi32, #tpu.memory_space<vmem>>) semaphore(%arg18 : memref<!tpu.dma_semaphore, #tpu.memory_space<semaphore_mem>>) {add = true}
        %lt3A = arith.constant 9 : i32
        %lt3A_186 = arith.cmpi slt, %scan3A_66, %lt3A : i32
        %convert_element_type3A = arith.extui %lt3A_186 : i1 to i32
        %cond3A = arith.constant 0 : i32
        %cond3A_187 = arith.cmpi ne, %convert_element_type3A, %cond3A : i32
        scf.if %cond3A_187 {
          %dma_wait3A_192 = arith.constant 0 : i32
          %dma_wait3A_193 = arith.constant 0 : i32
          %dma_wait3A_194 = arith.constant 0 : i32
          %dma_wait3A_195 = tpu.memref_slice %arg9[%dma_wait3A_192, %dma_wait3A_193, %dma_wait3A_194] : memref<4x64x128xf32, #tpu.memory_space<vmem>> -> memref<1x64x128xf32, #tpu.memory_space<vmem>>
          %dma_wait3A_196 = tpu.memref_squeeze %dma_wait3A_195 : memref<1x64x128xf32, #tpu.memory_space<vmem>> -> memref<64x128xf32, #tpu.memory_space<vmem>>
          %dma_wait3A_197 = arith.constant 0 : i32
          %dma_wait3A_198 = arith.constant 0 : i32
          %dma_wait3A_199 = tpu.memref_slice %arg10[%dma_wait3A_197, %dma_wait3A_198] : memref<10240x128xf32, #tpu.memory_space<vmem_shared>> -> memref<64x128xf32, #tpu.memory_space<vmem_shared>>
          %dma_wait3A_200 = arith.constant 0 : i32
          %dma_wait3A_201 = arith.constant 0 : i32
          %dma_wait3A_202 = tpu.memref_slice %arg10[%dma_wait3A_200, %dma_wait3A_201] : memref<10240x128xf32, #tpu.memory_space<vmem_shared>> -> memref<64x128xf32, #tpu.memory_space<vmem_shared>>
          %dma_wait3A_203 = arith.constant 0 : i32
          %dma_wait3A_204 = arith.constant 0 : i32
          %dma_wait3A_205 = tpu.memref_slice %arg9[%dma_wait3A_192, %dma_wait3A_203, %dma_wait3A_204] : memref<4x64x128xf32, #tpu.memory_space<vmem>> -> memref<1x64x128xf32, #tpu.memory_space<vmem>>
          %dma_wait3A_206 = tpu.memref_squeeze %dma_wait3A_205 : memref<1x64x128xf32, #tpu.memory_space<vmem>> -> memref<64x128xf32, #tpu.memory_space<vmem>>
          tpu.wait_dma2 semaphore(%arg15 : memref<!tpu.dma_semaphore, #tpu.memory_space<semaphore_mem>>) src(%dma_wait3A_206 : memref<64x128xf32, #tpu.memory_space<vmem>>) dst(%dma_wait3A_202 : memref<64x128xf32, #tpu.memory_space<vmem_shared>>)
          %add3A_207 = arith.constant 1 : i32
          %add3A_208 = arith.addi %scan3A_66, %add3A_207 : i32
          %mul3A_209 = arith.constant 4 : i32
          %mul3A_210 = arith.muli %mul3A_209, %add3A_208 : i32
          %add3A_211 = arith.constant 0 : i32
          %add3A_212 = arith.addi %mul3A_210, %add3A_211 : i32
          %dma_start3A_213 = arith.constant 0 : i32
          %dma_start3A_214 = arith.constant 0 : i32
          %dma_start3A_215 = arith.constant 0 : i32
          %dma_start3A_216 = tpu.memref_slice %arg9[%dma_start3A_213, %dma_start3A_214, %dma_start3A_215] : memref<4x64x128xf32, #tpu.memory_space<vmem>> -> memref<1x64x128xf32, #tpu.memory_space<vmem>>
          %dma_start3A_217 = tpu.memref_squeeze %dma_start3A_216 : memref<1x64x128xf32, #tpu.memory_space<vmem>> -> memref<64x128xf32, #tpu.memory_space<vmem>>
          %dma_start3A_218 = arith.constant 0 : i32
          %dma_start3A_219 = tpu.memref_slice %arg7[%add3A_212, %dma_start3A_218] : memref<40x64xi32, #tpu.memory_space<vmem>> -> memref<1x64xi32, #tpu.memory_space<vmem>>
          %dma_start3A_220 = tpu.memref_squeeze %dma_start3A_219 : memref<1x64xi32, #tpu.memory_space<vmem>> -> memref<64xi32, #tpu.memory_space<vmem>>
          %dma_start3A_221 = arith.constant 0 : i32
          %dma_start3A_222 = arith.constant 0 : i32
          %dma_start3A_223 = tpu.memref_slice %arg2[%dma_start3A_221, %dma_start3A_222] : memref<20000x128xf32, #tpu.memory_space<hbm>> -> memref<20000x128xf32, #tpu.memory_space<hbm>>
          tpu.enqueue_indirect_dma source(%dma_start3A_223 : memref<20000x128xf32, #tpu.memory_space<hbm>>) target(%dma_start3A_217 : memref<64x128xf32, #tpu.memory_space<vmem>>) offsets(%dma_start3A_220 : memref<64xi32, #tpu.memory_space<vmem>>) semaphore(%arg11 : memref<!tpu.dma_semaphore, #tpu.memory_space<semaphore_mem>>)
          %dma_wait3A_224 = arith.constant 1 : i32
          %dma_wait3A_225 = arith.constant 0 : i32
          %dma_wait3A_226 = arith.constant 0 : i32
          %dma_wait3A_227 = tpu.memref_slice %arg9[%dma_wait3A_224, %dma_wait3A_225, %dma_wait3A_226] : memref<4x64x128xf32, #tpu.memory_space<vmem>> -> memref<1x64x128xf32, #tpu.memory_space<vmem>>
          %dma_wait3A_228 = tpu.memref_squeeze %dma_wait3A_227 : memref<1x64x128xf32, #tpu.memory_space<vmem>> -> memref<64x128xf32, #tpu.memory_space<vmem>>
          %dma_wait3A_229 = arith.constant 0 : i32
          %dma_wait3A_230 = arith.constant 0 : i32
          %dma_wait3A_231 = tpu.memref_slice %arg10[%dma_wait3A_229, %dma_wait3A_230] : memref<10240x128xf32, #tpu.memory_space<vmem_shared>> -> memref<64x128xf32, #tpu.memory_space<vmem_shared>>
          %dma_wait3A_232 = arith.constant 0 : i32
          %dma_wait3A_233 = arith.constant 0 : i32
          %dma_wait3A_234 = tpu.memref_slice %arg10[%dma_wait3A_232, %dma_wait3A_233] : memref<10240x128xf32, #tpu.memory_space<vmem_shared>> -> memref<64x128xf32, #tpu.memory_space<vmem_shared>>
          %dma_wait3A_235 = arith.constant 0 : i32
          %dma_wait3A_236 = arith.constant 0 : i32
          %dma_wait3A_237 = tpu.memref_slice %arg9[%dma_wait3A_224, %dma_wait3A_235, %dma_wait3A_236] : memref<4x64x128xf32, #tpu.memory_space<vmem>> -> memref<1x64x128xf32, #tpu.memory_space<vmem>>
          %dma_wait3A_238 = tpu.memref_squeeze %dma_wait3A_237 : memref<1x64x128xf32, #tpu.memory_space<vmem>> -> memref<64x128xf32, #tpu.memory_space<vmem>>
          tpu.wait_dma2 semaphore(%arg16 : memref<!tpu.dma_semaphore, #tpu.memory_space<semaphore_mem>>) src(%dma_wait3A_238 : memref<64x128xf32, #tpu.memory_space<vmem>>) dst(%dma_wait3A_234 : memref<64x128xf32, #tpu.memory_space<vmem_shared>>)
          %add3A_239 = arith.constant 1 : i32
          %add3A_240 = arith.addi %scan3A_66, %add3A_239 : i32
          %mul3A_241 = arith.constant 4 : i32
          %mul3A_242 = arith.muli %mul3A_241, %add3A_240 : i32
          %add3A_243 = arith.constant 1 : i32
          %add3A_244 = arith.addi %mul3A_242, %add3A_243 : i32
          %dma_start3A_245 = arith.constant 1 : i32
          %dma_start3A_246 = arith.constant 0 : i32
          %dma_start3A_247 = arith.constant 0 : i32
          %dma_start3A_248 = tpu.memref_slice %arg9[%dma_start3A_245, %dma_start3A_246, %dma_start3A_247] : memref<4x64x128xf32, #tpu.memory_space<vmem>> -> memref<1x64x128xf32, #tpu.memory_space<vmem>>
          %dma_start3A_249 = tpu.memref_squeeze %dma_start3A_248 : memref<1x64x128xf32, #tpu.memory_space<vmem>> -> memref<64x128xf32, #tpu.memory_space<vmem>>
          %dma_start3A_250 = arith.constant 0 : i32
          %dma_start3A_251 = tpu.memref_slice %arg7[%add3A_244, %dma_start3A_250] : memref<40x64xi32, #tpu.memory_space<vmem>> -> memref<1x64xi32, #tpu.memory_space<vmem>>
          %dma_start3A_252 = tpu.memref_squeeze %dma_start3A_251 : memref<1x64xi32, #tpu.memory_space<vmem>> -> memref<64xi32, #tpu.memory_space<vmem>>
          %dma_start3A_253 = arith.constant 0 : i32
          %dma_start3A_254 = arith.constant 0 : i32
          %dma_start3A_255 = tpu.memref_slice %arg2[%dma_start3A_253, %dma_start3A_254] : memref<20000x128xf32, #tpu.memory_space<hbm>> -> memref<20000x128xf32, #tpu.memory_space<hbm>>
          tpu.enqueue_indirect_dma source(%dma_start3A_255 : memref<20000x128xf32, #tpu.memory_space<hbm>>) target(%dma_start3A_249 : memref<64x128xf32, #tpu.memory_space<vmem>>) offsets(%dma_start3A_252 : memref<64xi32, #tpu.memory_space<vmem>>) semaphore(%arg12 : memref<!tpu.dma_semaphore, #tpu.memory_space<semaphore_mem>>)
          %dma_wait3A_256 = arith.constant 2 : i32
          %dma_wait3A_257 = arith.constant 0 : i32
          %dma_wait3A_258 = arith.constant 0 : i32
          %dma_wait3A_259 = tpu.memref_slice %arg9[%dma_wait3A_256, %dma_wait3A_257, %dma_wait3A_258] : memref<4x64x128xf32, #tpu.memory_space<vmem>> -> memref<1x64x128xf32, #tpu.memory_space<vmem>>
          %dma_wait3A_260 = tpu.memref_squeeze %dma_wait3A_259 : memref<1x64x128xf32, #tpu.memory_space<vmem>> -> memref<64x128xf32, #tpu.memory_space<vmem>>
          %dma_wait3A_261 = arith.constant 0 : i32
          %dma_wait3A_262 = arith.constant 0 : i32
          %dma_wait3A_263 = tpu.memref_slice %arg10[%dma_wait3A_261, %dma_wait3A_262] : memref<10240x128xf32, #tpu.memory_space<vmem_shared>> -> memref<64x128xf32, #tpu.memory_space<vmem_shared>>
          %dma_wait3A_264 = arith.constant 0 : i32
          %dma_wait3A_265 = arith.constant 0 : i32
          %dma_wait3A_266 = tpu.memref_slice %arg10[%dma_wait3A_264, %dma_wait3A_265] : memref<10240x128xf32, #tpu.memory_space<vmem_shared>> -> memref<64x128xf32, #tpu.memory_space<vmem_shared>>
          %dma_wait3A_267 = arith.constant 0 : i32
          %dma_wait3A_268 = arith.constant 0 : i32
          %dma_wait3A_269 = tpu.memref_slice %arg9[%dma_wait3A_256, %dma_wait3A_267, %dma_wait3A_268] : memref<4x64x128xf32, #tpu.memory_space<vmem>> -> memref<1x64x128xf32, #tpu.memory_space<vmem>>
          %dma_wait3A_270 = tpu.memref_squeeze %dma_wait3A_269 : memref<1x64x128xf32, #tpu.memory_space<vmem>> -> memref<64x128xf32, #tpu.memory_space<vmem>>
          tpu.wait_dma2 semaphore(%arg17 : memref<!tpu.dma_semaphore, #tpu.memory_space<semaphore_mem>>) src(%dma_wait3A_270 : memref<64x128xf32, #tpu.memory_space<vmem>>) dst(%dma_wait3A_266 : memref<64x128xf32, #tpu.memory_space<vmem_shared>>)
          %add3A_271 = arith.constant 1 : i32
          %add3A_272 = arith.addi %scan3A_66, %add3A_271 : i32
          %mul3A_273 = arith.constant 4 : i32
          %mul3A_274 = arith.muli %mul3A_273, %add3A_272 : i32
          %add3A_275 = arith.constant 2 : i32
          %add3A_276 = arith.addi %mul3A_274, %add3A_275 : i32
          %dma_start3A_277 = arith.constant 2 : i32
          %dma_start3A_278 = arith.constant 0 : i32
          %dma_start3A_279 = arith.constant 0 : i32
          %dma_start3A_280 = tpu.memref_slice %arg9[%dma_start3A_277, %dma_start3A_278, %dma_start3A_279] : memref<4x64x128xf32, #tpu.memory_space<vmem>> -> memref<1x64x128xf32, #tpu.memory_space<vmem>>
          %dma_start3A_281 = tpu.memref_squeeze %dma_start3A_280 : memref<1x64x128xf32, #tpu.memory_space<vmem>> -> memref<64x128xf32, #tpu.memory_space<vmem>>
          %dma_start3A_282 = arith.constant 0 : i32
          %dma_start3A_283 = tpu.memref_slice %arg7[%add3A_276, %dma_start3A_282] : memref<40x64xi32, #tpu.memory_space<vmem>> -> memref<1x64xi32, #tpu.memory_space<vmem>>
          %dma_start3A_284 = tpu.memref_squeeze %dma_start3A_283 : memref<1x64xi32, #tpu.memory_space<vmem>> -> memref<64xi32, #tpu.memory_space<vmem>>
          %dma_start3A_285 = arith.constant 0 : i32
          %dma_start3A_286 = arith.constant 0 : i32
          %dma_start3A_287 = tpu.memref_slice %arg2[%dma_start3A_285, %dma_start3A_286] : memref<20000x128xf32, #tpu.memory_space<hbm>> -> memref<20000x128xf32, #tpu.memory_space<hbm>>
          tpu.enqueue_indirect_dma source(%dma_start3A_287 : memref<20000x128xf32, #tpu.memory_space<hbm>>) target(%dma_start3A_281 : memref<64x128xf32, #tpu.memory_space<vmem>>) offsets(%dma_start3A_284 : memref<64xi32, #tpu.memory_space<vmem>>) semaphore(%arg13 : memref<!tpu.dma_semaphore, #tpu.memory_space<semaphore_mem>>)
          %dma_wait3A_288 = arith.constant 3 : i32
          %dma_wait3A_289 = arith.constant 0 : i32
          %dma_wait3A_290 = arith.constant 0 : i32
          %dma_wait3A_291 = tpu.memref_slice %arg9[%dma_wait3A_288, %dma_wait3A_289, %dma_wait3A_290] : memref<4x64x128xf32, #tpu.memory_space<vmem>> -> memref<1x64x128xf32, #tpu.memory_space<vmem>>
          %dma_wait3A_292 = tpu.memref_squeeze %dma_wait3A_291 : memref<1x64x128xf32, #tpu.memory_space<vmem>> -> memref<64x128xf32, #tpu.memory_space<vmem>>
          %dma_wait3A_293 = arith.constant 0 : i32
          %dma_wait3A_294 = arith.constant 0 : i32
          %dma_wait3A_295 = tpu.memref_slice %arg10[%dma_wait3A_293, %dma_wait3A_294] : memref<10240x128xf32, #tpu.memory_space<vmem_shared>> -> memref<64x128xf32, #tpu.memory_space<vmem_shared>>
          %dma_wait3A_296 = arith.constant 0 : i32
          %dma_wait3A_297 = arith.constant 0 : i32
          %dma_wait3A_298 = tpu.memref_slice %arg10[%dma_wait3A_296, %dma_wait3A_297] : memref<10240x128xf32, #tpu.memory_space<vmem_shared>> -> memref<64x128xf32, #tpu.memory_space<vmem_shared>>
          %dma_wait3A_299 = arith.constant 0 : i32
          %dma_wait3A_300 = arith.constant 0 : i32
          %dma_wait3A_301 = tpu.memref_slice %arg9[%dma_wait3A_288, %dma_wait3A_299, %dma_wait3A_300] : memref<4x64x128xf32, #tpu.memory_space<vmem>> -> memref<1x64x128xf32, #tpu.memory_space<vmem>>
          %dma_wait3A_302 = tpu.memref_squeeze %dma_wait3A_301 : memref<1x64x128xf32, #tpu.memory_space<vmem>> -> memref<64x128xf32, #tpu.memory_space<vmem>>
          tpu.wait_dma2 semaphore(%arg18 : memref<!tpu.dma_semaphore, #tpu.memory_space<semaphore_mem>>) src(%dma_wait3A_302 : memref<64x128xf32, #tpu.memory_space<vmem>>) dst(%dma_wait3A_298 : memref<64x128xf32, #tpu.memory_space<vmem_shared>>)
          %add3A_303 = arith.constant 1 : i32
          %add3A_304 = arith.addi %scan3A_66, %add3A_303 : i32
          %mul3A_305 = arith.constant 4 : i32
          %mul3A_306 = arith.muli %mul3A_305, %add3A_304 : i32
          %add3A_307 = arith.constant 3 : i32
          %add3A_308 = arith.addi %mul3A_306, %add3A_307 : i32
          %dma_start3A_309 = arith.constant 3 : i32
          %dma_start3A_310 = arith.constant 0 : i32
          %dma_start3A_311 = arith.constant 0 : i32
          %dma_start3A_312 = tpu.memref_slice %arg9[%dma_start3A_309, %dma_start3A_310, %dma_start3A_311] : memref<4x64x128xf32, #tpu.memory_space<vmem>> -> memref<1x64x128xf32, #tpu.memory_space<vmem>>
          %dma_start3A_313 = tpu.memref_squeeze %dma_start3A_312 : memref<1x64x128xf32, #tpu.memory_space<vmem>> -> memref<64x128xf32, #tpu.memory_space<vmem>>
          %dma_start3A_314 = arith.constant 0 : i32
          %dma_start3A_315 = tpu.memref_slice %arg7[%add3A_308, %dma_start3A_314] : memref<40x64xi32, #tpu.memory_space<vmem>> -> memref<1x64xi32, #tpu.memory_space<vmem>>
          %dma_start3A_316 = tpu.memref_squeeze %dma_start3A_315 : memref<1x64xi32, #tpu.memory_space<vmem>> -> memref<64xi32, #tpu.memory_space<vmem>>
          %dma_start3A_317 = arith.constant 0 : i32
          %dma_start3A_318 = arith.constant 0 : i32
          %dma_start3A_319 = tpu.memref_slice %arg2[%dma_start3A_317, %dma_start3A_318] : memref<20000x128xf32, #tpu.memory_space<hbm>> -> memref<20000x128xf32, #tpu.memory_space<hbm>>
          tpu.enqueue_indirect_dma source(%dma_start3A_319 : memref<20000x128xf32, #tpu.memory_space<hbm>>) target(%dma_start3A_313 : memref<64x128xf32, #tpu.memory_space<vmem>>) offsets(%dma_start3A_316 : memref<64xi32, #tpu.memory_space<vmem>>) semaphore(%arg14 : memref<!tpu.dma_semaphore, #tpu.memory_space<semaphore_mem>>)
        } else {
        }
        %eq3A = arith.constant 9 : i32
        %eq3A_188 = arith.cmpi eq, %scan3A_66, %eq3A : i32
        %convert_element_type3A_189 = arith.extui %eq3A_188 : i1 to i32
        %cond3A_190 = arith.constant 0 : i32
        %cond3A_191 = arith.cmpi ne, %convert_element_type3A_189, %cond3A_190 : i32
        scf.if %cond3A_191 {
          %dma_wait3A_192 = arith.constant 0 : i32
          %dma_wait3A_193 = arith.constant 0 : i32
          %dma_wait3A_194 = arith.constant 0 : i32
          %dma_wait3A_195 = tpu.memref_slice %arg9[%dma_wait3A_192, %dma_wait3A_193, %dma_wait3A_194] : memref<4x64x128xf32, #tpu.memory_space<vmem>> -> memref<1x64x128xf32, #tpu.memory_space<vmem>>
          %dma_wait3A_196 = tpu.memref_squeeze %dma_wait3A_195 : memref<1x64x128xf32, #tpu.memory_space<vmem>> -> memref<64x128xf32, #tpu.memory_space<vmem>>
          %dma_wait3A_197 = arith.constant 0 : i32
          %dma_wait3A_198 = arith.constant 0 : i32
          %dma_wait3A_199 = tpu.memref_slice %arg10[%dma_wait3A_197, %dma_wait3A_198] : memref<10240x128xf32, #tpu.memory_space<vmem_shared>> -> memref<64x128xf32, #tpu.memory_space<vmem_shared>>
          %dma_wait3A_200 = arith.constant 0 : i32
          %dma_wait3A_201 = arith.constant 0 : i32
          %dma_wait3A_202 = tpu.memref_slice %arg10[%dma_wait3A_200, %dma_wait3A_201] : memref<10240x128xf32, #tpu.memory_space<vmem_shared>> -> memref<64x128xf32, #tpu.memory_space<vmem_shared>>
          %dma_wait3A_203 = arith.constant 0 : i32
          %dma_wait3A_204 = arith.constant 0 : i32
          %dma_wait3A_205 = tpu.memref_slice %arg9[%dma_wait3A_192, %dma_wait3A_203, %dma_wait3A_204] : memref<4x64x128xf32, #tpu.memory_space<vmem>> -> memref<1x64x128xf32, #tpu.memory_space<vmem>>
          %dma_wait3A_206 = tpu.memref_squeeze %dma_wait3A_205 : memref<1x64x128xf32, #tpu.memory_space<vmem>> -> memref<64x128xf32, #tpu.memory_space<vmem>>
          tpu.wait_dma2 semaphore(%arg15 : memref<!tpu.dma_semaphore, #tpu.memory_space<semaphore_mem>>) src(%dma_wait3A_206 : memref<64x128xf32, #tpu.memory_space<vmem>>) dst(%dma_wait3A_202 : memref<64x128xf32, #tpu.memory_space<vmem_shared>>)
          %dma_wait3A_207 = arith.constant 1 : i32
          %dma_wait3A_208 = arith.constant 0 : i32
          %dma_wait3A_209 = arith.constant 0 : i32
          %dma_wait3A_210 = tpu.memref_slice %arg9[%dma_wait3A_207, %dma_wait3A_208, %dma_wait3A_209] : memref<4x64x128xf32, #tpu.memory_space<vmem>> -> memref<1x64x128xf32, #tpu.memory_space<vmem>>
          %dma_wait3A_211 = tpu.memref_squeeze %dma_wait3A_210 : memref<1x64x128xf32, #tpu.memory_space<vmem>> -> memref<64x128xf32, #tpu.memory_space<vmem>>
          %dma_wait3A_212 = arith.constant 0 : i32
          %dma_wait3A_213 = arith.constant 0 : i32
          %dma_wait3A_214 = tpu.memref_slice %arg10[%dma_wait3A_212, %dma_wait3A_213] : memref<10240x128xf32, #tpu.memory_space<vmem_shared>> -> memref<64x128xf32, #tpu.memory_space<vmem_shared>>
          %dma_wait3A_215 = arith.constant 0 : i32
          %dma_wait3A_216 = arith.constant 0 : i32
          %dma_wait3A_217 = tpu.memref_slice %arg10[%dma_wait3A_215, %dma_wait3A_216] : memref<10240x128xf32, #tpu.memory_space<vmem_shared>> -> memref<64x128xf32, #tpu.memory_space<vmem_shared>>
          %dma_wait3A_218 = arith.constant 0 : i32
          %dma_wait3A_219 = arith.constant 0 : i32
          %dma_wait3A_220 = tpu.memref_slice %arg9[%dma_wait3A_207, %dma_wait3A_218, %dma_wait3A_219] : memref<4x64x128xf32, #tpu.memory_space<vmem>> -> memref<1x64x128xf32, #tpu.memory_space<vmem>>
          %dma_wait3A_221 = tpu.memref_squeeze %dma_wait3A_220 : memref<1x64x128xf32, #tpu.memory_space<vmem>> -> memref<64x128xf32, #tpu.memory_space<vmem>>
          tpu.wait_dma2 semaphore(%arg16 : memref<!tpu.dma_semaphore, #tpu.memory_space<semaphore_mem>>) src(%dma_wait3A_221 : memref<64x128xf32, #tpu.memory_space<vmem>>) dst(%dma_wait3A_217 : memref<64x128xf32, #tpu.memory_space<vmem_shared>>)
          %dma_wait3A_222 = arith.constant 2 : i32
          %dma_wait3A_223 = arith.constant 0 : i32
          %dma_wait3A_224 = arith.constant 0 : i32
          %dma_wait3A_225 = tpu.memref_slice %arg9[%dma_wait3A_222, %dma_wait3A_223, %dma_wait3A_224] : memref<4x64x128xf32, #tpu.memory_space<vmem>> -> memref<1x64x128xf32, #tpu.memory_space<vmem>>
          %dma_wait3A_226 = tpu.memref_squeeze %dma_wait3A_225 : memref<1x64x128xf32, #tpu.memory_space<vmem>> -> memref<64x128xf32, #tpu.memory_space<vmem>>
          %dma_wait3A_227 = arith.constant 0 : i32
          %dma_wait3A_228 = arith.constant 0 : i32
          %dma_wait3A_229 = tpu.memref_slice %arg10[%dma_wait3A_227, %dma_wait3A_228] : memref<10240x128xf32, #tpu.memory_space<vmem_shared>> -> memref<64x128xf32, #tpu.memory_space<vmem_shared>>
          %dma_wait3A_230 = arith.constant 0 : i32
          %dma_wait3A_231 = arith.constant 0 : i32
          %dma_wait3A_232 = tpu.memref_slice %arg10[%dma_wait3A_230, %dma_wait3A_231] : memref<10240x128xf32, #tpu.memory_space<vmem_shared>> -> memref<64x128xf32, #tpu.memory_space<vmem_shared>>
          %dma_wait3A_233 = arith.constant 0 : i32
          %dma_wait3A_234 = arith.constant 0 : i32
          %dma_wait3A_235 = tpu.memref_slice %arg9[%dma_wait3A_222, %dma_wait3A_233, %dma_wait3A_234] : memref<4x64x128xf32, #tpu.memory_space<vmem>> -> memref<1x64x128xf32, #tpu.memory_space<vmem>>
          %dma_wait3A_236 = tpu.memref_squeeze %dma_wait3A_235 : memref<1x64x128xf32, #tpu.memory_space<vmem>> -> memref<64x128xf32, #tpu.memory_space<vmem>>
          tpu.wait_dma2 semaphore(%arg17 : memref<!tpu.dma_semaphore, #tpu.memory_space<semaphore_mem>>) src(%dma_wait3A_236 : memref<64x128xf32, #tpu.memory_space<vmem>>) dst(%dma_wait3A_232 : memref<64x128xf32, #tpu.memory_space<vmem_shared>>)
          %dma_wait3A_237 = arith.constant 3 : i32
          %dma_wait3A_238 = arith.constant 0 : i32
          %dma_wait3A_239 = arith.constant 0 : i32
          %dma_wait3A_240 = tpu.memref_slice %arg9[%dma_wait3A_237, %dma_wait3A_238, %dma_wait3A_239] : memref<4x64x128xf32, #tpu.memory_space<vmem>> -> memref<1x64x128xf32, #tpu.memory_space<vmem>>
          %dma_wait3A_241 = tpu.memref_squeeze %dma_wait3A_240 : memref<1x64x128xf32, #tpu.memory_space<vmem>> -> memref<64x128xf32, #tpu.memory_space<vmem>>
          %dma_wait3A_242 = arith.constant 0 : i32
          %dma_wait3A_243 = arith.constant 0 : i32
          %dma_wait3A_244 = tpu.memref_slice %arg10[%dma_wait3A_242, %dma_wait3A_243] : memref<10240x128xf32, #tpu.memory_space<vmem_shared>> -> memref<64x128xf32, #tpu.memory_space<vmem_shared>>
          %dma_wait3A_245 = arith.constant 0 : i32
          %dma_wait3A_246 = arith.constant 0 : i32
          %dma_wait3A_247 = tpu.memref_slice %arg10[%dma_wait3A_245, %dma_wait3A_246] : memref<10240x128xf32, #tpu.memory_space<vmem_shared>> -> memref<64x128xf32, #tpu.memory_space<vmem_shared>>
          %dma_wait3A_248 = arith.constant 0 : i32
          %dma_wait3A_249 = arith.constant 0 : i32
          %dma_wait3A_250 = tpu.memref_slice %arg9[%dma_wait3A_237, %dma_wait3A_248, %dma_wait3A_249] : memref<4x64x128xf32, #tpu.memory_space<vmem>> -> memref<1x64x128xf32, #tpu.memory_space<vmem>>
          %dma_wait3A_251 = tpu.memref_squeeze %dma_wait3A_250 : memref<1x64x128xf32, #tpu.memory_space<vmem>> -> memref<64x128xf32, #tpu.memory_space<vmem>>
          tpu.wait_dma2 semaphore(%arg18 : memref<!tpu.dma_semaphore, #tpu.memory_space<semaphore_mem>>) src(%dma_wait3A_251 : memref<64x128xf32, #tpu.memory_space<vmem>>) dst(%dma_wait3A_247 : memref<64x128xf32, #tpu.memory_space<vmem_shared>>)
        } else {
        }
      }
      %scan3A_65 = arith.constant 10 : i32
    }
    %scan3A_7 = arith.constant 8 : i32
    %barrier3A_8 = arith.constant 0 : index
    tpu.barrier barrier_id(%barrier3A_8)
    "tpu.region"() ({
      %run_scoped3A = tpu.sem_alloc : memref<!tpu.dma_semaphore, #tpu.memory_space<semaphore_mem>>
      %dma_start3A = arith.constant 0 : i32
      %dma_start3A_9 = arith.constant 0 : i32
      %dma_start3A_10 = tpu.memref_slice %arg6[%arg0, %dma_start3A, %dma_start3A_9] : memref<2x10240x128xf32, #tpu.memory_space<hbm>> -> memref<1x10240x128xf32, #tpu.memory_space<hbm>>
      %dma_start3A_11 = tpu.memref_squeeze %dma_start3A_10 : memref<1x10240x128xf32, #tpu.memory_space<hbm>> -> memref<10240x128xf32, #tpu.memory_space<hbm>>
      %dma_start3A_12 = arith.constant 0 : i32
      %dma_start3A_13 = tpu.memref_slice %dma_start3A_11[%multiple_of3A, %dma_start3A_12] : memref<10240x128xf32, #tpu.memory_space<hbm>> -> memref<640x128xf32, #tpu.memory_space<hbm>>
      %dma_start3A_14 = arith.constant 0 : i32
      %dma_start3A_15 = tpu.memref_slice %arg10[%multiple_of3A, %dma_start3A_14] : memref<10240x128xf32, #tpu.memory_space<vmem_shared>> -> memref<640x128xf32, #tpu.memory_space<vmem_shared>>
      tpu.enqueue_dma source(%dma_start3A_15 : memref<640x128xf32, #tpu.memory_space<vmem_shared>>) target(%dma_start3A_13 : memref<640x128xf32, #tpu.memory_space<hbm>>) target_semaphore(%run_scoped3A : memref<!tpu.dma_semaphore, #tpu.memory_space<semaphore_mem>>)
      %dma_wait3A = arith.constant 0 : i32
      %dma_wait3A_16 = arith.constant 0 : i32
      %dma_wait3A_17 = tpu.memref_slice %arg6[%arg0, %dma_wait3A, %dma_wait3A_16] : memref<2x10240x128xf32, #tpu.memory_space<hbm>> -> memref<1x10240x128xf32, #tpu.memory_space<hbm>>
      %dma_wait3A_18 = tpu.memref_squeeze %dma_wait3A_17 : memref<1x10240x128xf32, #tpu.memory_space<hbm>> -> memref<10240x128xf32, #tpu.memory_space<hbm>>
      %dma_wait3A_19 = arith.constant 0 : i32
      %dma_wait3A_20 = tpu.memref_slice %dma_wait3A_18[%multiple_of3A, %dma_wait3A_19] : memref<10240x128xf32, #tpu.memory_space<hbm>> -> memref<640x128xf32, #tpu.memory_space<hbm>>
      %dma_wait3A_21 = arith.constant 0 : i32
      %dma_wait3A_22 = tpu.memref_slice %arg10[%multiple_of3A, %dma_wait3A_21] : memref<10240x128xf32, #tpu.memory_space<vmem_shared>> -> memref<640x128xf32, #tpu.memory_space<vmem_shared>>
      tpu.wait_dma2 semaphore(%run_scoped3A : memref<!tpu.dma_semaphore, #tpu.memory_space<semaphore_mem>>) src(%dma_wait3A_22 : memref<640x128xf32, #tpu.memory_space<vmem_shared>>) dst(%dma_wait3A_20 : memref<640x128xf32, #tpu.memory_space<hbm>>)
      tpu.yield
    }) : () -> ()
    return
  }
}

#map = affine_map<(d0, d1) -> (0, 0, 0)>
#map1 = affine_map<(d0, d1) -> (0)>
#map2 = affine_map<(d0, d1) -> (0, 0)>
module attributes {stable_mosaic.version = 14 : i64} {
  func.func @_deg_kernel(%arg0: i32, %arg1: i32, %arg2: memref<32x160x128xi32, #tpu.memory_space<hbm>>, %arg3: memref<128xf32, #tpu.memory_space<hbm>>, %arg4: memref<10240xf32, #tpu.memory_space<hbm>>, %arg5: memref<2x10240xf32, #tpu.memory_space<hbm>>, %arg6: memref<160x128xi32, #tpu.memory_space<vmem>>, %arg7: memref<128xf32, #tpu.memory_space<vmem>>, %arg8: memref<10240xf32, #tpu.memory_space<vmem_shared>>) attributes {dimension_semantics = [#tpu.dimension_semantics<core_parallel>, #tpu.dimension_semantics<subcore_parallel>], iteration_bounds = array<i64: 2, 16>, scalar_prefetch = 0 : i64, scratch_operands = 3 : i64, tpu.core_type = #tpu.core_type<sc_vector_subcore>, window_params = [{transform_indices = #map}, {transform_indices = #map1}, {transform_indices = #map1}, {transform_indices = #map2}]} {
    %mul3A = arith.constant 16 : i32
    %mul3A_0 = arith.muli %arg0, %mul3A : i32
    %add3A = arith.addi %mul3A_0, %arg1 : i32
    "tpu.region"() ({
      %run_scoped3A = tpu.sem_alloc : memref<!tpu.dma_semaphore, #tpu.memory_space<semaphore_mem>>
      %dma_start3A = arith.constant 0 : i32
      %dma_start3A_14 = arith.constant 0 : i32
      %dma_start3A_15 = tpu.memref_slice %arg2[%add3A, %dma_start3A, %dma_start3A_14] : memref<32x160x128xi32, #tpu.memory_space<hbm>> -> memref<1x160x128xi32, #tpu.memory_space<hbm>>
      %dma_start3A_16 = tpu.memref_squeeze %dma_start3A_15 : memref<1x160x128xi32, #tpu.memory_space<hbm>> -> memref<160x128xi32, #tpu.memory_space<hbm>>
      %dma_start3A_17 = arith.constant 0 : i32
      %dma_start3A_18 = arith.constant 0 : i32
      %dma_start3A_19 = tpu.memref_slice %arg2[%add3A, %dma_start3A_17, %dma_start3A_18] : memref<32x160x128xi32, #tpu.memory_space<hbm>> -> memref<1x160x128xi32, #tpu.memory_space<hbm>>
      %dma_start3A_20 = tpu.memref_squeeze %dma_start3A_19 : memref<1x160x128xi32, #tpu.memory_space<hbm>> -> memref<160x128xi32, #tpu.memory_space<hbm>>
      tpu.enqueue_dma source(%dma_start3A_20 : memref<160x128xi32, #tpu.memory_space<hbm>>) target(%arg6 : memref<160x128xi32, #tpu.memory_space<vmem>>) target_semaphore(%run_scoped3A : memref<!tpu.dma_semaphore, #tpu.memory_space<semaphore_mem>>)
      %dma_wait3A = arith.constant 0 : i32
      %dma_wait3A_21 = arith.constant 0 : i32
      %dma_wait3A_22 = tpu.memref_slice %arg2[%add3A, %dma_wait3A, %dma_wait3A_21] : memref<32x160x128xi32, #tpu.memory_space<hbm>> -> memref<1x160x128xi32, #tpu.memory_space<hbm>>
      %dma_wait3A_23 = tpu.memref_squeeze %dma_wait3A_22 : memref<1x160x128xi32, #tpu.memory_space<hbm>> -> memref<160x128xi32, #tpu.memory_space<hbm>>
      %dma_wait3A_24 = arith.constant 0 : i32
      %dma_wait3A_25 = arith.constant 0 : i32
      %dma_wait3A_26 = tpu.memref_slice %arg2[%add3A, %dma_wait3A_24, %dma_wait3A_25] : memref<32x160x128xi32, #tpu.memory_space<hbm>> -> memref<1x160x128xi32, #tpu.memory_space<hbm>>
      %dma_wait3A_27 = tpu.memref_squeeze %dma_wait3A_26 : memref<1x160x128xi32, #tpu.memory_space<hbm>> -> memref<160x128xi32, #tpu.memory_space<hbm>>
      tpu.wait_dma2 semaphore(%run_scoped3A : memref<!tpu.dma_semaphore, #tpu.memory_space<semaphore_mem>>) src(%dma_wait3A_27 : memref<160x128xi32, #tpu.memory_space<hbm>>) dst(%arg6 : memref<160x128xi32, #tpu.memory_space<vmem>>)
      tpu.yield
    }) : () -> ()
    "tpu.region"() ({
      %run_scoped3A = tpu.sem_alloc : memref<!tpu.dma_semaphore, #tpu.memory_space<semaphore_mem>>
      tpu.enqueue_dma source(%arg3 : memref<128xf32, #tpu.memory_space<hbm>>) target(%arg7 : memref<128xf32, #tpu.memory_space<vmem>>) target_semaphore(%run_scoped3A : memref<!tpu.dma_semaphore, #tpu.memory_space<semaphore_mem>>)
      tpu.wait_dma2 semaphore(%run_scoped3A : memref<!tpu.dma_semaphore, #tpu.memory_space<semaphore_mem>>) src(%arg3 : memref<128xf32, #tpu.memory_space<hbm>>) dst(%arg7 : memref<128xf32, #tpu.memory_space<vmem>>)
      tpu.yield
    }) : () -> ()
    %eq3A = arith.constant 0 : i32
    %eq3A_1 = arith.cmpi eq, %arg1, %eq3A : i32
    %convert_element_type3A = arith.extui %eq3A_1 : i1 to i32
    %cond3A = arith.constant 0 : i32
    %cond3A_2 = arith.cmpi ne, %convert_element_type3A, %cond3A : i32
    scf.if %cond3A_2 {
      "tpu.region"() ({
        %run_scoped3A = tpu.sem_alloc : memref<!tpu.dma_semaphore, #tpu.memory_space<semaphore_mem>>
        tpu.enqueue_dma source(%arg4 : memref<10240xf32, #tpu.memory_space<hbm>>) target(%arg8 : memref<10240xf32, #tpu.memory_space<vmem_shared>>) target_semaphore(%run_scoped3A : memref<!tpu.dma_semaphore, #tpu.memory_space<semaphore_mem>>)
        tpu.wait_dma2 semaphore(%run_scoped3A : memref<!tpu.dma_semaphore, #tpu.memory_space<semaphore_mem>>) src(%arg4 : memref<10240xf32, #tpu.memory_space<hbm>>) dst(%arg8 : memref<10240xf32, #tpu.memory_space<vmem_shared>>)
        tpu.yield
      }) : () -> ()
    } else {
    }
    %barrier3A = arith.constant 0 : index
    tpu.barrier barrier_id(%barrier3A)
    %scan3A = arith.constant 0 : i32
    %scan3A_3 = arith.constant 0 : i32
    %scan3A_4 = arith.constant 160 : i32
    %scan3A_5 = arith.addi %scan3A_3, %scan3A_4 : i32
    %scan3A_6 = arith.constant 1 : i32
    scf.for %scan3A_14 = %scan3A_3 to %scan3A_5 step %scan3A_6  : i32 {
      "tpu.region"() ({
        %run_scoped3A = tpu.sem_alloc : memref<!tpu.dma_semaphore, #tpu.memory_space<semaphore_mem>>
        %dma_start3A = arith.constant 0 : i32
        %dma_start3A_15 = tpu.memref_slice %arg6[%scan3A_14, %dma_start3A] : memref<160x128xi32, #tpu.memory_space<vmem>> -> memref<1x128xi32, #tpu.memory_space<vmem>>
        %dma_start3A_16 = tpu.memref_squeeze %dma_start3A_15 : memref<1x128xi32, #tpu.memory_space<vmem>> -> memref<128xi32, #tpu.memory_space<vmem>>
        %dma_start3A_17 = arith.constant 0 : i32
        %dma_start3A_18 = tpu.memref_slice %arg8[%dma_start3A_17] : memref<10240xf32, #tpu.memory_space<vmem_shared>> -> memref<10240xf32, #tpu.memory_space<vmem_shared>>
        tpu.enqueue_indirect_dma source(%arg7 : memref<128xf32, #tpu.memory_space<vmem>>) target(%dma_start3A_18 : memref<10240xf32, #tpu.memory_space<vmem_shared>>) offsets(%dma_start3A_16 : memref<128xi32, #tpu.memory_space<vmem>>) semaphore(%run_scoped3A : memref<!tpu.dma_semaphore, #tpu.memory_space<semaphore_mem>>) {add = true}
        %dma_wait3A = arith.constant 0 : i32
        %dma_wait3A_19 = tpu.memref_slice %arg6[%scan3A_14, %dma_wait3A] : memref<160x128xi32, #tpu.memory_space<vmem>> -> memref<1x128xi32, #tpu.memory_space<vmem>>
        %dma_wait3A_20 = tpu.memref_squeeze %dma_wait3A_19 : memref<1x128xi32, #tpu.memory_space<vmem>> -> memref<128xi32, #tpu.memory_space<vmem>>
        %dma_wait3A_21 = arith.constant 0 : i32
        %dma_wait3A_22 = tpu.memref_slice %arg8[%dma_wait3A_21] : memref<10240xf32, #tpu.memory_space<vmem_shared>> -> memref<10240xf32, #tpu.memory_space<vmem_shared>>
        tpu.wait_indirect_dma semaphore(%run_scoped3A : memref<!tpu.dma_semaphore, #tpu.memory_space<semaphore_mem>>) src(%arg7 : memref<128xf32, #tpu.memory_space<vmem>>) dst(%dma_wait3A_22 : memref<10240xf32, #tpu.memory_space<vmem_shared>>)
        tpu.yield
      }) : () -> ()
    }
    %scan3A_7 = arith.constant 160 : i32
    %barrier3A_8 = arith.constant 0 : index
    tpu.barrier barrier_id(%barrier3A_8)
    %eq3A_9 = arith.constant 0 : i32
    %eq3A_10 = arith.cmpi eq, %arg1, %eq3A_9 : i32
    %convert_element_type3A_11 = arith.extui %eq3A_10 : i1 to i32
    %cond3A_12 = arith.constant 0 : i32
    %cond3A_13 = arith.cmpi ne, %convert_element_type3A_11, %cond3A_12 : i32
    scf.if %cond3A_13 {
      "tpu.region"() ({
        %run_scoped3A = tpu.sem_alloc : memref<!tpu.dma_semaphore, #tpu.memory_space<semaphore_mem>>
        %dma_start3A = arith.constant 0 : i32
        %dma_start3A_14 = tpu.memref_slice %arg5[%arg0, %dma_start3A] : memref<2x10240xf32, #tpu.memory_space<hbm>> -> memref<1x10240xf32, #tpu.memory_space<hbm>>
        %dma_start3A_15 = tpu.memref_squeeze %dma_start3A_14 : memref<1x10240xf32, #tpu.memory_space<hbm>> -> memref<10240xf32, #tpu.memory_space<hbm>>
        tpu.enqueue_dma source(%arg8 : memref<10240xf32, #tpu.memory_space<vmem_shared>>) target(%dma_start3A_15 : memref<10240xf32, #tpu.memory_space<hbm>>) target_semaphore(%run_scoped3A : memref<!tpu.dma_semaphore, #tpu.memory_space<semaphore_mem>>)
        %dma_wait3A = arith.constant 0 : i32
        %dma_wait3A_16 = tpu.memref_slice %arg5[%arg0, %dma_wait3A] : memref<2x10240xf32, #tpu.memory_space<hbm>> -> memref<1x10240xf32, #tpu.memory_space<hbm>>
        %dma_wait3A_17 = tpu.memref_squeeze %dma_wait3A_16 : memref<1x10240xf32, #tpu.memory_space<hbm>> -> memref<10240xf32, #tpu.memory_space<hbm>>
        tpu.wait_dma2 semaphore(%run_scoped3A : memref<!tpu.dma_semaphore, #tpu.memory_space<semaphore_mem>>) src(%arg8 : memref<10240xf32, #tpu.memory_space<vmem_shared>>) dst(%dma_wait3A_17 : memref<10240xf32, #tpu.memory_space<hbm>>)
        tpu.yield
      }) : () -> ()
    } else {
    }
    return
  }
}

#map = affine_map<(d0, d1) -> (0, 0)>
#map1 = affine_map<(d0, d1) -> (0, 0, 0)>
module attributes {stable_mosaic.version = 14 : i64} {
  func.func @_agg_kernel(%arg0: i32, %arg1: i32, %arg2: memref<20000x128xf32, #tpu.memory_space<hbm>>, %arg3: memref<32x320x64xi32, #tpu.memory_space<hbm>>, %arg4: memref<32x320x64xi32, #tpu.memory_space<hbm>>, %arg5: memref<10240x128xf32, #tpu.memory_space<hbm>>, %arg6: memref<2x10240x128xf32, #tpu.memory_space<hbm>>, %arg7: memref<40x64xi32, #tpu.memory_space<vmem>>, %arg8: memref<40x64xi32, #tpu.memory_space<vmem>>, %arg9: memref<4x64x128xf32, #tpu.memory_space<vmem>>, %arg10: memref<10240x128xf32, #tpu.memory_space<vmem_shared>>, %arg11: memref<!tpu.dma_semaphore, #tpu.memory_space<semaphore_mem>>, %arg12: memref<!tpu.dma_semaphore, #tpu.memory_space<semaphore_mem>>, %arg13: memref<!tpu.dma_semaphore, #tpu.memory_space<semaphore_mem>>, %arg14: memref<!tpu.dma_semaphore, #tpu.memory_space<semaphore_mem>>, %arg15: memref<!tpu.dma_semaphore, #tpu.memory_space<semaphore_mem>>, %arg16: memref<!tpu.dma_semaphore, #tpu.memory_space<semaphore_mem>>, %arg17: memref<!tpu.dma_semaphore, #tpu.memory_space<semaphore_mem>>, %arg18: memref<!tpu.dma_semaphore, #tpu.memory_space<semaphore_mem>>) attributes {dimension_semantics = [#tpu.dimension_semantics<core_parallel>, #tpu.dimension_semantics<subcore_parallel>], iteration_bounds = array<i64: 2, 16>, scalar_prefetch = 0 : i64, scratch_operands = 12 : i64, tpu.core_type = #tpu.core_type<sc_vector_subcore>, window_params = [{transform_indices = #map}, {transform_indices = #map1}, {transform_indices = #map1}, {transform_indices = #map}, {transform_indices = #map1}]} {
    %mul3A = arith.constant 16 : i32
    %mul3A_0 = arith.muli %arg0, %mul3A : i32
    %add3A = arith.addi %mul3A_0, %arg1 : i32
    %mul3A_1 = arith.constant 640 : i32
    %mul3A_2 = arith.muli %arg1, %mul3A_1 : i32
    %multiple_of3A = tpu.assume_multiple %mul3A_2, 8 : i32
    "tpu.region"() ({
      %run_scoped3A = tpu.sem_alloc : memref<!tpu.dma_semaphore, #tpu.memory_space<semaphore_mem>>
      %dma_start3A = arith.constant 0 : i32
      %dma_start3A_9 = tpu.memref_slice %arg10[%multiple_of3A, %dma_start3A] : memref<10240x128xf32, #tpu.memory_space<vmem_shared>> -> memref<640x128xf32, #tpu.memory_space<vmem_shared>>
      %dma_start3A_10 = arith.constant 0 : i32
      %dma_start3A_11 = tpu.memref_slice %arg5[%multiple_of3A, %dma_start3A_10] : memref<10240x128xf32, #tpu.memory_space<hbm>> -> memref<640x128xf32, #tpu.memory_space<hbm>>
      tpu.enqueue_dma source(%dma_start3A_11 : memref<640x128xf32, #tpu.memory_space<hbm>>) target(%dma_start3A_9 : memref<640x128xf32, #tpu.memory_space<vmem_shared>>) target_semaphore(%run_scoped3A : memref<!tpu.dma_semaphore, #tpu.memory_space<semaphore_mem>>)
      %dma_wait3A = arith.constant 0 : i32
      %dma_wait3A_12 = tpu.memref_slice %arg10[%multiple_of3A, %dma_wait3A] : memref<10240x128xf32, #tpu.memory_space<vmem_shared>> -> memref<640x128xf32, #tpu.memory_space<vmem_shared>>
      %dma_wait3A_13 = arith.constant 0 : i32
      %dma_wait3A_14 = tpu.memref_slice %arg5[%multiple_of3A, %dma_wait3A_13] : memref<10240x128xf32, #tpu.memory_space<hbm>> -> memref<640x128xf32, #tpu.memory_space<hbm>>
      tpu.wait_dma2 semaphore(%run_scoped3A : memref<!tpu.dma_semaphore, #tpu.memory_space<semaphore_mem>>) src(%dma_wait3A_14 : memref<640x128xf32, #tpu.memory_space<hbm>>) dst(%dma_wait3A_12 : memref<640x128xf32, #tpu.memory_space<vmem_shared>>)
      tpu.yield
    }) : () -> ()
    %barrier3A = arith.constant 0 : index
    tpu.barrier barrier_id(%barrier3A)
    %scan3A = arith.constant 0 : i32
    %scan3A_3 = arith.constant 0 : i32
    %scan3A_4 = arith.constant 8 : i32
    %scan3A_5 = arith.addi %scan3A_3, %scan3A_4 : i32
    %scan3A_6 = arith.constant 1 : i32
    scf.for %scan3A_9 = %scan3A_3 to %scan3A_5 step %scan3A_6  : i32 {
      %mul3A_10 = arith.constant 40 : i32
      %mul3A_11 = arith.muli %scan3A_9, %mul3A_10 : i32
      %multiple_of3A_12 = tpu.assume_multiple %mul3A_11, 8 : i32
      "tpu.region"() ({
        %run_scoped3A = tpu.sem_alloc : memref<!tpu.dma_semaphore, #tpu.memory_space<semaphore_mem>>
        %dma_start3A_66 = arith.constant 0 : i32
        %dma_start3A_67 = arith.constant 0 : i32
        %dma_start3A_68 = tpu.memref_slice %arg3[%add3A, %dma_start3A_66, %dma_start3A_67] : memref<32x320x64xi32, #tpu.memory_space<hbm>> -> memref<1x320x64xi32, #tpu.memory_space<hbm>>
        %dma_start3A_69 = tpu.memref_squeeze %dma_start3A_68 : memref<1x320x64xi32, #tpu.memory_space<hbm>> -> memref<320x64xi32, #tpu.memory_space<hbm>>
        %dma_start3A_70 = arith.constant 0 : i32
        %dma_start3A_71 = tpu.memref_slice %dma_start3A_69[%multiple_of3A_12, %dma_start3A_70] : memref<320x64xi32, #tpu.memory_space<hbm>> -> memref<40x64xi32, #tpu.memory_space<hbm>>
        %dma_start3A_72 = arith.constant 0 : i32
        %dma_start3A_73 = arith.constant 0 : i32
        %dma_start3A_74 = tpu.memref_slice %arg3[%add3A, %dma_start3A_72, %dma_start3A_73] : memref<32x320x64xi32, #tpu.memory_space<hbm>> -> memref<1x320x64xi32, #tpu.memory_space<hbm>>
        %dma_start3A_75 = tpu.memref_squeeze %dma_start3A_74 : memref<1x320x64xi32, #tpu.memory_space<hbm>> -> memref<320x64xi32, #tpu.memory_space<hbm>>
        %dma_start3A_76 = arith.constant 0 : i32
        %dma_start3A_77 = tpu.memref_slice %dma_start3A_75[%multiple_of3A_12, %dma_start3A_76] : memref<320x64xi32, #tpu.memory_space<hbm>> -> memref<40x64xi32, #tpu.memory_space<hbm>>
        tpu.enqueue_dma source(%dma_start3A_77 : memref<40x64xi32, #tpu.memory_space<hbm>>) target(%arg7 : memref<40x64xi32, #tpu.memory_space<vmem>>) target_semaphore(%run_scoped3A : memref<!tpu.dma_semaphore, #tpu.memory_space<semaphore_mem>>)
        %dma_wait3A = arith.constant 0 : i32
        %dma_wait3A_78 = arith.constant 0 : i32
        %dma_wait3A_79 = tpu.memref_slice %arg3[%add3A, %dma_wait3A, %dma_wait3A_78] : memref<32x320x64xi32, #tpu.memory_space<hbm>> -> memref<1x320x64xi32, #tpu.memory_space<hbm>>
        %dma_wait3A_80 = tpu.memref_squeeze %dma_wait3A_79 : memref<1x320x64xi32, #tpu.memory_space<hbm>> -> memref<320x64xi32, #tpu.memory_space<hbm>>
        %dma_wait3A_81 = arith.constant 0 : i32
        %dma_wait3A_82 = tpu.memref_slice %dma_wait3A_80[%multiple_of3A_12, %dma_wait3A_81] : memref<320x64xi32, #tpu.memory_space<hbm>> -> memref<40x64xi32, #tpu.memory_space<hbm>>
        %dma_wait3A_83 = arith.constant 0 : i32
        %dma_wait3A_84 = arith.constant 0 : i32
        %dma_wait3A_85 = tpu.memref_slice %arg3[%add3A, %dma_wait3A_83, %dma_wait3A_84] : memref<32x320x64xi32, #tpu.memory_space<hbm>> -> memref<1x320x64xi32, #tpu.memory_space<hbm>>
        %dma_wait3A_86 = tpu.memref_squeeze %dma_wait3A_85 : memref<1x320x64xi32, #tpu.memory_space<hbm>> -> memref<320x64xi32, #tpu.memory_space<hbm>>
        %dma_wait3A_87 = arith.constant 0 : i32
        %dma_wait3A_88 = tpu.memref_slice %dma_wait3A_86[%multiple_of3A_12, %dma_wait3A_87] : memref<320x64xi32, #tpu.memory_space<hbm>> -> memref<40x64xi32, #tpu.memory_space<hbm>>
        tpu.wait_dma2 semaphore(%run_scoped3A : memref<!tpu.dma_semaphore, #tpu.memory_space<semaphore_mem>>) src(%dma_wait3A_88 : memref<40x64xi32, #tpu.memory_space<hbm>>) dst(%arg7 : memref<40x64xi32, #tpu.memory_space<vmem>>)
        tpu.yield
      }) : () -> ()
      "tpu.region"() ({
        %run_scoped3A = tpu.sem_alloc : memref<!tpu.dma_semaphore, #tpu.memory_space<semaphore_mem>>
        %dma_start3A_66 = arith.constant 0 : i32
        %dma_start3A_67 = arith.constant 0 : i32
        %dma_start3A_68 = tpu.memref_slice %arg4[%add3A, %dma_start3A_66, %dma_start3A_67] : memref<32x320x64xi32, #tpu.memory_space<hbm>> -> memref<1x320x64xi32, #tpu.memory_space<hbm>>
        %dma_start3A_69 = tpu.memref_squeeze %dma_start3A_68 : memref<1x320x64xi32, #tpu.memory_space<hbm>> -> memref<320x64xi32, #tpu.memory_space<hbm>>
        %dma_start3A_70 = arith.constant 0 : i32
        %dma_start3A_71 = tpu.memref_slice %dma_start3A_69[%multiple_of3A_12, %dma_start3A_70] : memref<320x64xi32, #tpu.memory_space<hbm>> -> memref<40x64xi32, #tpu.memory_space<hbm>>
        %dma_start3A_72 = arith.constant 0 : i32
        %dma_start3A_73 = arith.constant 0 : i32
        %dma_start3A_74 = tpu.memref_slice %arg4[%add3A, %dma_start3A_72, %dma_start3A_73] : memref<32x320x64xi32, #tpu.memory_space<hbm>> -> memref<1x320x64xi32, #tpu.memory_space<hbm>>
        %dma_start3A_75 = tpu.memref_squeeze %dma_start3A_74 : memref<1x320x64xi32, #tpu.memory_space<hbm>> -> memref<320x64xi32, #tpu.memory_space<hbm>>
        %dma_start3A_76 = arith.constant 0 : i32
        %dma_start3A_77 = tpu.memref_slice %dma_start3A_75[%multiple_of3A_12, %dma_start3A_76] : memref<320x64xi32, #tpu.memory_space<hbm>> -> memref<40x64xi32, #tpu.memory_space<hbm>>
        tpu.enqueue_dma source(%dma_start3A_77 : memref<40x64xi32, #tpu.memory_space<hbm>>) target(%arg8 : memref<40x64xi32, #tpu.memory_space<vmem>>) target_semaphore(%run_scoped3A : memref<!tpu.dma_semaphore, #tpu.memory_space<semaphore_mem>>)
        %dma_wait3A = arith.constant 0 : i32
        %dma_wait3A_78 = arith.constant 0 : i32
        %dma_wait3A_79 = tpu.memref_slice %arg4[%add3A, %dma_wait3A, %dma_wait3A_78] : memref<32x320x64xi32, #tpu.memory_space<hbm>> -> memref<1x320x64xi32, #tpu.memory_space<hbm>>
        %dma_wait3A_80 = tpu.memref_squeeze %dma_wait3A_79 : memref<1x320x64xi32, #tpu.memory_space<hbm>> -> memref<320x64xi32, #tpu.memory_space<hbm>>
        %dma_wait3A_81 = arith.constant 0 : i32
        %dma_wait3A_82 = tpu.memref_slice %dma_wait3A_80[%multiple_of3A_12, %dma_wait3A_81] : memref<320x64xi32, #tpu.memory_space<hbm>> -> memref<40x64xi32, #tpu.memory_space<hbm>>
        %dma_wait3A_83 = arith.constant 0 : i32
        %dma_wait3A_84 = arith.constant 0 : i32
        %dma_wait3A_85 = tpu.memref_slice %arg4[%add3A, %dma_wait3A_83, %dma_wait3A_84] : memref<32x320x64xi32, #tpu.memory_space<hbm>> -> memref<1x320x64xi32, #tpu.memory_space<hbm>>
        %dma_wait3A_86 = tpu.memref_squeeze %dma_wait3A_85 : memref<1x320x64xi32, #tpu.memory_space<hbm>> -> memref<320x64xi32, #tpu.memory_space<hbm>>
        %dma_wait3A_87 = arith.constant 0 : i32
        %dma_wait3A_88 = tpu.memref_slice %dma_wait3A_86[%multiple_of3A_12, %dma_wait3A_87] : memref<320x64xi32, #tpu.memory_space<hbm>> -> memref<40x64xi32, #tpu.memory_space<hbm>>
        tpu.wait_dma2 semaphore(%run_scoped3A : memref<!tpu.dma_semaphore, #tpu.memory_space<semaphore_mem>>) src(%dma_wait3A_88 : memref<40x64xi32, #tpu.memory_space<hbm>>) dst(%arg8 : memref<40x64xi32, #tpu.memory_space<vmem>>)
        tpu.yield
      }) : () -> ()
      %dma_start3A = arith.constant 0 : i32
      %dma_start3A_13 = arith.constant 0 : i32
      %dma_start3A_14 = arith.constant 0 : i32
      %dma_start3A_15 = arith.constant 0 : i32
      %dma_start3A_16 = tpu.memref_slice %arg9[%dma_start3A_13, %dma_start3A_14, %dma_start3A_15] : memref<4x64x128xf32, #tpu.memory_space<vmem>> -> memref<1x64x128xf32, #tpu.memory_space<vmem>>
      %dma_start3A_17 = tpu.memref_squeeze %dma_start3A_16 : memref<1x64x128xf32, #tpu.memory_space<vmem>> -> memref<64x128xf32, #tpu.memory_space<vmem>>
      %dma_start3A_18 = arith.constant 0 : i32
      %dma_start3A_19 = tpu.memref_slice %arg7[%dma_start3A, %dma_start3A_18] : memref<40x64xi32, #tpu.memory_space<vmem>> -> memref<1x64xi32, #tpu.memory_space<vmem>>
      %dma_start3A_20 = tpu.memref_squeeze %dma_start3A_19 : memref<1x64xi32, #tpu.memory_space<vmem>> -> memref<64xi32, #tpu.memory_space<vmem>>
      %dma_start3A_21 = arith.constant 0 : i32
      %dma_start3A_22 = arith.constant 0 : i32
      %dma_start3A_23 = tpu.memref_slice %arg2[%dma_start3A_21, %dma_start3A_22] : memref<20000x128xf32, #tpu.memory_space<hbm>> -> memref<20000x128xf32, #tpu.memory_space<hbm>>
      tpu.enqueue_indirect_dma source(%dma_start3A_23 : memref<20000x128xf32, #tpu.memory_space<hbm>>) target(%dma_start3A_17 : memref<64x128xf32, #tpu.memory_space<vmem>>) offsets(%dma_start3A_20 : memref<64xi32, #tpu.memory_space<vmem>>) semaphore(%arg11 : memref<!tpu.dma_semaphore, #tpu.memory_space<semaphore_mem>>)
      %dma_start3A_24 = arith.constant 1 : i32
      %dma_start3A_25 = arith.constant 1 : i32
      %dma_start3A_26 = arith.constant 0 : i32
      %dma_start3A_27 = arith.constant 0 : i32
      %dma_start3A_28 = tpu.memref_slice %arg9[%dma_start3A_25, %dma_start3A_26, %dma_start3A_27] : memref<4x64x128xf32, #tpu.memory_space<vmem>> -> memref<1x64x128xf32, #tpu.memory_space<vmem>>
      %dma_start3A_29 = tpu.memref_squeeze %dma_start3A_28 : memref<1x64x128xf32, #tpu.memory_space<vmem>> -> memref<64x128xf32, #tpu.memory_space<vmem>>
      %dma_start3A_30 = arith.constant 0 : i32
      %dma_start3A_31 = tpu.memref_slice %arg7[%dma_start3A_24, %dma_start3A_30] : memref<40x64xi32, #tpu.memory_space<vmem>> -> memref<1x64xi32, #tpu.memory_space<vmem>>
      %dma_start3A_32 = tpu.memref_squeeze %dma_start3A_31 : memref<1x64xi32, #tpu.memory_space<vmem>> -> memref<64xi32, #tpu.memory_space<vmem>>
      %dma_start3A_33 = arith.constant 0 : i32
      %dma_start3A_34 = arith.constant 0 : i32
      %dma_start3A_35 = tpu.memref_slice %arg2[%dma_start3A_33, %dma_start3A_34] : memref<20000x128xf32, #tpu.memory_space<hbm>> -> memref<20000x128xf32, #tpu.memory_space<hbm>>
      tpu.enqueue_indirect_dma source(%dma_start3A_35 : memref<20000x128xf32, #tpu.memory_space<hbm>>) target(%dma_start3A_29 : memref<64x128xf32, #tpu.memory_space<vmem>>) offsets(%dma_start3A_32 : memref<64xi32, #tpu.memory_space<vmem>>) semaphore(%arg12 : memref<!tpu.dma_semaphore, #tpu.memory_space<semaphore_mem>>)
      %dma_start3A_36 = arith.constant 2 : i32
      %dma_start3A_37 = arith.constant 2 : i32
      %dma_start3A_38 = arith.constant 0 : i32
      %dma_start3A_39 = arith.constant 0 : i32
      %dma_start3A_40 = tpu.memref_slice %arg9[%dma_start3A_37, %dma_start3A_38, %dma_start3A_39] : memref<4x64x128xf32, #tpu.memory_space<vmem>> -> memref<1x64x128xf32, #tpu.memory_space<vmem>>
      %dma_start3A_41 = tpu.memref_squeeze %dma_start3A_40 : memref<1x64x128xf32, #tpu.memory_space<vmem>> -> memref<64x128xf32, #tpu.memory_space<vmem>>
      %dma_start3A_42 = arith.constant 0 : i32
      %dma_start3A_43 = tpu.memref_slice %arg7[%dma_start3A_36, %dma_start3A_42] : memref<40x64xi32, #tpu.memory_space<vmem>> -> memref<1x64xi32, #tpu.memory_space<vmem>>
      %dma_start3A_44 = tpu.memref_squeeze %dma_start3A_43 : memref<1x64xi32, #tpu.memory_space<vmem>> -> memref<64xi32, #tpu.memory_space<vmem>>
      %dma_start3A_45 = arith.constant 0 : i32
      %dma_start3A_46 = arith.constant 0 : i32
      %dma_start3A_47 = tpu.memref_slice %arg2[%dma_start3A_45, %dma_start3A_46] : memref<20000x128xf32, #tpu.memory_space<hbm>> -> memref<20000x128xf32, #tpu.memory_space<hbm>>
      tpu.enqueue_indirect_dma source(%dma_start3A_47 : memref<20000x128xf32, #tpu.memory_space<hbm>>) target(%dma_start3A_41 : memref<64x128xf32, #tpu.memory_space<vmem>>) offsets(%dma_start3A_44 : memref<64xi32, #tpu.memory_space<vmem>>) semaphore(%arg13 : memref<!tpu.dma_semaphore, #tpu.memory_space<semaphore_mem>>)
      %dma_start3A_48 = arith.constant 3 : i32
      %dma_start3A_49 = arith.constant 3 : i32
      %dma_start3A_50 = arith.constant 0 : i32
      %dma_start3A_51 = arith.constant 0 : i32
      %dma_start3A_52 = tpu.memref_slice %arg9[%dma_start3A_49, %dma_start3A_50, %dma_start3A_51] : memref<4x64x128xf32, #tpu.memory_space<vmem>> -> memref<1x64x128xf32, #tpu.memory_space<vmem>>
      %dma_start3A_53 = tpu.memref_squeeze %dma_start3A_52 : memref<1x64x128xf32, #tpu.memory_space<vmem>> -> memref<64x128xf32, #tpu.memory_space<vmem>>
      %dma_start3A_54 = arith.constant 0 : i32
      %dma_start3A_55 = tpu.memref_slice %arg7[%dma_start3A_48, %dma_start3A_54] : memref<40x64xi32, #tpu.memory_space<vmem>> -> memref<1x64xi32, #tpu.memory_space<vmem>>
      %dma_start3A_56 = tpu.memref_squeeze %dma_start3A_55 : memref<1x64xi32, #tpu.memory_space<vmem>> -> memref<64xi32, #tpu.memory_space<vmem>>
      %dma_start3A_57 = arith.constant 0 : i32
      %dma_start3A_58 = arith.constant 0 : i32
      %dma_start3A_59 = tpu.memref_slice %arg2[%dma_start3A_57, %dma_start3A_58] : memref<20000x128xf32, #tpu.memory_space<hbm>> -> memref<20000x128xf32, #tpu.memory_space<hbm>>
      tpu.enqueue_indirect_dma source(%dma_start3A_59 : memref<20000x128xf32, #tpu.memory_space<hbm>>) target(%dma_start3A_53 : memref<64x128xf32, #tpu.memory_space<vmem>>) offsets(%dma_start3A_56 : memref<64xi32, #tpu.memory_space<vmem>>) semaphore(%arg14 : memref<!tpu.dma_semaphore, #tpu.memory_space<semaphore_mem>>)
      %scan3A_60 = arith.constant 0 : i32
      %scan3A_61 = arith.constant 0 : i32
      %scan3A_62 = arith.constant 10 : i32
      %scan3A_63 = arith.addi %scan3A_61, %scan3A_62 : i32
      %scan3A_64 = arith.constant 1 : i32
      scf.for %scan3A_66 = %scan3A_61 to %scan3A_63 step %scan3A_64  : i32 {
        %dma_wait3A = arith.constant 0 : i32
        %dma_wait3A_67 = arith.constant 0 : i32
        %dma_wait3A_68 = arith.constant 0 : i32
        %dma_wait3A_69 = tpu.memref_slice %arg9[%dma_wait3A, %dma_wait3A_67, %dma_wait3A_68] : memref<4x64x128xf32, #tpu.memory_space<vmem>> -> memref<1x64x128xf32, #tpu.memory_space<vmem>>
        %dma_wait3A_70 = tpu.memref_squeeze %dma_wait3A_69 : memref<1x64x128xf32, #tpu.memory_space<vmem>> -> memref<64x128xf32, #tpu.memory_space<vmem>>
        %dma_wait3A_71 = arith.constant 0 : i32
        %dma_wait3A_72 = arith.constant 0 : i32
        %dma_wait3A_73 = tpu.memref_slice %arg2[%dma_wait3A_71, %dma_wait3A_72] : memref<20000x128xf32, #tpu.memory_space<hbm>> -> memref<64x128xf32, #tpu.memory_space<hbm>>
        %dma_wait3A_74 = arith.constant 0 : i32
        %dma_wait3A_75 = arith.constant 0 : i32
        %dma_wait3A_76 = tpu.memref_slice %arg9[%dma_wait3A, %dma_wait3A_74, %dma_wait3A_75] : memref<4x64x128xf32, #tpu.memory_space<vmem>> -> memref<1x64x128xf32, #tpu.memory_space<vmem>>
        %dma_wait3A_77 = tpu.memref_squeeze %dma_wait3A_76 : memref<1x64x128xf32, #tpu.memory_space<vmem>> -> memref<64x128xf32, #tpu.memory_space<vmem>>
        %dma_wait3A_78 = arith.constant 0 : i32
        %dma_wait3A_79 = arith.constant 0 : i32
        %dma_wait3A_80 = tpu.memref_slice %arg2[%dma_wait3A_78, %dma_wait3A_79] : memref<20000x128xf32, #tpu.memory_space<hbm>> -> memref<64x128xf32, #tpu.memory_space<hbm>>
        tpu.wait_dma2 semaphore(%arg11 : memref<!tpu.dma_semaphore, #tpu.memory_space<semaphore_mem>>) src(%dma_wait3A_80 : memref<64x128xf32, #tpu.memory_space<hbm>>) dst(%dma_wait3A_77 : memref<64x128xf32, #tpu.memory_space<vmem>>)
        %mul3A_81 = arith.constant 4 : i32
        %mul3A_82 = arith.muli %mul3A_81, %scan3A_66 : i32
        %add3A_83 = arith.constant 0 : i32
        %add3A_84 = arith.addi %mul3A_82, %add3A_83 : i32
        %dma_start3A_85 = arith.constant 0 : i32
        %dma_start3A_86 = arith.constant 0 : i32
        %dma_start3A_87 = arith.constant 0 : i32
        %dma_start3A_88 = tpu.memref_slice %arg9[%dma_start3A_85, %dma_start3A_86, %dma_start3A_87] : memref<4x64x128xf32, #tpu.memory_space<vmem>> -> memref<1x64x128xf32, #tpu.memory_space<vmem>>
        %dma_start3A_89 = tpu.memref_squeeze %dma_start3A_88 : memref<1x64x128xf32, #tpu.memory_space<vmem>> -> memref<64x128xf32, #tpu.memory_space<vmem>>
        %dma_start3A_90 = arith.constant 0 : i32
        %dma_start3A_91 = tpu.memref_slice %arg8[%add3A_84, %dma_start3A_90] : memref<40x64xi32, #tpu.memory_space<vmem>> -> memref<1x64xi32, #tpu.memory_space<vmem>>
        %dma_start3A_92 = tpu.memref_squeeze %dma_start3A_91 : memref<1x64xi32, #tpu.memory_space<vmem>> -> memref<64xi32, #tpu.memory_space<vmem>>
        %dma_start3A_93 = arith.constant 0 : i32
        %dma_start3A_94 = arith.constant 0 : i32
        %dma_start3A_95 = tpu.memref_slice %arg10[%dma_start3A_93, %dma_start3A_94] : memref<10240x128xf32, #tpu.memory_space<vmem_shared>> -> memref<10240x128xf32, #tpu.memory_space<vmem_shared>>
        tpu.enqueue_indirect_dma source(%dma_start3A_89 : memref<64x128xf32, #tpu.memory_space<vmem>>) target(%dma_start3A_95 : memref<10240x128xf32, #tpu.memory_space<vmem_shared>>) offsets(%dma_start3A_92 : memref<64xi32, #tpu.memory_space<vmem>>) semaphore(%arg15 : memref<!tpu.dma_semaphore, #tpu.memory_space<semaphore_mem>>) {add = true}
        %dma_wait3A_96 = arith.constant 1 : i32
        %dma_wait3A_97 = arith.constant 0 : i32
        %dma_wait3A_98 = arith.constant 0 : i32
        %dma_wait3A_99 = tpu.memref_slice %arg9[%dma_wait3A_96, %dma_wait3A_97, %dma_wait3A_98] : memref<4x64x128xf32, #tpu.memory_space<vmem>> -> memref<1x64x128xf32, #tpu.memory_space<vmem>>
        %dma_wait3A_100 = tpu.memref_squeeze %dma_wait3A_99 : memref<1x64x128xf32, #tpu.memory_space<vmem>> -> memref<64x128xf32, #tpu.memory_space<vmem>>
        %dma_wait3A_101 = arith.constant 0 : i32
        %dma_wait3A_102 = arith.constant 0 : i32
        %dma_wait3A_103 = tpu.memref_slice %arg2[%dma_wait3A_101, %dma_wait3A_102] : memref<20000x128xf32, #tpu.memory_space<hbm>> -> memref<64x128xf32, #tpu.memory_space<hbm>>
        %dma_wait3A_104 = arith.constant 0 : i32
        %dma_wait3A_105 = arith.constant 0 : i32
        %dma_wait3A_106 = tpu.memref_slice %arg9[%dma_wait3A_96, %dma_wait3A_104, %dma_wait3A_105] : memref<4x64x128xf32, #tpu.memory_space<vmem>> -> memref<1x64x128xf32, #tpu.memory_space<vmem>>
        %dma_wait3A_107 = tpu.memref_squeeze %dma_wait3A_106 : memref<1x64x128xf32, #tpu.memory_space<vmem>> -> memref<64x128xf32, #tpu.memory_space<vmem>>
        %dma_wait3A_108 = arith.constant 0 : i32
        %dma_wait3A_109 = arith.constant 0 : i32
        %dma_wait3A_110 = tpu.memref_slice %arg2[%dma_wait3A_108, %dma_wait3A_109] : memref<20000x128xf32, #tpu.memory_space<hbm>> -> memref<64x128xf32, #tpu.memory_space<hbm>>
        tpu.wait_dma2 semaphore(%arg12 : memref<!tpu.dma_semaphore, #tpu.memory_space<semaphore_mem>>) src(%dma_wait3A_110 : memref<64x128xf32, #tpu.memory_space<hbm>>) dst(%dma_wait3A_107 : memref<64x128xf32, #tpu.memory_space<vmem>>)
        %mul3A_111 = arith.constant 4 : i32
        %mul3A_112 = arith.muli %mul3A_111, %scan3A_66 : i32
        %add3A_113 = arith.constant 1 : i32
        %add3A_114 = arith.addi %mul3A_112, %add3A_113 : i32
        %dma_start3A_115 = arith.constant 1 : i32
        %dma_start3A_116 = arith.constant 0 : i32
        %dma_start3A_117 = arith.constant 0 : i32
        %dma_start3A_118 = tpu.memref_slice %arg9[%dma_start3A_115, %dma_start3A_116, %dma_start3A_117] : memref<4x64x128xf32, #tpu.memory_space<vmem>> -> memref<1x64x128xf32, #tpu.memory_space<vmem>>
        %dma_start3A_119 = tpu.memref_squeeze %dma_start3A_118 : memref<1x64x128xf32, #tpu.memory_space<vmem>> -> memref<64x128xf32, #tpu.memory_space<vmem>>
        %dma_start3A_120 = arith.constant 0 : i32
        %dma_start3A_121 = tpu.memref_slice %arg8[%add3A_114, %dma_start3A_120] : memref<40x64xi32, #tpu.memory_space<vmem>> -> memref<1x64xi32, #tpu.memory_space<vmem>>
        %dma_start3A_122 = tpu.memref_squeeze %dma_start3A_121 : memref<1x64xi32, #tpu.memory_space<vmem>> -> memref<64xi32, #tpu.memory_space<vmem>>
        %dma_start3A_123 = arith.constant 0 : i32
        %dma_start3A_124 = arith.constant 0 : i32
        %dma_start3A_125 = tpu.memref_slice %arg10[%dma_start3A_123, %dma_start3A_124] : memref<10240x128xf32, #tpu.memory_space<vmem_shared>> -> memref<10240x128xf32, #tpu.memory_space<vmem_shared>>
        tpu.enqueue_indirect_dma source(%dma_start3A_119 : memref<64x128xf32, #tpu.memory_space<vmem>>) target(%dma_start3A_125 : memref<10240x128xf32, #tpu.memory_space<vmem_shared>>) offsets(%dma_start3A_122 : memref<64xi32, #tpu.memory_space<vmem>>) semaphore(%arg16 : memref<!tpu.dma_semaphore, #tpu.memory_space<semaphore_mem>>) {add = true}
        %dma_wait3A_126 = arith.constant 2 : i32
        %dma_wait3A_127 = arith.constant 0 : i32
        %dma_wait3A_128 = arith.constant 0 : i32
        %dma_wait3A_129 = tpu.memref_slice %arg9[%dma_wait3A_126, %dma_wait3A_127, %dma_wait3A_128] : memref<4x64x128xf32, #tpu.memory_space<vmem>> -> memref<1x64x128xf32, #tpu.memory_space<vmem>>
        %dma_wait3A_130 = tpu.memref_squeeze %dma_wait3A_129 : memref<1x64x128xf32, #tpu.memory_space<vmem>> -> memref<64x128xf32, #tpu.memory_space<vmem>>
        %dma_wait3A_131 = arith.constant 0 : i32
        %dma_wait3A_132 = arith.constant 0 : i32
        %dma_wait3A_133 = tpu.memref_slice %arg2[%dma_wait3A_131, %dma_wait3A_132] : memref<20000x128xf32, #tpu.memory_space<hbm>> -> memref<64x128xf32, #tpu.memory_space<hbm>>
        %dma_wait3A_134 = arith.constant 0 : i32
        %dma_wait3A_135 = arith.constant 0 : i32
        %dma_wait3A_136 = tpu.memref_slice %arg9[%dma_wait3A_126, %dma_wait3A_134, %dma_wait3A_135] : memref<4x64x128xf32, #tpu.memory_space<vmem>> -> memref<1x64x128xf32, #tpu.memory_space<vmem>>
        %dma_wait3A_137 = tpu.memref_squeeze %dma_wait3A_136 : memref<1x64x128xf32, #tpu.memory_space<vmem>> -> memref<64x128xf32, #tpu.memory_space<vmem>>
        %dma_wait3A_138 = arith.constant 0 : i32
        %dma_wait3A_139 = arith.constant 0 : i32
        %dma_wait3A_140 = tpu.memref_slice %arg2[%dma_wait3A_138, %dma_wait3A_139] : memref<20000x128xf32, #tpu.memory_space<hbm>> -> memref<64x128xf32, #tpu.memory_space<hbm>>
        tpu.wait_dma2 semaphore(%arg13 : memref<!tpu.dma_semaphore, #tpu.memory_space<semaphore_mem>>) src(%dma_wait3A_140 : memref<64x128xf32, #tpu.memory_space<hbm>>) dst(%dma_wait3A_137 : memref<64x128xf32, #tpu.memory_space<vmem>>)
        %mul3A_141 = arith.constant 4 : i32
        %mul3A_142 = arith.muli %mul3A_141, %scan3A_66 : i32
        %add3A_143 = arith.constant 2 : i32
        %add3A_144 = arith.addi %mul3A_142, %add3A_143 : i32
        %dma_start3A_145 = arith.constant 2 : i32
        %dma_start3A_146 = arith.constant 0 : i32
        %dma_start3A_147 = arith.constant 0 : i32
        %dma_start3A_148 = tpu.memref_slice %arg9[%dma_start3A_145, %dma_start3A_146, %dma_start3A_147] : memref<4x64x128xf32, #tpu.memory_space<vmem>> -> memref<1x64x128xf32, #tpu.memory_space<vmem>>
        %dma_start3A_149 = tpu.memref_squeeze %dma_start3A_148 : memref<1x64x128xf32, #tpu.memory_space<vmem>> -> memref<64x128xf32, #tpu.memory_space<vmem>>
        %dma_start3A_150 = arith.constant 0 : i32
        %dma_start3A_151 = tpu.memref_slice %arg8[%add3A_144, %dma_start3A_150] : memref<40x64xi32, #tpu.memory_space<vmem>> -> memref<1x64xi32, #tpu.memory_space<vmem>>
        %dma_start3A_152 = tpu.memref_squeeze %dma_start3A_151 : memref<1x64xi32, #tpu.memory_space<vmem>> -> memref<64xi32, #tpu.memory_space<vmem>>
        %dma_start3A_153 = arith.constant 0 : i32
        %dma_start3A_154 = arith.constant 0 : i32
        %dma_start3A_155 = tpu.memref_slice %arg10[%dma_start3A_153, %dma_start3A_154] : memref<10240x128xf32, #tpu.memory_space<vmem_shared>> -> memref<10240x128xf32, #tpu.memory_space<vmem_shared>>
        tpu.enqueue_indirect_dma source(%dma_start3A_149 : memref<64x128xf32, #tpu.memory_space<vmem>>) target(%dma_start3A_155 : memref<10240x128xf32, #tpu.memory_space<vmem_shared>>) offsets(%dma_start3A_152 : memref<64xi32, #tpu.memory_space<vmem>>) semaphore(%arg17 : memref<!tpu.dma_semaphore, #tpu.memory_space<semaphore_mem>>) {add = true}
        %dma_wait3A_156 = arith.constant 3 : i32
        %dma_wait3A_157 = arith.constant 0 : i32
        %dma_wait3A_158 = arith.constant 0 : i32
        %dma_wait3A_159 = tpu.memref_slice %arg9[%dma_wait3A_156, %dma_wait3A_157, %dma_wait3A_158] : memref<4x64x128xf32, #tpu.memory_space<vmem>> -> memref<1x64x128xf32, #tpu.memory_space<vmem>>
        %dma_wait3A_160 = tpu.memref_squeeze %dma_wait3A_159 : memref<1x64x128xf32, #tpu.memory_space<vmem>> -> memref<64x128xf32, #tpu.memory_space<vmem>>
        %dma_wait3A_161 = arith.constant 0 : i32
        %dma_wait3A_162 = arith.constant 0 : i32
        %dma_wait3A_163 = tpu.memref_slice %arg2[%dma_wait3A_161, %dma_wait3A_162] : memref<20000x128xf32, #tpu.memory_space<hbm>> -> memref<64x128xf32, #tpu.memory_space<hbm>>
        %dma_wait3A_164 = arith.constant 0 : i32
        %dma_wait3A_165 = arith.constant 0 : i32
        %dma_wait3A_166 = tpu.memref_slice %arg9[%dma_wait3A_156, %dma_wait3A_164, %dma_wait3A_165] : memref<4x64x128xf32, #tpu.memory_space<vmem>> -> memref<1x64x128xf32, #tpu.memory_space<vmem>>
        %dma_wait3A_167 = tpu.memref_squeeze %dma_wait3A_166 : memref<1x64x128xf32, #tpu.memory_space<vmem>> -> memref<64x128xf32, #tpu.memory_space<vmem>>
        %dma_wait3A_168 = arith.constant 0 : i32
        %dma_wait3A_169 = arith.constant 0 : i32
        %dma_wait3A_170 = tpu.memref_slice %arg2[%dma_wait3A_168, %dma_wait3A_169] : memref<20000x128xf32, #tpu.memory_space<hbm>> -> memref<64x128xf32, #tpu.memory_space<hbm>>
        tpu.wait_dma2 semaphore(%arg14 : memref<!tpu.dma_semaphore, #tpu.memory_space<semaphore_mem>>) src(%dma_wait3A_170 : memref<64x128xf32, #tpu.memory_space<hbm>>) dst(%dma_wait3A_167 : memref<64x128xf32, #tpu.memory_space<vmem>>)
        %mul3A_171 = arith.constant 4 : i32
        %mul3A_172 = arith.muli %mul3A_171, %scan3A_66 : i32
        %add3A_173 = arith.constant 3 : i32
        %add3A_174 = arith.addi %mul3A_172, %add3A_173 : i32
        %dma_start3A_175 = arith.constant 3 : i32
        %dma_start3A_176 = arith.constant 0 : i32
        %dma_start3A_177 = arith.constant 0 : i32
        %dma_start3A_178 = tpu.memref_slice %arg9[%dma_start3A_175, %dma_start3A_176, %dma_start3A_177] : memref<4x64x128xf32, #tpu.memory_space<vmem>> -> memref<1x64x128xf32, #tpu.memory_space<vmem>>
        %dma_start3A_179 = tpu.memref_squeeze %dma_start3A_178 : memref<1x64x128xf32, #tpu.memory_space<vmem>> -> memref<64x128xf32, #tpu.memory_space<vmem>>
        %dma_start3A_180 = arith.constant 0 : i32
        %dma_start3A_181 = tpu.memref_slice %arg8[%add3A_174, %dma_start3A_180] : memref<40x64xi32, #tpu.memory_space<vmem>> -> memref<1x64xi32, #tpu.memory_space<vmem>>
        %dma_start3A_182 = tpu.memref_squeeze %dma_start3A_181 : memref<1x64xi32, #tpu.memory_space<vmem>> -> memref<64xi32, #tpu.memory_space<vmem>>
        %dma_start3A_183 = arith.constant 0 : i32
        %dma_start3A_184 = arith.constant 0 : i32
        %dma_start3A_185 = tpu.memref_slice %arg10[%dma_start3A_183, %dma_start3A_184] : memref<10240x128xf32, #tpu.memory_space<vmem_shared>> -> memref<10240x128xf32, #tpu.memory_space<vmem_shared>>
        tpu.enqueue_indirect_dma source(%dma_start3A_179 : memref<64x128xf32, #tpu.memory_space<vmem>>) target(%dma_start3A_185 : memref<10240x128xf32, #tpu.memory_space<vmem_shared>>) offsets(%dma_start3A_182 : memref<64xi32, #tpu.memory_space<vmem>>) semaphore(%arg18 : memref<!tpu.dma_semaphore, #tpu.memory_space<semaphore_mem>>) {add = true}
        %lt3A = arith.constant 9 : i32
        %lt3A_186 = arith.cmpi slt, %scan3A_66, %lt3A : i32
        %convert_element_type3A = arith.extui %lt3A_186 : i1 to i32
        %cond3A = arith.constant 0 : i32
        %cond3A_187 = arith.cmpi ne, %convert_element_type3A, %cond3A : i32
        scf.if %cond3A_187 {
          %dma_wait3A_192 = arith.constant 0 : i32
          %dma_wait3A_193 = arith.constant 0 : i32
          %dma_wait3A_194 = arith.constant 0 : i32
          %dma_wait3A_195 = tpu.memref_slice %arg9[%dma_wait3A_192, %dma_wait3A_193, %dma_wait3A_194] : memref<4x64x128xf32, #tpu.memory_space<vmem>> -> memref<1x64x128xf32, #tpu.memory_space<vmem>>
          %dma_wait3A_196 = tpu.memref_squeeze %dma_wait3A_195 : memref<1x64x128xf32, #tpu.memory_space<vmem>> -> memref<64x128xf32, #tpu.memory_space<vmem>>
          %dma_wait3A_197 = arith.constant 0 : i32
          %dma_wait3A_198 = arith.constant 0 : i32
          %dma_wait3A_199 = tpu.memref_slice %arg10[%dma_wait3A_197, %dma_wait3A_198] : memref<10240x128xf32, #tpu.memory_space<vmem_shared>> -> memref<64x128xf32, #tpu.memory_space<vmem_shared>>
          %dma_wait3A_200 = arith.constant 0 : i32
          %dma_wait3A_201 = arith.constant 0 : i32
          %dma_wait3A_202 = tpu.memref_slice %arg10[%dma_wait3A_200, %dma_wait3A_201] : memref<10240x128xf32, #tpu.memory_space<vmem_shared>> -> memref<64x128xf32, #tpu.memory_space<vmem_shared>>
          %dma_wait3A_203 = arith.constant 0 : i32
          %dma_wait3A_204 = arith.constant 0 : i32
          %dma_wait3A_205 = tpu.memref_slice %arg9[%dma_wait3A_192, %dma_wait3A_203, %dma_wait3A_204] : memref<4x64x128xf32, #tpu.memory_space<vmem>> -> memref<1x64x128xf32, #tpu.memory_space<vmem>>
          %dma_wait3A_206 = tpu.memref_squeeze %dma_wait3A_205 : memref<1x64x128xf32, #tpu.memory_space<vmem>> -> memref<64x128xf32, #tpu.memory_space<vmem>>
          tpu.wait_dma2 semaphore(%arg15 : memref<!tpu.dma_semaphore, #tpu.memory_space<semaphore_mem>>) src(%dma_wait3A_206 : memref<64x128xf32, #tpu.memory_space<vmem>>) dst(%dma_wait3A_202 : memref<64x128xf32, #tpu.memory_space<vmem_shared>>)
          %add3A_207 = arith.constant 1 : i32
          %add3A_208 = arith.addi %scan3A_66, %add3A_207 : i32
          %mul3A_209 = arith.constant 4 : i32
          %mul3A_210 = arith.muli %mul3A_209, %add3A_208 : i32
          %add3A_211 = arith.constant 0 : i32
          %add3A_212 = arith.addi %mul3A_210, %add3A_211 : i32
          %dma_start3A_213 = arith.constant 0 : i32
          %dma_start3A_214 = arith.constant 0 : i32
          %dma_start3A_215 = arith.constant 0 : i32
          %dma_start3A_216 = tpu.memref_slice %arg9[%dma_start3A_213, %dma_start3A_214, %dma_start3A_215] : memref<4x64x128xf32, #tpu.memory_space<vmem>> -> memref<1x64x128xf32, #tpu.memory_space<vmem>>
          %dma_start3A_217 = tpu.memref_squeeze %dma_start3A_216 : memref<1x64x128xf32, #tpu.memory_space<vmem>> -> memref<64x128xf32, #tpu.memory_space<vmem>>
          %dma_start3A_218 = arith.constant 0 : i32
          %dma_start3A_219 = tpu.memref_slice %arg7[%add3A_212, %dma_start3A_218] : memref<40x64xi32, #tpu.memory_space<vmem>> -> memref<1x64xi32, #tpu.memory_space<vmem>>
          %dma_start3A_220 = tpu.memref_squeeze %dma_start3A_219 : memref<1x64xi32, #tpu.memory_space<vmem>> -> memref<64xi32, #tpu.memory_space<vmem>>
          %dma_start3A_221 = arith.constant 0 : i32
          %dma_start3A_222 = arith.constant 0 : i32
          %dma_start3A_223 = tpu.memref_slice %arg2[%dma_start3A_221, %dma_start3A_222] : memref<20000x128xf32, #tpu.memory_space<hbm>> -> memref<20000x128xf32, #tpu.memory_space<hbm>>
          tpu.enqueue_indirect_dma source(%dma_start3A_223 : memref<20000x128xf32, #tpu.memory_space<hbm>>) target(%dma_start3A_217 : memref<64x128xf32, #tpu.memory_space<vmem>>) offsets(%dma_start3A_220 : memref<64xi32, #tpu.memory_space<vmem>>) semaphore(%arg11 : memref<!tpu.dma_semaphore, #tpu.memory_space<semaphore_mem>>)
          %dma_wait3A_224 = arith.constant 1 : i32
          %dma_wait3A_225 = arith.constant 0 : i32
          %dma_wait3A_226 = arith.constant 0 : i32
          %dma_wait3A_227 = tpu.memref_slice %arg9[%dma_wait3A_224, %dma_wait3A_225, %dma_wait3A_226] : memref<4x64x128xf32, #tpu.memory_space<vmem>> -> memref<1x64x128xf32, #tpu.memory_space<vmem>>
          %dma_wait3A_228 = tpu.memref_squeeze %dma_wait3A_227 : memref<1x64x128xf32, #tpu.memory_space<vmem>> -> memref<64x128xf32, #tpu.memory_space<vmem>>
          %dma_wait3A_229 = arith.constant 0 : i32
          %dma_wait3A_230 = arith.constant 0 : i32
          %dma_wait3A_231 = tpu.memref_slice %arg10[%dma_wait3A_229, %dma_wait3A_230] : memref<10240x128xf32, #tpu.memory_space<vmem_shared>> -> memref<64x128xf32, #tpu.memory_space<vmem_shared>>
          %dma_wait3A_232 = arith.constant 0 : i32
          %dma_wait3A_233 = arith.constant 0 : i32
          %dma_wait3A_234 = tpu.memref_slice %arg10[%dma_wait3A_232, %dma_wait3A_233] : memref<10240x128xf32, #tpu.memory_space<vmem_shared>> -> memref<64x128xf32, #tpu.memory_space<vmem_shared>>
          %dma_wait3A_235 = arith.constant 0 : i32
          %dma_wait3A_236 = arith.constant 0 : i32
          %dma_wait3A_237 = tpu.memref_slice %arg9[%dma_wait3A_224, %dma_wait3A_235, %dma_wait3A_236] : memref<4x64x128xf32, #tpu.memory_space<vmem>> -> memref<1x64x128xf32, #tpu.memory_space<vmem>>
          %dma_wait3A_238 = tpu.memref_squeeze %dma_wait3A_237 : memref<1x64x128xf32, #tpu.memory_space<vmem>> -> memref<64x128xf32, #tpu.memory_space<vmem>>
          tpu.wait_dma2 semaphore(%arg16 : memref<!tpu.dma_semaphore, #tpu.memory_space<semaphore_mem>>) src(%dma_wait3A_238 : memref<64x128xf32, #tpu.memory_space<vmem>>) dst(%dma_wait3A_234 : memref<64x128xf32, #tpu.memory_space<vmem_shared>>)
          %add3A_239 = arith.constant 1 : i32
          %add3A_240 = arith.addi %scan3A_66, %add3A_239 : i32
          %mul3A_241 = arith.constant 4 : i32
          %mul3A_242 = arith.muli %mul3A_241, %add3A_240 : i32
          %add3A_243 = arith.constant 1 : i32
          %add3A_244 = arith.addi %mul3A_242, %add3A_243 : i32
          %dma_start3A_245 = arith.constant 1 : i32
          %dma_start3A_246 = arith.constant 0 : i32
          %dma_start3A_247 = arith.constant 0 : i32
          %dma_start3A_248 = tpu.memref_slice %arg9[%dma_start3A_245, %dma_start3A_246, %dma_start3A_247] : memref<4x64x128xf32, #tpu.memory_space<vmem>> -> memref<1x64x128xf32, #tpu.memory_space<vmem>>
          %dma_start3A_249 = tpu.memref_squeeze %dma_start3A_248 : memref<1x64x128xf32, #tpu.memory_space<vmem>> -> memref<64x128xf32, #tpu.memory_space<vmem>>
          %dma_start3A_250 = arith.constant 0 : i32
          %dma_start3A_251 = tpu.memref_slice %arg7[%add3A_244, %dma_start3A_250] : memref<40x64xi32, #tpu.memory_space<vmem>> -> memref<1x64xi32, #tpu.memory_space<vmem>>
          %dma_start3A_252 = tpu.memref_squeeze %dma_start3A_251 : memref<1x64xi32, #tpu.memory_space<vmem>> -> memref<64xi32, #tpu.memory_space<vmem>>
          %dma_start3A_253 = arith.constant 0 : i32
          %dma_start3A_254 = arith.constant 0 : i32
          %dma_start3A_255 = tpu.memref_slice %arg2[%dma_start3A_253, %dma_start3A_254] : memref<20000x128xf32, #tpu.memory_space<hbm>> -> memref<20000x128xf32, #tpu.memory_space<hbm>>
          tpu.enqueue_indirect_dma source(%dma_start3A_255 : memref<20000x128xf32, #tpu.memory_space<hbm>>) target(%dma_start3A_249 : memref<64x128xf32, #tpu.memory_space<vmem>>) offsets(%dma_start3A_252 : memref<64xi32, #tpu.memory_space<vmem>>) semaphore(%arg12 : memref<!tpu.dma_semaphore, #tpu.memory_space<semaphore_mem>>)
          %dma_wait3A_256 = arith.constant 2 : i32
          %dma_wait3A_257 = arith.constant 0 : i32
          %dma_wait3A_258 = arith.constant 0 : i32
          %dma_wait3A_259 = tpu.memref_slice %arg9[%dma_wait3A_256, %dma_wait3A_257, %dma_wait3A_258] : memref<4x64x128xf32, #tpu.memory_space<vmem>> -> memref<1x64x128xf32, #tpu.memory_space<vmem>>
          %dma_wait3A_260 = tpu.memref_squeeze %dma_wait3A_259 : memref<1x64x128xf32, #tpu.memory_space<vmem>> -> memref<64x128xf32, #tpu.memory_space<vmem>>
          %dma_wait3A_261 = arith.constant 0 : i32
          %dma_wait3A_262 = arith.constant 0 : i32
          %dma_wait3A_263 = tpu.memref_slice %arg10[%dma_wait3A_261, %dma_wait3A_262] : memref<10240x128xf32, #tpu.memory_space<vmem_shared>> -> memref<64x128xf32, #tpu.memory_space<vmem_shared>>
          %dma_wait3A_264 = arith.constant 0 : i32
          %dma_wait3A_265 = arith.constant 0 : i32
          %dma_wait3A_266 = tpu.memref_slice %arg10[%dma_wait3A_264, %dma_wait3A_265] : memref<10240x128xf32, #tpu.memory_space<vmem_shared>> -> memref<64x128xf32, #tpu.memory_space<vmem_shared>>
          %dma_wait3A_267 = arith.constant 0 : i32
          %dma_wait3A_268 = arith.constant 0 : i32
          %dma_wait3A_269 = tpu.memref_slice %arg9[%dma_wait3A_256, %dma_wait3A_267, %dma_wait3A_268] : memref<4x64x128xf32, #tpu.memory_space<vmem>> -> memref<1x64x128xf32, #tpu.memory_space<vmem>>
          %dma_wait3A_270 = tpu.memref_squeeze %dma_wait3A_269 : memref<1x64x128xf32, #tpu.memory_space<vmem>> -> memref<64x128xf32, #tpu.memory_space<vmem>>
          tpu.wait_dma2 semaphore(%arg17 : memref<!tpu.dma_semaphore, #tpu.memory_space<semaphore_mem>>) src(%dma_wait3A_270 : memref<64x128xf32, #tpu.memory_space<vmem>>) dst(%dma_wait3A_266 : memref<64x128xf32, #tpu.memory_space<vmem_shared>>)
          %add3A_271 = arith.constant 1 : i32
          %add3A_272 = arith.addi %scan3A_66, %add3A_271 : i32
          %mul3A_273 = arith.constant 4 : i32
          %mul3A_274 = arith.muli %mul3A_273, %add3A_272 : i32
          %add3A_275 = arith.constant 2 : i32
          %add3A_276 = arith.addi %mul3A_274, %add3A_275 : i32
          %dma_start3A_277 = arith.constant 2 : i32
          %dma_start3A_278 = arith.constant 0 : i32
          %dma_start3A_279 = arith.constant 0 : i32
          %dma_start3A_280 = tpu.memref_slice %arg9[%dma_start3A_277, %dma_start3A_278, %dma_start3A_279] : memref<4x64x128xf32, #tpu.memory_space<vmem>> -> memref<1x64x128xf32, #tpu.memory_space<vmem>>
          %dma_start3A_281 = tpu.memref_squeeze %dma_start3A_280 : memref<1x64x128xf32, #tpu.memory_space<vmem>> -> memref<64x128xf32, #tpu.memory_space<vmem>>
          %dma_start3A_282 = arith.constant 0 : i32
          %dma_start3A_283 = tpu.memref_slice %arg7[%add3A_276, %dma_start3A_282] : memref<40x64xi32, #tpu.memory_space<vmem>> -> memref<1x64xi32, #tpu.memory_space<vmem>>
          %dma_start3A_284 = tpu.memref_squeeze %dma_start3A_283 : memref<1x64xi32, #tpu.memory_space<vmem>> -> memref<64xi32, #tpu.memory_space<vmem>>
          %dma_start3A_285 = arith.constant 0 : i32
          %dma_start3A_286 = arith.constant 0 : i32
          %dma_start3A_287 = tpu.memref_slice %arg2[%dma_start3A_285, %dma_start3A_286] : memref<20000x128xf32, #tpu.memory_space<hbm>> -> memref<20000x128xf32, #tpu.memory_space<hbm>>
          tpu.enqueue_indirect_dma source(%dma_start3A_287 : memref<20000x128xf32, #tpu.memory_space<hbm>>) target(%dma_start3A_281 : memref<64x128xf32, #tpu.memory_space<vmem>>) offsets(%dma_start3A_284 : memref<64xi32, #tpu.memory_space<vmem>>) semaphore(%arg13 : memref<!tpu.dma_semaphore, #tpu.memory_space<semaphore_mem>>)
          %dma_wait3A_288 = arith.constant 3 : i32
          %dma_wait3A_289 = arith.constant 0 : i32
          %dma_wait3A_290 = arith.constant 0 : i32
          %dma_wait3A_291 = tpu.memref_slice %arg9[%dma_wait3A_288, %dma_wait3A_289, %dma_wait3A_290] : memref<4x64x128xf32, #tpu.memory_space<vmem>> -> memref<1x64x128xf32, #tpu.memory_space<vmem>>
          %dma_wait3A_292 = tpu.memref_squeeze %dma_wait3A_291 : memref<1x64x128xf32, #tpu.memory_space<vmem>> -> memref<64x128xf32, #tpu.memory_space<vmem>>
          %dma_wait3A_293 = arith.constant 0 : i32
          %dma_wait3A_294 = arith.constant 0 : i32
          %dma_wait3A_295 = tpu.memref_slice %arg10[%dma_wait3A_293, %dma_wait3A_294] : memref<10240x128xf32, #tpu.memory_space<vmem_shared>> -> memref<64x128xf32, #tpu.memory_space<vmem_shared>>
          %dma_wait3A_296 = arith.constant 0 : i32
          %dma_wait3A_297 = arith.constant 0 : i32
          %dma_wait3A_298 = tpu.memref_slice %arg10[%dma_wait3A_296, %dma_wait3A_297] : memref<10240x128xf32, #tpu.memory_space<vmem_shared>> -> memref<64x128xf32, #tpu.memory_space<vmem_shared>>
          %dma_wait3A_299 = arith.constant 0 : i32
          %dma_wait3A_300 = arith.constant 0 : i32
          %dma_wait3A_301 = tpu.memref_slice %arg9[%dma_wait3A_288, %dma_wait3A_299, %dma_wait3A_300] : memref<4x64x128xf32, #tpu.memory_space<vmem>> -> memref<1x64x128xf32, #tpu.memory_space<vmem>>
          %dma_wait3A_302 = tpu.memref_squeeze %dma_wait3A_301 : memref<1x64x128xf32, #tpu.memory_space<vmem>> -> memref<64x128xf32, #tpu.memory_space<vmem>>
          tpu.wait_dma2 semaphore(%arg18 : memref<!tpu.dma_semaphore, #tpu.memory_space<semaphore_mem>>) src(%dma_wait3A_302 : memref<64x128xf32, #tpu.memory_space<vmem>>) dst(%dma_wait3A_298 : memref<64x128xf32, #tpu.memory_space<vmem_shared>>)
          %add3A_303 = arith.constant 1 : i32
          %add3A_304 = arith.addi %scan3A_66, %add3A_303 : i32
          %mul3A_305 = arith.constant 4 : i32
          %mul3A_306 = arith.muli %mul3A_305, %add3A_304 : i32
          %add3A_307 = arith.constant 3 : i32
          %add3A_308 = arith.addi %mul3A_306, %add3A_307 : i32
          %dma_start3A_309 = arith.constant 3 : i32
          %dma_start3A_310 = arith.constant 0 : i32
          %dma_start3A_311 = arith.constant 0 : i32
          %dma_start3A_312 = tpu.memref_slice %arg9[%dma_start3A_309, %dma_start3A_310, %dma_start3A_311] : memref<4x64x128xf32, #tpu.memory_space<vmem>> -> memref<1x64x128xf32, #tpu.memory_space<vmem>>
          %dma_start3A_313 = tpu.memref_squeeze %dma_start3A_312 : memref<1x64x128xf32, #tpu.memory_space<vmem>> -> memref<64x128xf32, #tpu.memory_space<vmem>>
          %dma_start3A_314 = arith.constant 0 : i32
          %dma_start3A_315 = tpu.memref_slice %arg7[%add3A_308, %dma_start3A_314] : memref<40x64xi32, #tpu.memory_space<vmem>> -> memref<1x64xi32, #tpu.memory_space<vmem>>
          %dma_start3A_316 = tpu.memref_squeeze %dma_start3A_315 : memref<1x64xi32, #tpu.memory_space<vmem>> -> memref<64xi32, #tpu.memory_space<vmem>>
          %dma_start3A_317 = arith.constant 0 : i32
          %dma_start3A_318 = arith.constant 0 : i32
          %dma_start3A_319 = tpu.memref_slice %arg2[%dma_start3A_317, %dma_start3A_318] : memref<20000x128xf32, #tpu.memory_space<hbm>> -> memref<20000x128xf32, #tpu.memory_space<hbm>>
          tpu.enqueue_indirect_dma source(%dma_start3A_319 : memref<20000x128xf32, #tpu.memory_space<hbm>>) target(%dma_start3A_313 : memref<64x128xf32, #tpu.memory_space<vmem>>) offsets(%dma_start3A_316 : memref<64xi32, #tpu.memory_space<vmem>>) semaphore(%arg14 : memref<!tpu.dma_semaphore, #tpu.memory_space<semaphore_mem>>)
        } else {
        }
        %eq3A = arith.constant 9 : i32
        %eq3A_188 = arith.cmpi eq, %scan3A_66, %eq3A : i32
        %convert_element_type3A_189 = arith.extui %eq3A_188 : i1 to i32
        %cond3A_190 = arith.constant 0 : i32
        %cond3A_191 = arith.cmpi ne, %convert_element_type3A_189, %cond3A_190 : i32
        scf.if %cond3A_191 {
          %dma_wait3A_192 = arith.constant 0 : i32
          %dma_wait3A_193 = arith.constant 0 : i32
          %dma_wait3A_194 = arith.constant 0 : i32
          %dma_wait3A_195 = tpu.memref_slice %arg9[%dma_wait3A_192, %dma_wait3A_193, %dma_wait3A_194] : memref<4x64x128xf32, #tpu.memory_space<vmem>> -> memref<1x64x128xf32, #tpu.memory_space<vmem>>
          %dma_wait3A_196 = tpu.memref_squeeze %dma_wait3A_195 : memref<1x64x128xf32, #tpu.memory_space<vmem>> -> memref<64x128xf32, #tpu.memory_space<vmem>>
          %dma_wait3A_197 = arith.constant 0 : i32
          %dma_wait3A_198 = arith.constant 0 : i32
          %dma_wait3A_199 = tpu.memref_slice %arg10[%dma_wait3A_197, %dma_wait3A_198] : memref<10240x128xf32, #tpu.memory_space<vmem_shared>> -> memref<64x128xf32, #tpu.memory_space<vmem_shared>>
          %dma_wait3A_200 = arith.constant 0 : i32
          %dma_wait3A_201 = arith.constant 0 : i32
          %dma_wait3A_202 = tpu.memref_slice %arg10[%dma_wait3A_200, %dma_wait3A_201] : memref<10240x128xf32, #tpu.memory_space<vmem_shared>> -> memref<64x128xf32, #tpu.memory_space<vmem_shared>>
          %dma_wait3A_203 = arith.constant 0 : i32
          %dma_wait3A_204 = arith.constant 0 : i32
          %dma_wait3A_205 = tpu.memref_slice %arg9[%dma_wait3A_192, %dma_wait3A_203, %dma_wait3A_204] : memref<4x64x128xf32, #tpu.memory_space<vmem>> -> memref<1x64x128xf32, #tpu.memory_space<vmem>>
          %dma_wait3A_206 = tpu.memref_squeeze %dma_wait3A_205 : memref<1x64x128xf32, #tpu.memory_space<vmem>> -> memref<64x128xf32, #tpu.memory_space<vmem>>
          tpu.wait_dma2 semaphore(%arg15 : memref<!tpu.dma_semaphore, #tpu.memory_space<semaphore_mem>>) src(%dma_wait3A_206 : memref<64x128xf32, #tpu.memory_space<vmem>>) dst(%dma_wait3A_202 : memref<64x128xf32, #tpu.memory_space<vmem_shared>>)
          %dma_wait3A_207 = arith.constant 1 : i32
          %dma_wait3A_208 = arith.constant 0 : i32
          %dma_wait3A_209 = arith.constant 0 : i32
          %dma_wait3A_210 = tpu.memref_slice %arg9[%dma_wait3A_207, %dma_wait3A_208, %dma_wait3A_209] : memref<4x64x128xf32, #tpu.memory_space<vmem>> -> memref<1x64x128xf32, #tpu.memory_space<vmem>>
          %dma_wait3A_211 = tpu.memref_squeeze %dma_wait3A_210 : memref<1x64x128xf32, #tpu.memory_space<vmem>> -> memref<64x128xf32, #tpu.memory_space<vmem>>
          %dma_wait3A_212 = arith.constant 0 : i32
          %dma_wait3A_213 = arith.constant 0 : i32
          %dma_wait3A_214 = tpu.memref_slice %arg10[%dma_wait3A_212, %dma_wait3A_213] : memref<10240x128xf32, #tpu.memory_space<vmem_shared>> -> memref<64x128xf32, #tpu.memory_space<vmem_shared>>
          %dma_wait3A_215 = arith.constant 0 : i32
          %dma_wait3A_216 = arith.constant 0 : i32
          %dma_wait3A_217 = tpu.memref_slice %arg10[%dma_wait3A_215, %dma_wait3A_216] : memref<10240x128xf32, #tpu.memory_space<vmem_shared>> -> memref<64x128xf32, #tpu.memory_space<vmem_shared>>
          %dma_wait3A_218 = arith.constant 0 : i32
          %dma_wait3A_219 = arith.constant 0 : i32
          %dma_wait3A_220 = tpu.memref_slice %arg9[%dma_wait3A_207, %dma_wait3A_218, %dma_wait3A_219] : memref<4x64x128xf32, #tpu.memory_space<vmem>> -> memref<1x64x128xf32, #tpu.memory_space<vmem>>
          %dma_wait3A_221 = tpu.memref_squeeze %dma_wait3A_220 : memref<1x64x128xf32, #tpu.memory_space<vmem>> -> memref<64x128xf32, #tpu.memory_space<vmem>>
          tpu.wait_dma2 semaphore(%arg16 : memref<!tpu.dma_semaphore, #tpu.memory_space<semaphore_mem>>) src(%dma_wait3A_221 : memref<64x128xf32, #tpu.memory_space<vmem>>) dst(%dma_wait3A_217 : memref<64x128xf32, #tpu.memory_space<vmem_shared>>)
          %dma_wait3A_222 = arith.constant 2 : i32
          %dma_wait3A_223 = arith.constant 0 : i32
          %dma_wait3A_224 = arith.constant 0 : i32
          %dma_wait3A_225 = tpu.memref_slice %arg9[%dma_wait3A_222, %dma_wait3A_223, %dma_wait3A_224] : memref<4x64x128xf32, #tpu.memory_space<vmem>> -> memref<1x64x128xf32, #tpu.memory_space<vmem>>
          %dma_wait3A_226 = tpu.memref_squeeze %dma_wait3A_225 : memref<1x64x128xf32, #tpu.memory_space<vmem>> -> memref<64x128xf32, #tpu.memory_space<vmem>>
          %dma_wait3A_227 = arith.constant 0 : i32
          %dma_wait3A_228 = arith.constant 0 : i32
          %dma_wait3A_229 = tpu.memref_slice %arg10[%dma_wait3A_227, %dma_wait3A_228] : memref<10240x128xf32, #tpu.memory_space<vmem_shared>> -> memref<64x128xf32, #tpu.memory_space<vmem_shared>>
          %dma_wait3A_230 = arith.constant 0 : i32
          %dma_wait3A_231 = arith.constant 0 : i32
          %dma_wait3A_232 = tpu.memref_slice %arg10[%dma_wait3A_230, %dma_wait3A_231] : memref<10240x128xf32, #tpu.memory_space<vmem_shared>> -> memref<64x128xf32, #tpu.memory_space<vmem_shared>>
          %dma_wait3A_233 = arith.constant 0 : i32
          %dma_wait3A_234 = arith.constant 0 : i32
          %dma_wait3A_235 = tpu.memref_slice %arg9[%dma_wait3A_222, %dma_wait3A_233, %dma_wait3A_234] : memref<4x64x128xf32, #tpu.memory_space<vmem>> -> memref<1x64x128xf32, #tpu.memory_space<vmem>>
          %dma_wait3A_236 = tpu.memref_squeeze %dma_wait3A_235 : memref<1x64x128xf32, #tpu.memory_space<vmem>> -> memref<64x128xf32, #tpu.memory_space<vmem>>
          tpu.wait_dma2 semaphore(%arg17 : memref<!tpu.dma_semaphore, #tpu.memory_space<semaphore_mem>>) src(%dma_wait3A_236 : memref<64x128xf32, #tpu.memory_space<vmem>>) dst(%dma_wait3A_232 : memref<64x128xf32, #tpu.memory_space<vmem_shared>>)
          %dma_wait3A_237 = arith.constant 3 : i32
          %dma_wait3A_238 = arith.constant 0 : i32
          %dma_wait3A_239 = arith.constant 0 : i32
          %dma_wait3A_240 = tpu.memref_slice %arg9[%dma_wait3A_237, %dma_wait3A_238, %dma_wait3A_239] : memref<4x64x128xf32, #tpu.memory_space<vmem>> -> memref<1x64x128xf32, #tpu.memory_space<vmem>>
          %dma_wait3A_241 = tpu.memref_squeeze %dma_wait3A_240 : memref<1x64x128xf32, #tpu.memory_space<vmem>> -> memref<64x128xf32, #tpu.memory_space<vmem>>
          %dma_wait3A_242 = arith.constant 0 : i32
          %dma_wait3A_243 = arith.constant 0 : i32
          %dma_wait3A_244 = tpu.memref_slice %arg10[%dma_wait3A_242, %dma_wait3A_243] : memref<10240x128xf32, #tpu.memory_space<vmem_shared>> -> memref<64x128xf32, #tpu.memory_space<vmem_shared>>
          %dma_wait3A_245 = arith.constant 0 : i32
          %dma_wait3A_246 = arith.constant 0 : i32
          %dma_wait3A_247 = tpu.memref_slice %arg10[%dma_wait3A_245, %dma_wait3A_246] : memref<10240x128xf32, #tpu.memory_space<vmem_shared>> -> memref<64x128xf32, #tpu.memory_space<vmem_shared>>
          %dma_wait3A_248 = arith.constant 0 : i32
          %dma_wait3A_249 = arith.constant 0 : i32
          %dma_wait3A_250 = tpu.memref_slice %arg9[%dma_wait3A_237, %dma_wait3A_248, %dma_wait3A_249] : memref<4x64x128xf32, #tpu.memory_space<vmem>> -> memref<1x64x128xf32, #tpu.memory_space<vmem>>
          %dma_wait3A_251 = tpu.memref_squeeze %dma_wait3A_250 : memref<1x64x128xf32, #tpu.memory_space<vmem>> -> memref<64x128xf32, #tpu.memory_space<vmem>>
          tpu.wait_dma2 semaphore(%arg18 : memref<!tpu.dma_semaphore, #tpu.memory_space<semaphore_mem>>) src(%dma_wait3A_251 : memref<64x128xf32, #tpu.memory_space<vmem>>) dst(%dma_wait3A_247 : memref<64x128xf32, #tpu.memory_space<vmem_shared>>)
        } else {
        }
      }
      %scan3A_65 = arith.constant 10 : i32
    }
    %scan3A_7 = arith.constant 8 : i32
    %barrier3A_8 = arith.constant 0 : index
    tpu.barrier barrier_id(%barrier3A_8)
    "tpu.region"() ({
      %run_scoped3A = tpu.sem_alloc : memref<!tpu.dma_semaphore, #tpu.memory_space<semaphore_mem>>
      %dma_start3A = arith.constant 0 : i32
      %dma_start3A_9 = arith.constant 0 : i32
      %dma_start3A_10 = tpu.memref_slice %arg6[%arg0, %dma_start3A, %dma_start3A_9] : memref<2x10240x128xf32, #tpu.memory_space<hbm>> -> memref<1x10240x128xf32, #tpu.memory_space<hbm>>
      %dma_start3A_11 = tpu.memref_squeeze %dma_start3A_10 : memref<1x10240x128xf32, #tpu.memory_space<hbm>> -> memref<10240x128xf32, #tpu.memory_space<hbm>>
      %dma_start3A_12 = arith.constant 0 : i32
      %dma_start3A_13 = tpu.memref_slice %dma_start3A_11[%multiple_of3A, %dma_start3A_12] : memref<10240x128xf32, #tpu.memory_space<hbm>> -> memref<640x128xf32, #tpu.memory_space<hbm>>
      %dma_start3A_14 = arith.constant 0 : i32
      %dma_start3A_15 = tpu.memref_slice %arg10[%multiple_of3A, %dma_start3A_14] : memref<10240x128xf32, #tpu.memory_space<vmem_shared>> -> memref<640x128xf32, #tpu.memory_space<vmem_shared>>
      tpu.enqueue_dma source(%dma_start3A_15 : memref<640x128xf32, #tpu.memory_space<vmem_shared>>) target(%dma_start3A_13 : memref<640x128xf32, #tpu.memory_space<hbm>>) target_semaphore(%run_scoped3A : memref<!tpu.dma_semaphore, #tpu.memory_space<semaphore_mem>>)
      %dma_wait3A = arith.constant 0 : i32
      %dma_wait3A_16 = arith.constant 0 : i32
      %dma_wait3A_17 = tpu.memref_slice %arg6[%arg0, %dma_wait3A, %dma_wait3A_16] : memref<2x10240x128xf32, #tpu.memory_space<hbm>> -> memref<1x10240x128xf32, #tpu.memory_space<hbm>>
      %dma_wait3A_18 = tpu.memref_squeeze %dma_wait3A_17 : memref<1x10240x128xf32, #tpu.memory_space<hbm>> -> memref<10240x128xf32, #tpu.memory_space<hbm>>
      %dma_wait3A_19 = arith.constant 0 : i32
      %dma_wait3A_20 = tpu.memref_slice %dma_wait3A_18[%multiple_of3A, %dma_wait3A_19] : memref<10240x128xf32, #tpu.memory_space<hbm>> -> memref<640x128xf32, #tpu.memory_space<hbm>>
      %dma_wait3A_21 = arith.constant 0 : i32
      %dma_wait3A_22 = tpu.memref_slice %arg10[%multiple_of3A, %dma_wait3A_21] : memref<10240x128xf32, #tpu.memory_space<vmem_shared>> -> memref<640x128xf32, #tpu.memory_space<vmem_shared>>
      tpu.wait_dma2 semaphore(%run_scoped3A : memref<!tpu.dma_semaphore, #tpu.memory_space<semaphore_mem>>) src(%dma_wait3A_22 : memref<640x128xf32, #tpu.memory_space<vmem_shared>>) dst(%dma_wait3A_20 : memref<640x128xf32, #tpu.memory_space<hbm>>)
      tpu.yield
    }) : () -> ()
    return
  }
}

module attributes {stable_mosaic.version = 14 : i64} {
  func.func @_k1_body(%arg0: i32, %arg1: i32, %arg2: memref<400x128xf32, #tpu.memory_space<vmem>>, %arg3: memref<1x128x128xf32, #tpu.memory_space<vmem>>, %arg4: memref<1x400x1xf32, #tpu.memory_space<vmem>>, %arg5: memref<1x400x128xf32, #tpu.memory_space<vmem>>, %arg6: memref<1x400x1xf32, #tpu.memory_space<vmem>>) attributes {dimension_semantics = [#tpu.dimension_semantics<arbitrary>, #tpu.dimension_semantics<arbitrary>], iteration_bounds = array<i64: 2, 25>, scalar_prefetch = 0 : i64, scratch_operands = 0 : i64, tpu.core_type = #tpu.core_type<tc>, window_params = [{transform_indices = @transform_0, window_bounds = array<i64: 400, 128>}, {transform_indices = @transform_1, window_bounds = array<i64: 1, 128, 128>}, {transform_indices = @transform_2, window_bounds = array<i64: 1, 400, 1>}, {transform_indices = @transform_3, window_bounds = array<i64: 1, 400, 128>}, {transform_indices = @transform_4, window_bounds = array<i64: 1, 400, 1>}]} {
    %get3A = arith.constant 0 : index
    %get3A_0 = arith.constant 0 : index
    %get3A_1 = arith.constant 0 : index
    %get3A_2 = vector.load %arg4[%get3A, %get3A_0, %get3A_1] : memref<1x400x1xf32, #tpu.memory_space<vmem>>, vector<1x400x1xf32>
    %add3A = arith.constant 1.000000e+00 : f32
    %add3A_3 = vector.broadcast %add3A : f32 to vector<1x400x1xf32>
    %add3A_4 = arith.addf %get3A_2, %add3A_3 : vector<1x400x1xf32>
    %rsqrt3A = math.rsqrt %add3A_4 : vector<1x400x1xf32>
    %get3A_5 = arith.constant 0 : index
    %get3A_6 = arith.constant 0 : index
    %get3A_7 = vector.load %arg2[%get3A_5, %get3A_6] : memref<400x128xf32, #tpu.memory_space<vmem>>, vector<400x128xf32>
    %get3A_8 = arith.constant 0 : index
    %get3A_9 = arith.constant 0 : index
    %get3A_10 = arith.constant 0 : index
    %get3A_11 = vector.load %arg3[%get3A_8, %get3A_9, %get3A_10] : memref<1x128x128xf32, #tpu.memory_space<vmem>>, vector<1x128x128xf32>
    %get3A_12 = vector.shape_cast %get3A_11 : vector<1x128x128xf32> to vector<128x128xf32>
    %dot_general3A = arith.constant dense<0.000000e+00> : vector<400x128xf32>
    %dot_general3A_13 = tpu.matmul %get3A_7, %get3A_12, %dot_general3A {dimension_numbers = #tpu.dot_dimension_numbers<[1], [0], [0], [1], [0, 0, 1, 1], [], []>, transpose_lhs_hint = false} : vector<400x128xf32>, vector<128x128xf32>, vector<400x128xf32> -> vector<400x128xf32>
    %squeeze3A = vector.shape_cast %rsqrt3A : vector<1x400x1xf32> to vector<400x1xf32>
    %mul3A = vector.broadcast %squeeze3A : vector<400x1xf32> to vector<400x128xf32>
    %mul3A_14 = arith.mulf %mul3A, %dot_general3A_13 : vector<400x128xf32>
    %broadcast_in_dim3A = vector.shape_cast %mul3A_14 : vector<400x128xf32> to vector<1x400x128xf32>
    %swap3A = arith.constant 0 : index
    %swap3A_15 = arith.constant 0 : index
    %swap3A_16 = arith.constant 0 : index
    %swap3A_17 = vector.load %arg5[%swap3A, %swap3A_15, %swap3A_16] : memref<1x400x128xf32, #tpu.memory_space<vmem>>, vector<1x400x128xf32>
    tpu.vector_store %arg5[%swap3A, %swap3A_15, %swap3A_16], %broadcast_in_dim3A {strides = array<i32>} : memref<1x400x128xf32, #tpu.memory_space<vmem>>, vector<1x400x128xf32>,
    %swap3A_18 = arith.constant 0 : index
    %swap3A_19 = arith.constant 0 : index
    %swap3A_20 = arith.constant 0 : index
    %swap3A_21 = vector.load %arg6[%swap3A_18, %swap3A_19, %swap3A_20] : memref<1x400x1xf32, #tpu.memory_space<vmem>>, vector<1x400x1xf32>
    tpu.vector_store %arg6[%swap3A_18, %swap3A_19, %swap3A_20], %rsqrt3A {strides = array<i32>} : memref<1x400x1xf32, #tpu.memory_space<vmem>>, vector<1x400x1xf32>,
    return
  }
  func.func @transform_0(%arg0: i32, %arg1: i32) -> (i32, i32) {
    %c0_i32 = arith.constant 0 : i32
    %c0_i32_0 = arith.constant 0 : i32
    return %arg1, %c0_i32 : i32, i32
  }
  func.func @transform_1(%arg0: i32, %arg1: i32) -> (i32, i32, i32) {
    %c0_i32 = arith.constant 0 : i32
    %c0_i32_0 = arith.constant 0 : i32
    %c0_i32_1 = arith.constant 0 : i32
    return %arg0, %c0_i32, %c0_i32_0 : i32, i32, i32
  }
  func.func @transform_2(%arg0: i32, %arg1: i32) -> (i32, i32, i32) {
    %c0_i32 = arith.constant 0 : i32
    %c0_i32_0 = arith.constant 0 : i32
    return %arg0, %arg1, %c0_i32 : i32, i32, i32
  }
  func.func @transform_3(%arg0: i32, %arg1: i32) -> (i32, i32, i32) {
    %c0_i32 = arith.constant 0 : i32
    %c0_i32_0 = arith.constant 0 : i32
    return %arg0, %arg1, %c0_i32 : i32, i32, i32
  }
  func.func @transform_4(%arg0: i32, %arg1: i32) -> (i32, i32, i32) {
    %c0_i32 = arith.constant 0 : i32
    %c0_i32_0 = arith.constant 0 : i32
    return %arg0, %arg1, %c0_i32 : i32, i32, i32
  }
}

module attributes {stable_mosaic.version = 14 : i64} {
  func.func @_k2_body(%arg0: i32, %arg1: i32, %arg2: memref<2x400x128xf32, #tpu.memory_space<vmem>>, %arg3: memref<2x400x128xf32, #tpu.memory_space<vmem>>, %arg4: memref<2x400x1xf32, #tpu.memory_space<vmem>>, %arg5: memref<2x1x128xf32, #tpu.memory_space<vmem>>, %arg6: memref<1x128x128xf32, #tpu.memory_space<vmem>>, %arg7: memref<1x400x128xf32, #tpu.memory_space<vmem>>) attributes {dimension_semantics = [#tpu.dimension_semantics<arbitrary>, #tpu.dimension_semantics<arbitrary>], iteration_bounds = array<i64: 2, 25>, scalar_prefetch = 0 : i64, scratch_operands = 0 : i64, tpu.core_type = #tpu.core_type<tc>, window_params = [{transform_indices = @transform_0, window_bounds = array<i64: 2, 400, 128>}, {transform_indices = @transform_1, window_bounds = array<i64: 2, 400, 128>}, {transform_indices = @transform_2, window_bounds = array<i64: 2, 400, 1>}, {pipeline_mode = #tpu.pipeline_mode<synchronous>, transform_indices = @transform_3, window_bounds = array<i64: 2, 1, 128>}, {transform_indices = @transform_4, window_bounds = array<i64: 1, 128, 128>}, {transform_indices = @transform_5, window_bounds = array<i64: 1, 400, 128>}]} {
    %get3A = arith.constant 0 : index
    %get3A_0 = arith.constant 0 : index
    %get3A_1 = arith.constant 0 : index
    %get3A_2 = vector.load %arg4[%get3A, %get3A_0, %get3A_1] : memref<2x400x1xf32, #tpu.memory_space<vmem>>, vector<2x400x1xf32>
    %slice3A = vector.extract_strided_slice %get3A_2 {offsets = [0, 0, 0], sizes = [1, 400, 1], strides = [1, 1, 1]} : vector<2x400x1xf32> to vector<1x400x1xf32>
    %squeeze3A = vector.shape_cast %slice3A : vector<1x400x1xf32> to vector<400x1xf32>
    %get3A_3 = arith.constant 0 : index
    %get3A_4 = arith.constant 0 : index
    %get3A_5 = arith.constant 0 : index
    %get3A_6 = vector.load %arg2[%get3A_3, %get3A_4, %get3A_5] : memref<2x400x128xf32, #tpu.memory_space<vmem>>, vector<1x400x128xf32>
    %get3A_7 = vector.shape_cast %get3A_6 : vector<1x400x128xf32> to vector<400x128xf32>
    %get3A_8 = arith.constant 0 : index
    %get3A_9 = arith.constant 0 : index
    %get3A_10 = arith.constant 0 : index
    %get3A_11 = vector.load %arg3[%get3A_8, %get3A_9, %get3A_10] : memref<2x400x128xf32, #tpu.memory_space<vmem>>, vector<1x400x128xf32>
    %get3A_12 = vector.shape_cast %get3A_11 : vector<1x400x128xf32> to vector<400x128xf32>
    %add3A = arith.addf %get3A_7, %get3A_12 : vector<400x128xf32>
    %mul3A = vector.broadcast %squeeze3A : vector<400x1xf32> to vector<400x128xf32>
    %mul3A_13 = arith.mulf %mul3A, %add3A : vector<400x128xf32>
    %get3A_14 = arith.constant 0 : index
    %get3A_15 = arith.constant 0 : index
    %get3A_16 = arith.constant 0 : index
    %get3A_17 = vector.load %arg5[%get3A_14, %get3A_15, %get3A_16] : memref<2x1x128xf32, #tpu.memory_space<vmem>>, vector<1x1x128xf32>
    %get3A_18 = vector.shape_cast %get3A_17 : vector<1x1x128xf32> to vector<1x128xf32>
    %add3A_19 = vector.broadcast %get3A_18 : vector<1x128xf32> to vector<400x128xf32>
    %add3A_20 = arith.addf %mul3A_13, %add3A_19 : vector<400x128xf32>
    %slice3A_21 = vector.extract_strided_slice %get3A_2 {offsets = [1, 0, 0], sizes = [1, 400, 1], strides = [1, 1, 1]} : vector<2x400x1xf32> to vector<1x400x1xf32>
    %squeeze3A_22 = vector.shape_cast %slice3A_21 : vector<1x400x1xf32> to vector<400x1xf32>
    %get3A_23 = arith.constant 1 : index
    %get3A_24 = arith.constant 0 : index
    %get3A_25 = arith.constant 0 : index
    %get3A_26 = vector.load %arg2[%get3A_23, %get3A_24, %get3A_25] : memref<2x400x128xf32, #tpu.memory_space<vmem>>, vector<1x400x128xf32>
    %get3A_27 = vector.shape_cast %get3A_26 : vector<1x400x128xf32> to vector<400x128xf32>
    %get3A_28 = arith.constant 1 : index
    %get3A_29 = arith.constant 0 : index
    %get3A_30 = arith.constant 0 : index
    %get3A_31 = vector.load %arg3[%get3A_28, %get3A_29, %get3A_30] : memref<2x400x128xf32, #tpu.memory_space<vmem>>, vector<1x400x128xf32>
    %get3A_32 = vector.shape_cast %get3A_31 : vector<1x400x128xf32> to vector<400x128xf32>
    %add3A_33 = arith.addf %get3A_27, %get3A_32 : vector<400x128xf32>
    %mul3A_34 = vector.broadcast %squeeze3A_22 : vector<400x1xf32> to vector<400x128xf32>
    %mul3A_35 = arith.mulf %mul3A_34, %add3A_33 : vector<400x128xf32>
    %add3A_36 = arith.addf %add3A_20, %mul3A_35 : vector<400x128xf32>
    %get3A_37 = arith.constant 1 : index
    %get3A_38 = arith.constant 0 : index
    %get3A_39 = arith.constant 0 : index
    %get3A_40 = vector.load %arg5[%get3A_37, %get3A_38, %get3A_39] : memref<2x1x128xf32, #tpu.memory_space<vmem>>, vector<1x1x128xf32>
    %get3A_41 = vector.shape_cast %get3A_40 : vector<1x1x128xf32> to vector<1x128xf32>
    %add3A_42 = vector.broadcast %get3A_41 : vector<1x128xf32> to vector<400x128xf32>
    %add3A_43 = arith.addf %add3A_36, %add3A_42 : vector<400x128xf32>
    %max3A = arith.constant 0.000000e+00 : f32
    %max3A_44 = vector.broadcast %max3A : f32 to vector<400x128xf32>
    %max3A_45 = arith.maximumf %add3A_43, %max3A_44 : vector<400x128xf32>
    %eq3A = arith.constant 0 : i32
    %eq3A_46 = arith.cmpi eq, %arg0, %eq3A : i32
    %slice3A_47 = vector.extract_strided_slice %get3A_2 {offsets = [0, 0, 0], sizes = [1, 400, 1], strides = [1, 1, 1]} : vector<2x400x1xf32> to vector<1x400x1xf32>
    %squeeze3A_48 = vector.shape_cast %slice3A_47 : vector<1x400x1xf32> to vector<400x1xf32>
    %slice3A_49 = vector.extract_strided_slice %get3A_2 {offsets = [1, 0, 0], sizes = [1, 400, 1], strides = [1, 1, 1]} : vector<2x400x1xf32> to vector<1x400x1xf32>
    %squeeze3A_50 = vector.shape_cast %slice3A_49 : vector<1x400x1xf32> to vector<400x1xf32>
    %select_n3A = arith.select %eq3A_46, %squeeze3A_48, %squeeze3A_50 : vector<400x1xf32>
    %get3A_51 = arith.constant 0 : index
    %get3A_52 = arith.constant 0 : index
    %get3A_53 = arith.constant 0 : index
    %get3A_54 = vector.load %arg6[%get3A_51, %get3A_52, %get3A_53] : memref<1x128x128xf32, #tpu.memory_space<vmem>>, vector<1x128x128xf32>
    %get3A_55 = vector.shape_cast %get3A_54 : vector<1x128x128xf32> to vector<128x128xf32>
    %dot_general3A = arith.constant dense<0.000000e+00> : vector<400x128xf32>
    %dot_general3A_56 = tpu.matmul %max3A_45, %get3A_55, %dot_general3A {dimension_numbers = #tpu.dot_dimension_numbers<[1], [0], [0], [1], [0, 0, 1, 1], [], []>, transpose_lhs_hint = false} : vector<400x128xf32>, vector<128x128xf32>, vector<400x128xf32> -> vector<400x128xf32>
    %mul3A_57 = vector.broadcast %select_n3A : vector<400x1xf32> to vector<400x128xf32>
    %mul3A_58 = arith.mulf %mul3A_57, %dot_general3A_56 : vector<400x128xf32>
    %broadcast_in_dim3A = vector.shape_cast %mul3A_58 : vector<400x128xf32> to vector<1x400x128xf32>
    %swap3A = arith.constant 0 : index
    %swap3A_59 = arith.constant 0 : index
    %swap3A_60 = arith.constant 0 : index
    %swap3A_61 = vector.load %arg7[%swap3A, %swap3A_59, %swap3A_60] : memref<1x400x128xf32, #tpu.memory_space<vmem>>, vector<1x400x128xf32>
    tpu.vector_store %arg7[%swap3A, %swap3A_59, %swap3A_60], %broadcast_in_dim3A {strides = array<i32>} : memref<1x400x128xf32, #tpu.memory_space<vmem>>, vector<1x400x128xf32>,
    return
  }
  func.func @transform_0(%arg0: i32, %arg1: i32) -> (i32, i32, i32) {
    %c0_i32 = arith.constant 0 : i32
    %c0_i32_0 = arith.constant 0 : i32
    %c0_i32_1 = arith.constant 0 : i32
    return %c0_i32, %arg1, %c0_i32_0 : i32, i32, i32
  }
  func.func @transform_1(%arg0: i32, %arg1: i32) -> (i32, i32, i32) {
    %c0_i32 = arith.constant 0 : i32
    %c0_i32_0 = arith.constant 0 : i32
    %c0_i32_1 = arith.constant 0 : i32
    return %c0_i32, %arg1, %c0_i32_0 : i32, i32, i32
  }
  func.func @transform_2(%arg0: i32, %arg1: i32) -> (i32, i32, i32) {
    %c0_i32 = arith.constant 0 : i32
    %c0_i32_0 = arith.constant 0 : i32
    %c0_i32_1 = arith.constant 0 : i32
    return %c0_i32, %arg1, %c0_i32_0 : i32, i32, i32
  }
  func.func @transform_3(%arg0: i32, %arg1: i32) -> (i32, i32, i32) {
    %c0_i32 = arith.constant 0 : i32
    %c0_i32_0 = arith.constant 0 : i32
    %c0_i32_1 = arith.constant 0 : i32
    %c0_i32_2 = arith.constant 0 : i32
    return %c0_i32, %c0_i32_0, %c0_i32_1 : i32, i32, i32
  }
  func.func @transform_4(%arg0: i32, %arg1: i32) -> (i32, i32, i32) {
    %c0_i32 = arith.constant 0 : i32
    %c0_i32_0 = arith.constant 0 : i32
    %c0_i32_1 = arith.constant 0 : i32
    return %arg0, %c0_i32, %c0_i32_0 : i32, i32, i32
  }
  func.func @transform_5(%arg0: i32, %arg1: i32) -> (i32, i32, i32) {
    %c0_i32 = arith.constant 0 : i32
    %c0_i32_0 = arith.constant 0 : i32
    return %arg0, %arg1, %c0_i32 : i32, i32, i32
  }
}

module attributes {stable_mosaic.version = 14 : i64} {
  func.func @_k3_body(%arg0: i32, %arg1: memref<2x400x128xf32, #tpu.memory_space<vmem>>, %arg2: memref<2x400x128xf32, #tpu.memory_space<vmem>>, %arg3: memref<2x400x1xf32, #tpu.memory_space<vmem>>, %arg4: memref<2x1x128xf32, #tpu.memory_space<vmem>>, %arg5: memref<400x128xf32, #tpu.memory_space<vmem>>) attributes {dimension_semantics = [#tpu.dimension_semantics<arbitrary>], iteration_bounds = array<i64: 25>, scalar_prefetch = 0 : i64, scratch_operands = 0 : i64, tpu.core_type = #tpu.core_type<tc>, window_params = [{transform_indices = @transform_0, window_bounds = array<i64: 2, 400, 128>}, {transform_indices = @transform_1, window_bounds = array<i64: 2, 400, 128>}, {transform_indices = @transform_2, window_bounds = array<i64: 2, 400, 1>}, {pipeline_mode = #tpu.pipeline_mode<synchronous>, transform_indices = @transform_3, window_bounds = array<i64: 2, 1, 128>}, {transform_indices = @transform_4, window_bounds = array<i64: 400, 128>}]} {
    %get3A = arith.constant 0 : index
    %get3A_0 = arith.constant 0 : index
    %get3A_1 = arith.constant 0 : index
    %get3A_2 = vector.load %arg3[%get3A, %get3A_0, %get3A_1] : memref<2x400x1xf32, #tpu.memory_space<vmem>>, vector<2x400x1xf32>
    %slice3A = vector.extract_strided_slice %get3A_2 {offsets = [0, 0, 0], sizes = [1, 400, 1], strides = [1, 1, 1]} : vector<2x400x1xf32> to vector<1x400x1xf32>
    %squeeze3A = vector.shape_cast %slice3A : vector<1x400x1xf32> to vector<400x1xf32>
    %get3A_3 = arith.constant 0 : index
    %get3A_4 = arith.constant 0 : index
    %get3A_5 = arith.constant 0 : index
    %get3A_6 = vector.load %arg1[%get3A_3, %get3A_4, %get3A_5] : memref<2x400x128xf32, #tpu.memory_space<vmem>>, vector<1x400x128xf32>
    %get3A_7 = vector.shape_cast %get3A_6 : vector<1x400x128xf32> to vector<400x128xf32>
    %get3A_8 = arith.constant 0 : index
    %get3A_9 = arith.constant 0 : index
    %get3A_10 = arith.constant 0 : index
    %get3A_11 = vector.load %arg2[%get3A_8, %get3A_9, %get3A_10] : memref<2x400x128xf32, #tpu.memory_space<vmem>>, vector<1x400x128xf32>
    %get3A_12 = vector.shape_cast %get3A_11 : vector<1x400x128xf32> to vector<400x128xf32>
    %add3A = arith.addf %get3A_7, %get3A_12 : vector<400x128xf32>
    %mul3A = vector.broadcast %squeeze3A : vector<400x1xf32> to vector<400x128xf32>
    %mul3A_13 = arith.mulf %mul3A, %add3A : vector<400x128xf32>
    %get3A_14 = arith.constant 0 : index
    %get3A_15 = arith.constant 0 : index
    %get3A_16 = arith.constant 0 : index
    %get3A_17 = vector.load %arg4[%get3A_14, %get3A_15, %get3A_16] : memref<2x1x128xf32, #tpu.memory_space<vmem>>, vector<1x1x128xf32>
    %get3A_18 = vector.shape_cast %get3A_17 : vector<1x1x128xf32> to vector<1x128xf32>
    %add3A_19 = vector.broadcast %get3A_18 : vector<1x128xf32> to vector<400x128xf32>
    %add3A_20 = arith.addf %mul3A_13, %add3A_19 : vector<400x128xf32>
    %slice3A_21 = vector.extract_strided_slice %get3A_2 {offsets = [1, 0, 0], sizes = [1, 400, 1], strides = [1, 1, 1]} : vector<2x400x1xf32> to vector<1x400x1xf32>
    %squeeze3A_22 = vector.shape_cast %slice3A_21 : vector<1x400x1xf32> to vector<400x1xf32>
    %get3A_23 = arith.constant 1 : index
    %get3A_24 = arith.constant 0 : index
    %get3A_25 = arith.constant 0 : index
    %get3A_26 = vector.load %arg1[%get3A_23, %get3A_24, %get3A_25] : memref<2x400x128xf32, #tpu.memory_space<vmem>>, vector<1x400x128xf32>
    %get3A_27 = vector.shape_cast %get3A_26 : vector<1x400x128xf32> to vector<400x128xf32>
    %get3A_28 = arith.constant 1 : index
    %get3A_29 = arith.constant 0 : index
    %get3A_30 = arith.constant 0 : index
    %get3A_31 = vector.load %arg2[%get3A_28, %get3A_29, %get3A_30] : memref<2x400x128xf32, #tpu.memory_space<vmem>>, vector<1x400x128xf32>
    %get3A_32 = vector.shape_cast %get3A_31 : vector<1x400x128xf32> to vector<400x128xf32>
    %add3A_33 = arith.addf %get3A_27, %get3A_32 : vector<400x128xf32>
    %mul3A_34 = vector.broadcast %squeeze3A_22 : vector<400x1xf32> to vector<400x128xf32>
    %mul3A_35 = arith.mulf %mul3A_34, %add3A_33 : vector<400x128xf32>
    %add3A_36 = arith.addf %add3A_20, %mul3A_35 : vector<400x128xf32>
    %get3A_37 = arith.constant 1 : index
    %get3A_38 = arith.constant 0 : index
    %get3A_39 = arith.constant 0 : index
    %get3A_40 = vector.load %arg4[%get3A_37, %get3A_38, %get3A_39] : memref<2x1x128xf32, #tpu.memory_space<vmem>>, vector<1x1x128xf32>
    %get3A_41 = vector.shape_cast %get3A_40 : vector<1x1x128xf32> to vector<1x128xf32>
    %add3A_42 = vector.broadcast %get3A_41 : vector<1x128xf32> to vector<400x128xf32>
    %add3A_43 = arith.addf %add3A_36, %add3A_42 : vector<400x128xf32>
    %swap3A = arith.constant 0 : index
    %swap3A_44 = arith.constant 0 : index
    %swap3A_45 = vector.load %arg5[%swap3A, %swap3A_44] : memref<400x128xf32, #tpu.memory_space<vmem>>, vector<400x128xf32>
    tpu.vector_store %arg5[%swap3A, %swap3A_44], %add3A_43 {strides = array<i32>} : memref<400x128xf32, #tpu.memory_space<vmem>>, vector<400x128xf32>,
    return
  }
  func.func @transform_0(%arg0: i32) -> (i32, i32, i32) {
    %c0_i32 = arith.constant 0 : i32
    %c0_i32_0 = arith.constant 0 : i32
    %c0_i32_1 = arith.constant 0 : i32
    return %c0_i32, %arg0, %c0_i32_0 : i32, i32, i32
  }
  func.func @transform_1(%arg0: i32) -> (i32, i32, i32) {
    %c0_i32 = arith.constant 0 : i32
    %c0_i32_0 = arith.constant 0 : i32
    %c0_i32_1 = arith.constant 0 : i32
    return %c0_i32, %arg0, %c0_i32_0 : i32, i32, i32
  }
  func.func @transform_2(%arg0: i32) -> (i32, i32, i32) {
    %c0_i32 = arith.constant 0 : i32
    %c0_i32_0 = arith.constant 0 : i32
    %c0_i32_1 = arith.constant 0 : i32
    return %c0_i32, %arg0, %c0_i32_0 : i32, i32, i32
  }
  func.func @transform_3(%arg0: i32) -> (i32, i32, i32) {
    %c0_i32 = arith.constant 0 : i32
    %c0_i32_0 = arith.constant 0 : i32
    %c0_i32_1 = arith.constant 0 : i32
    %c0_i32_2 = arith.constant 0 : i32
    return %c0_i32, %c0_i32_0, %c0_i32_1 : i32, i32, i32
  }
  func.func @transform_4(%arg0: i32) -> (i32, i32) {
    %c0_i32 = arith.constant 0 : i32
    %c0_i32_0 = arith.constant 0 : i32
    return %arg0, %c0_i32 : i32, i32
  }
}

</mosaic_0001>

<sc_bundles>
// kernel: kernel.11.cloned.1.call-start
scs
__scs_entry_jumppad:
0x0: {  	(pc) =	sbr.rel $0x88, $3  }
0x1: {  	(tag) =	ssettag $0x0;
	lr =	simm.s32 $0x1  }
0x2: {  	[smem:$0x3F96] =	sst lr;
	_ =	strace $0xD0000000  }
0x3: {  	_ = 	snop  }
0x4: {  	_ = 	snop  }
0x5: {  	_ = 	snop  }
0x6: {  	_ = 	snop  }
0x7: {  	_ = 	snop  }
__scs_overlays_trampoline_lowered:
0x8: {  	[smem:$0x3FA5] =	sst s0  }
0x9: {  	[smem:$0x3FA6] =	sst s1  }
0xa: {  	[smem:$0x3FA7] =	sst s2  }
0xb: {  	[smem:$0x3FA8] =	sst s3  }
0xc: {  	[smem:$0x3FA9] =	sst s4  }
0xd: {  	[smem:$0x3FAA] =	sst s5  }
0xe: {  	[smem:$0x3FAB] =	sst s6  }
0xf: {  	[smem:$0x3FAC] =	sst s7  }
0x10: {  	[smem:$0x3FAD] =	sst s8  }
0x11: {  	[smem:$0x3FAE] =	sst s9;
	s0 =	simm.s32 @!p0 $0x0  }
0x12: {  	s1 =	sld [smem:$0x3F94];
	s0 =	simm.s32 @p0 $0x1  }
0x13: {  	[smem:$0x3FAF] =	sst s0;
	s0 =	simm.s32 @!p1 $0x0  }
0x14: {  	s2 =	sld [smem:$0x3F93];
	s0 =	simm.s32 @p1 $0x1  }
0x15: {  	[smem:$0x3FB0] =	sst s0;
	s0 =	simm.s32 @!p2 $0x0  }
0x16: {  	s3 =	sld [smem:$0x3FDB];
	s0 =	simm.s32 @p2 $0x1  }
0x17: {  	s4 =	simm.s32 $0x1BF5;
	[smem:$0x3FB2] =	sst s0  }
0x18: {  	s0 =	sld [smem:$0x3F95];
	_ =	swait.ge [sflag:s4], $0x0  }
0x19: {  	s7 =	sld [smem:$0x3F96]  }
0x1a: {  	s8 =	sadd.s32 $0xFFFFE003, lr  }
0x1b: {  	s9 =	sadd.s32 $0xFFFFFEF7, lr;
	s5 =	simm.s32 $0xFFFFFFFF;
	p2 =	slt.u32 s8, $0xFFFFF086  }
0x1c: {  	p1 =	slt.u32 s9, $0xF7A;
	s5 =	simm.s32 @!p2 $0x0  }
0x1d: {  	s5 =	simm.s32 @p1 $0x1;
	p0 =	seq.s32 s7, s2  }
0x1e: {  	s7 =	smul.u32 @!p0 $0xF7A, s2;
	p2 =	seq.s32 @!p0 s5, $0x0  }
0x1f: {  	s9 =	smul.u32 $0xF7A, s1;
	s8 =	simm.s32 @!p0 $0x1BF5;
	p2 =	por !p2, p0  }
0x20: {  	[sflag:s8] =	ssyncset.s32 @!p0 $0xFFFFF086;
	s6 =	sadd.s32 @!p0 s3, s7;
	s7 =	simm.s32 @!p0 $0x108  }
0x21: {  	s3 =	sadd.s32 s3, s9;
	s6 =	sadd.s32 @!p0 $0x88, s6;
	s7 =	simm.s32 @p2 $0x1082  }
0x22: {  	[simem:s7], [sflag:s8] =	dma.local @!p0 [hbm:s6], $0xF7A  }
0x23: {  	s9 =	sor.u32 $0xD0000000, s2;
	s6 =	simm.s32 $0x108;
	_ =	swait.ge @!p0 [sflag:s8], $0x0  }
0x24: {  	s3 =	sadd.s32 $0x88, s3;
	s6 =	simm.s32 @!p1 $0x1082;
	[sflag:s4] =	ssyncset.s32 $0xFFFFF086  }
0x25: {  	[simem:s6], [sflag:s4] =	dma.local [hbm:s3], $0xF7A  }
0x26: {  	[smem:$0x3F96] =	sst s1;
	(tag) =	ssettag s2;
	_ =	strace s9  }
0x27: {  	s1 =	sld [smem:$0x3FA6]  }
0x28: {  	s2 =	sld [smem:$0x3FA7]  }
0x29: {  	s4 =	sld [smem:$0x3FA9]  }
0x2a: {  	p0 =	seq.s32 s5, $0x0;
	s5 =	sld [smem:$0x3FAA]  }
0x2b: {  	s6 =	sld [smem:$0x3FAB]  }
0x2c: {  	s7 =	sld [smem:$0x3FAC]  }
0x2d: {  	s3 =	simm.s32 $0x108;
	s8 =	sld [smem:$0x3FAD]  }
0x2e: {  	s3 =	simm.s32 @!p0 $0x1082;
	s9 =	sld [smem:$0x3FAE]  }
0x2f: {  	lr =	sadd.s32 s0, s3;
	s0 =	sld [smem:$0x3FA5]  }
0x30: {  	s3 =	sld [smem:$0x3FA8]  }
0x31: {  	[smem:$0x3FB1] =	sst s10  }
0x32: {  	s10 =	sld [smem:$0x3FAF];
	_ =	sdelay $0x3  }
0x33: {  	p0 =	seq.s32 s10, $0x1;
	s10 =	sld [smem:$0x3FB1];
	_ =	sdelay $0x3  }
0x34: {  	[smem:$0x3FB1] =	sst s10  }
0x35: {  	s10 =	sld [smem:$0x3FB0];
	_ =	sdelay $0x3  }
0x36: {  	p1 =	seq.s32 s10, $0x1;
	s10 =	sld [smem:$0x3FB1];
	_ =	sdelay $0x3  }
0x37: {  	[smem:$0x3FB1] =	sst s10  }
0x38: {  	s10 =	sld [smem:$0x3FB2]  }
0x39: {  	_ = 	snop;
	(pc) =	sbr.ind lr, $3  }
0x3a: {  	_ = 	snop  }
0x3b: {  	_ = 	snop  }
0x3c: {  	p2 =	seq.s32 s10, $0x1;
	s10 =	sld [smem:$0x3FB1]  }
0x3d: {  	_ =	shalt  }
0x3e: {  	_ =	shalt  }
0x3f: {  	_ =	shalt  }
0x40: {  	_ =	shalt  }
0x41: {  	_ =	shalt  }
0x42: {  	_ =	shalt  }
0x43: {  	_ =	shalt  }
0x44: {  	_ =	shalt  }
0x45: {  	_ =	shalt  }
0x46: {  	_ =	shalt  }
0x47: {  	_ =	shalt  }
0x48: {  	_ =	shalt  }
0x49: {  	_ =	shalt  }
0x4a: {  	_ =	shalt  }
0x4b: {  	_ =	shalt  }
0x4c: {  	_ =	shalt  }
0x4d: {  	_ =	shalt  }
0x4e: {  	_ =	shalt  }
0x4f: {  	_ =	shalt  }
0x50: {  	_ =	shalt  }
0x51: {  	_ =	shalt  }
0x52: {  	_ =	shalt  }
0x53: {  	_ =	shalt  }
0x54: {  	_ =	shalt  }
0x55: {  	_ =	shalt  }
0x56: {  	_ =	shalt  }
0x57: {  	_ =	shalt  }
0x58: {  	_ =	shalt  }
0x59: {  	_ =	shalt  }
0x5a: {  	_ =	shalt  }
0x5b: {  	_ =	shalt  }
0x5c: {  	_ =	shalt  }
0x5d: {  	_ =	shalt  }
0x5e: {  	_ =	shalt  }
0x5f: {  	_ =	shalt  }
0x60: {  	_ =	shalt  }
0x61: {  	_ =	shalt  }
0x62: {  	_ =	shalt  }
0x63: {  	_ =	shalt  }
0x64: {  	_ =	shalt  }
0x65: {  	_ =	shalt  }
0x66: {  	_ =	shalt  }
0x67: {  	_ =	shalt  }
0x68: {  	_ =	shalt  }
0x69: {  	_ =	shalt  }
0x6a: {  	_ =	shalt  }
0x6b: {  	_ =	shalt  }
0x6c: {  	_ =	shalt  }
0x6d: {  	_ =	shalt  }
0x6e: {  	_ =	shalt  }
0x6f: {  	_ =	shalt  }
0x70: {  	_ =	shalt  }
0x71: {  	_ =	shalt  }
0x72: {  	_ =	shalt  }
0x73: {  	_ =	shalt  }
0x74: {  	_ =	shalt  }
0x75: {  	_ =	shalt  }
0x76: {  	_ =	shalt  }
0x77: {  	_ =	shalt  }
0x78: {  	_ =	shalt  }
0x79: {  	_ =	shalt  }
0x7a: {  	_ =	shalt  }
0x7b: {  	_ =	shalt  }
0x7c: {  	_ =	shalt  }
0x7d: {  	_ =	shalt  }
0x7e: {  	_ =	shalt  }
0x7f: {  	_ =	shalt  }
0x80: {  	_ =	shalt  }
0x81: {  	_ =	shalt  }
0x82: {  	_ =	shalt  }
0x83: {  	_ =	shalt  }
0x84: {  	_ =	shalt  }
0x85: {  	_ =	shalt  }
0x86: {  	_ =	shalt  }
0x87: {  	_ =	shalt  }
.Lfunc_end0:
.L_simem_size_0:
called_computation.1_lowered:
.L_overlay_start_0:
0x88: {  	s2 =	sld [smem:$0x3FD9]  }
0x89: {  	s3 =	sld [smem:$0x3FFE];
	_ =	sdelay $0x1  }
0x8a: {  	s1 =	srdreg.scid  }
0x8b: {  	s0 =	sand.u32 $0x1, s1  }
0x8c: {  	s16 =	sshll.u32 s0, $0xA;
	s2 =	sadd.s32 s3, s2  }
0x8d: {  	s2 =	sadd.s32 s2, s16  }
0x8e: {  	[smem:$0x3FBD] =	sst s2  }
0x8f: {  	_ = 	snop  }
0x90: {  	(tm) =	ssettm $0x1  }
0x91: {  	s17 =	sld [smem:$0x3FFB];
	_ =	sdelay $0x3  }
0x92: {  	_ =	strace s17  }
0x93: {  	s2 =	sld [smem:$0x3FFC];
	_ =	sdelay $0x3  }
0x94: {  	_ =	strace s2  }
0x95: {  	s2 =	sld [smem:$0x3FFD];
	_ =	sdelay $0x3  }
0x96: {  	_ =	strace s2  }
0x97: {  	_ =	strace $0x8FFFFFFF  }
0x98: {  	s18 =	sld [smem:$0x3FDB];
	_ =	sdelay $0x1  }
0x99: {  	s19 =	simm.s32 $_scs_section_size  }
0x9a: {  	s4 =	simm.s32 $_size__tile_overlayer_lowered;
	s5 =	simm.s32 $_tile_overlayer_lowered  }
0x9b: {  	s22 =	simm.s32 $0x1BFF;
	s21 =	sshll.u32 s5, $0x1;
	s2 =	sadd.s32 s19, s18  }
0x9c: {  	s6 =	simm.s32 $0x0;
	s20 =	sshll.u32 s4, $0x1;
	s4 =	sadd.s32 s21, s2  }
0x9d: {  	[timem:s6], [sflag:s22] =	dma.local [hbm:s4], s20  }
0x9e: {  	_ =	swait.ge [sflag:s22], s20  }
0x9f: {  	s3 =	ssub.s32 $0x0, s20;
	[sflag:s22] =	ssyncset.done $0x0  }
0xa0: {  	[sflag:s22] =	ssyncadd.s32 s3;
	_ =	sdelay $0x1  }
0xa1: {  	s23 =	simm.s32 $0x1B8B  }
0xa2: {  	_ =	swait.ge [sflag:s23], $0x1  }
0xa3: {  	[sflag:s23] =	ssyncset.done $0x0  }
0xa4: {  	s25 =	simm.s32 $0x1B8E;
	s24 =	sld [smem:$0x3FFE];
	[sflag:s23] =	ssyncadd.s32 $0xFFFFFFFF  }
0xa5: {  	s26 =	simm.s32 $execute0_lowered;
	[smem:$0x3FD2] =	sst s25  }
0xa6: {  	s4 =	sshll.u32 s26, $0x1;
	_ =	strace $0x80000049;
	[dreg:$0x1] =	wrdreg $0xFFFFFFFF  }
0xa7: {  	s28 =	simm.s32 $_size_execute0_lowered;
	s2 =	sadd.s32 s2, s4;
	[dreg:$0x0] =	wrdreg $0x0  }
0xa8: {  	s4 =	sshll.u32 s28, $0x1;
	[dreg:$0x2] =	wrdreg s2  }
0xa9: {  	[dreg:$0x3] =	wrdreg s4  }
0xaa: {  	[dreg:$0x4] =	wrdreg $0xC0  }
0xab: {  	_ =	task [dreg:s6], $0x5FFFF  }
0xac: {  	[dreg:$0x1] =	wrdreg $0xFFFFFFFF  }
0xad: {  	[dreg:$0x0] =	wrdreg $0x60  }
0xae: {  	[dreg:$0x2] =	wrdreg s24  }
0xaf: {  	[dreg:$0x3] =	wrdreg $0xA8000  }
0xb0: {  	[dreg:$0x4] =	wrdreg $0x9  }
0xb1: {  	_ =	task.clear_ibuf [dreg:s6], $0x5FFFF;
	_ =	strace $0x90000049  }
0xb2: {  	s29 =	simm.s32 $0x9;
	_ =	strace $0x8000004B  }
0xb3: {  	_ =	swait.ge [sflag:s29], $0x1  }
0xb4: {  	[sflag:s29] =	ssyncadd.s32 $0xFFFFFFFF  }
0xb5: {  	_ =	strace $0x9000004B  }
0xb6: {  	_ =	sfence  }
0xb7: {  	s30 =	sld [smem:$0x0];
	_ =	sdelay $0x2  }
0xb8: {  	s31 =	sshll.u32 s1, $0xD;
	s1 =	sshrl.u32 s1, $0x2  }
0xb9: {  	s3 =	sand.u32 $0x4000, s31;
	s1 =	sadd.s32 s1, s30  }
0xba: {  	s0 =	sor.u32 s3, s0;
	s1 =	sshll.u32 s1, $0x11  }
0xbb: {  	s0 =	sor.u32 s1, s0  }
0xbc: {  	s0 =	sadd.s32 $0x8F2B, s0  }
0xbd: {  	[sflag:s0] =	ssyncadd.remote.s32 $0x1  }
0xbe: {  	_ =	sfence.sel $0xFFFF  }
0xbf: {  	[dreg:$0x0] =	wrdreg $0xFFFFFFFF;
	(pc) =	sbr.abs _section_cstart, $3  }
0xc0: {  	[dreg:$0x1] =	wrdreg $0xFFFFFFFF  }
0xc1: {  	_ =	task.clear_ibuf [dreg:s6], $0x2FFFF;
	_ =	strace $0x9FFFFFFF  }
0xc2: {  	(tm) =	ssettm $0x7FFFFFFF  }
0xc3: {  	_ =	shalt  }
tec
execute0_lowered:
.L_overlay_start_1:
0x0: {  	(tag) =	ssettag $0x1  }
0x1: {  	s0 =	srdreg.scid;
	s5 =	rddreg [dreg:$0x0]  }
0x2: {  	s11 =	stileid.u32;
	s2 =	rddreg [dreg:$0x1];
	s3 =	simm.s32 $0x0  }
0x3: {  	s12 =	simm.s32 $0x1400;
	s13 =	simm.s32 $0x40;
	s14 =	simm.s32 $0x2800  }
0x4: {  	s15 =	simm.s32 $0x80;
	s16 =	simm.s32 $0x4800;
	s17 =	simm.s32 $0x100  }
0x5: {  	s18 =	simm.s32 $0x6800;
	s19 =	simm.s32 $0x180;
	s20 =	simm.s32 $0x8800  }
0x6: {  	s21 =	simm.s32 $0x1;
	s28 =	simm.s32 $0x6;
	s29 =	simm.s32 $0x7  }
0x7: {  	s30 =	simm.s32 $0x8;
	s31 =	simm.s32 $0x2600;
	s0 =	sand.u32 $0x1, s0  }
0x8: {  	s6 =	smul.u32 $0x2800, s11;
	[smem:$0x7FF] =	sst s3;
	s4 =	sadd.s32 $0x55400, s5  }
0x9: {  	s8 =	smul.u32 $0x50000, s11;
	s23 =	sshll.u32 s11, $0x6;
	s1 =	sshll.u32 s0, $0x4  }
0xa: {  	s7 =	smul.u32 $0x28000, s0;
	_ =	strace $0x8000004A;
	s0 =	ssub.s32 $0x2, s0  }
0xb: {  	s1 =	sor.u32 s11, s1;
	s9 =	sadd.s32 s6, s5;
	s22 =	sshrl.u32 s0, $0x1  }
0xc: {  	s8 =	sshrl.u32 s8, $0x2;
	s11 =	simm.s32 $0x9;
	s1 =	smul.u32 $0x1400, s1  }
0xd: {  	s0 =	ssub.s32 s0, s22;
	s10 =	sadd.s32 s8, s2;
	s24 =	sadd.s32 $0xF3600, s9  }
0xe: {  	s9 =	sor.u32 $0x1C09, s23;
	s22 =	simm.s32 $0x2;
	[dreg:$0x3] =	wrdreg s24  }
0xf: {  	s23 =	simm.s32 $0x3;
	s0 =	smax.u32 s0, $0x1;
	[dreg:$0x4] =	wrdreg s9  }
0x10: {  	s10 =	sshrl.u32 s10, $0x3;
	s1 =	sadd.s32 s1, s5;
	[dreg:$0x5] =	wrdreg s0  }
0x11: {  	s5 =	sadd.s32 s7, s5;
	s0 =	simm.s32 $0x2700;
	[dreg:$0x6] =	wrdreg s10  }
0x12: {  	s7 =	sadd.s32 $0x2D400, s1;
	s8 =	sadd.s32 $0x5400, s1;
	s25 =	sadd.s32 $0x11B600, s5  }
0x13: {  	s1 =	simm.s32 $0x2680;
	s5 =	simm.s32 $0x2780;
	s26 =	sadd.s32 s6, s25  }
0x14: {  	s25 =	simm.s32 $0x4;
	[dreg:$0x7] =	wrdreg s26;
	s26 =	simm.s32 $0x5  }
.LBB2_1:
0x15: {  	s6 =	rddreg [dreg:$0x3]  }
0x16: {  	[spmem:s10], [sflag:s9] =	dma.local [hbm:s6], $0x2800  }
0x17: {  	_ =	swait.ge [sflag:s11], $0x2800  }
0x18: {  	[sflag:s11] =	ssyncset.done $0x0  }
0x19: {  	[sflag:s11] =	ssyncadd.s32 $0xFFFFD800  }
0x1a: {  	s9 =	simm.s32 $0x0;
	[bflag:$0x0] =	sbarrier.arrive $0xFFFF  }
.LBB2_2:
0x1b: {  	s6 =	smul.u32 $0x280, s9;
	_ =	sdelay $0x1  }
0x1c: {  	s10 =	simm.s32 $0x0;
	s24 =	sadd.s32 s6, s7  }
0x1d: {  	[tilespmem:s10], [sflag:$0x9] =	stream.linear.gather [hbm4b:s24+s10], $0x1400, $0x38;
	[tilespmem:$0x1E800] =	vst v63  }
0x1e: {  	_ =	swait.ge [sflag:s11], $0x1400  }
0x1f: {  	[sflag:s11] =	ssyncset.done $0x0  }
0x20: {  	s6 =	sadd.s32 s6, s8;
	[sflag:s11] =	ssyncadd.s32 $0xFFFFEC00  }
0x21: {  	[tilespmem:s12], [sflag:$0x9] =	stream.linear.gather [hbm4b:s6+s10], $0x1400, $0x38;
	[tilespmem:$0x1E800] =	vst v63  }
0x22: {  	_ =	swait.ge [sflag:s11], $0x1400  }
0x23: {  	[sflag:s11] =	ssyncset.done $0x0  }
0x24: {  	[sflag:s11] =	ssyncadd.s32 $0xFFFFEC00  }
0x25: {  	[tilespmem:s14], [sflag:$0x1] =	stream.indirect.gather [hbm4b:s4+s13], $0x80, s10, s13, $0xb8;
	[tilespmem:$0x1E800] =	vst v63  }
0x26: {  	_ = 	snop  }
0x27: {  	[tilespmem:s16], [sflag:$0x2] =	stream.indirect.gather [hbm4b:s4+s13], $0x80, s15, s13, $0xb8;
	[tilespmem:$0x1E800] =	vst v63  }
0x28: {  	_ = 	snop  }
0x29: {  	[tilespmem:s18], [sflag:$0x3] =	stream.indirect.gather [hbm4b:s4+s13], $0x80, s17, s13, $0xb8;
	[tilespmem:$0x1E800] =	vst v63  }
0x2a: {  	_ = 	snop  }
0x2b: {  	[tilespmem:s20], [sflag:$0x4] =	stream.indirect.gather [hbm4b:s4+s13], $0x80, s19, s13, $0xb8;
	[tilespmem:$0x1E800] =	vst v63  }
0x2c: {  	_ =	swait.ge [sflag:s21], $0x2000  }
0x2d: {  	[sflag:s21] =	ssyncset.done $0x0  }
0x2e: {  	s24 =	simm.s32 $0x1400;
	[sflag:s21] =	ssyncadd.s32 $0xFFFFE000  }
0x2f: {  	[spmem:s2] =	stream.indirect.scatter.add.f32 [tilespmem:s14], [sflag:$0x5], $0x80, s24, s13, $0xb8;
	[tilespmem:$0x1E800] =	vst v63  }
0x30: {  	_ =	swait.ge [sflag:s22], $0x2000  }
0x31: {  	[sflag:s22] =	ssyncset.done $0x0  }
0x32: {  	s10 =	simm.s32 $0x1480;
	[sflag:s22] =	ssyncadd.s32 $0xFFFFE000  }
0x33: {  	[spmem:s2] =	stream.indirect.scatter.add.f32 [tilespmem:s16], [sflag:$0x6], $0x80, s10, s13, $0xb8;
	[tilespmem:$0x1E800] =	vst v63  }
0x34: {  	_ =	swait.ge [sflag:s23], $0x2000  }
0x35: {  	[sflag:s23] =	ssyncset.done $0x0  }
0x36: {  	s24 =	simm.s32 $0x1500;
	[sflag:s23] =	ssyncadd.s32 $0xFFFFE000  }
0x37: {  	[spmem:s2] =	stream.indirect.scatter.add.f32 [tilespmem:s18], [sflag:$0x7], $0x80, s24, s13, $0xb8;
	[tilespmem:$0x1E800] =	vst v63  }
0x38: {  	_ =	swait.ge [sflag:s25], $0x2000  }
0x39: {  	[sflag:s25] =	ssyncset.done $0x0  }
0x3a: {  	s10 =	simm.s32 $0x1580;
	[sflag:s25] =	ssyncadd.s32 $0xFFFFE000  }
0x3b: {  	[spmem:s2] =	stream.indirect.scatter.add.f32 [tilespmem:s20], [sflag:$0x8], $0x80, s10, s13, $0xb8;
	[tilespmem:$0x1E800] =	vst v63  }
0x3c: {  	_ =	swait.ge [sflag:s26], $0x2000  }
0x3d: {  	[sflag:s26] =	ssyncset.done $0x0  }
0x3e: {  	s24 =	simm.s32 $0x200;
	[sflag:s26] =	ssyncadd.s32 $0xFFFFE000  }
0x3f: {  	[tilespmem:s14], [sflag:$0x1] =	stream.indirect.gather [hbm4b:s4+s13], $0x80, s24, s13, $0xb8;
	[tilespmem:$0x1E800] =	vst v63  }
0x40: {  	_ =	swait.ge [sflag:s28], $0x2000  }
0x41: {  	[sflag:s28] =	ssyncset.done $0x0  }
0x42: {  	s10 =	simm.s32 $0x280;
	[sflag:s28] =	ssyncadd.s32 $0xFFFFE000  }
0x43: {  	[tilespmem:s16], [sflag:$0x2] =	stream.indirect.gather [hbm4b:s4+s13], $0x80, s10, s13, $0xb8;
	[tilespmem:$0x1E800] =	vst v63  }
0x44: {  	_ =	swait.ge [sflag:s29], $0x2000  }
0x45: {  	[sflag:s29] =	ssyncset.done $0x0  }
0x46: {  	s24 =	simm.s32 $0x300;
	[sflag:s29] =	ssyncadd.s32 $0xFFFFE000  }
0x47: {  	[tilespmem:s18], [sflag:$0x3] =	stream.indirect.gather [hbm4b:s4+s13], $0x80, s24, s13, $0xb8;
	[tilespmem:$0x1E800] =	vst v63  }
0x48: {  	_ =	swait.ge [sflag:s30], $0x2000  }
0x49: {  	[sflag:s30] =	ssyncset.done $0x0  }
0x4a: {  	s6 =	simm.s32 $0x380;
	s24 =	simm.s32 $0x800;
	[sflag:s30] =	ssyncadd.s32 $0xFFFFE000  }
.LBB2_3:
0x4b: {  	[tilespmem:s20], [sflag:$0x4] =	stream.indirect.gather [hbm4b:s4+s13], $0x80, s6, s13, $0xb8;
	[tilespmem:$0x1E800] =	vst v63  }
0x4c: {  	s6 =	smov.u32 s24  }
0x4d: {  	p0 =	sne.s32 s24, $0x4000;
	s24 =	sadd.s32 $0x800, s24;
	_ =	swait.ge [sflag:s21], $0x2000  }
0x4e: {  	s6 =	sshra.s32 s6, $0x2;
	[sflag:s21] =	ssyncset.done $0x0  }
0x4f: {  	s10 =	sadd.s32 $0x1400, s6;
	[sflag:s21] =	ssyncadd.s32 $0xFFFFE000  }
0x50: {  	[spmem:s2] =	stream.indirect.scatter.add.f32 [tilespmem:s14], [sflag:$0x5], $0x80, s10, s13, $0xb8;
	[tilespmem:$0x1E800] =	vst v63  }
0x51: {  	_ =	swait.ge [sflag:s22], $0x2000  }
0x52: {  	[sflag:s22] =	ssyncset.done $0x0  }
0x53: {  	s10 =	sadd.s32 $0x1480, s6;
	[sflag:s22] =	ssyncadd.s32 $0xFFFFE000  }
0x54: {  	[spmem:s2] =	stream.indirect.scatter.add.f32 [tilespmem:s16], [sflag:$0x6], $0x80, s10, s13, $0xb8;
	[tilespmem:$0x1E800] =	vst v63  }
0x55: {  	_ =	swait.ge [sflag:s23], $0x2000  }
0x56: {  	[sflag:s23] =	ssyncset.done $0x0  }
0x57: {  	s10 =	sadd.s32 $0x1500, s6;
	[sflag:s23] =	ssyncadd.s32 $0xFFFFE000  }
0x58: {  	[spmem:s2] =	stream.indirect.scatter.add.f32 [tilespmem:s18], [sflag:$0x7], $0x80, s10, s13, $0xb8;
	[tilespmem:$0x1E800] =	vst v63  }
0x59: {  	_ =	swait.ge [sflag:s25], $0x2000  }
0x5a: {  	[sflag:s25] =	ssyncset.done $0x0  }
0x5b: {  	s10 =	sadd.s32 $0x1580, s6;
	[sflag:s25] =	ssyncadd.s32 $0xFFFFE000  }
0x5c: {  	[spmem:s2] =	stream.indirect.scatter.add.f32 [tilespmem:s20], [sflag:$0x8], $0x80, s10, s13, $0xb8;
	[tilespmem:$0x1E800] =	vst v63  }
0x5d: {  	_ =	swait.ge [sflag:s26], $0x2000  }
0x5e: {  	[sflag:s26] =	ssyncset.done $0x0  }
0x5f: {  	s10 =	sadd.s32 $0x200, s6;
	[sflag:s26] =	ssyncadd.s32 $0xFFFFE000  }
0x60: {  	[tilespmem:s14], [sflag:$0x1] =	stream.indirect.gather [hbm4b:s4+s13], $0x80, s10, s13, $0xb8;
	[tilespmem:$0x1E800] =	vst v63  }
0x61: {  	_ =	swait.ge [sflag:s28], $0x2000  }
0x62: {  	[sflag:s28] =	ssyncset.done $0x0  }
0x63: {  	s10 =	sadd.s32 $0x280, s6;
	[sflag:s28] =	ssyncadd.s32 $0xFFFFE000  }
0x64: {  	[tilespmem:s16], [sflag:$0x2] =	stream.indirect.gather [hbm4b:s4+s13], $0x80, s10, s13, $0xb8;
	[tilespmem:$0x1E800] =	vst v63  }
0x65: {  	_ =	swait.ge [sflag:s29], $0x2000  }
0x66: {  	[sflag:s29] =	ssyncset.done $0x0  }
.Ltmp0:
0x67: {  	s10 =	sadd.s32 $0x300, s6;
	[sflag:s29] =	ssyncadd.s32 $0xFFFFE000;
	(pc) =	sbr.rel @p0 .LBB2_3-.Ltmp0, $4  }
0x68: {  	[tilespmem:s18], [sflag:$0x3] =	stream.indirect.gather [hbm4b:s4+s13], $0x80, s10, s13, $0xb8;
	[tilespmem:$0x1E800] =	vst v63  }
0x69: {  	_ =	swait.ge [sflag:s30], $0x2000  }
0x6a: {  	[sflag:s30] =	ssyncset.done $0x0  }
0x6b: {  	s6 =	sadd.s32 $0x380, s6;
	[sflag:s30] =	ssyncadd.s32 $0xFFFFE000  }
0x6c: {  	[tilespmem:s20], [sflag:$0x4] =	stream.indirect.gather [hbm4b:s4+s13], $0x80, s6, s13, $0xb8;
	[tilespmem:$0x1E800] =	vst v63  }
0x6d: {  	_ =	swait.ge [sflag:s21], $0x2000  }
0x6e: {  	[sflag:s21] =	ssyncset.done $0x0  }
0x6f: {  	[sflag:s21] =	ssyncadd.s32 $0xFFFFE000  }
0x70: {  	[spmem:s2] =	stream.indirect.scatter.add.f32 [tilespmem:s14], [sflag:$0x5], $0x80, s31, s13, $0xb8;
	[tilespmem:$0x1E800] =	vst v63  }
0x71: {  	_ =	swait.ge [sflag:s22], $0x2000  }
0x72: {  	[sflag:s22] =	ssyncset.done $0x0  }
0x73: {  	[sflag:s22] =	ssyncadd.s32 $0xFFFFE000  }
0x74: {  	[spmem:s2] =	stream.indirect.scatter.add.f32 [tilespmem:s16], [sflag:$0x6], $0x80, s1, s13, $0xb8;
	[tilespmem:$0x1E800] =	vst v63  }
0x75: {  	_ =	swait.ge [sflag:s23], $0x2000  }
0x76: {  	[sflag:s23] =	ssyncset.done $0x0  }
0x77: {  	[sflag:s23] =	ssyncadd.s32 $0xFFFFE000  }
0x78: {  	[spmem:s2] =	stream.indirect.scatter.add.f32 [tilespmem:s18], [sflag:$0x7], $0x80, s0, s13, $0xb8;
	[tilespmem:$0x1E800] =	vst v63  }
0x79: {  	_ =	swait.ge [sflag:s25], $0x2000  }
0x7a: {  	[sflag:s25] =	ssyncset.done $0x0  }
0x7b: {  	[sflag:s25] =	ssyncadd.s32 $0xFFFFE000  }
0x7c: {  	[spmem:s2] =	stream.indirect.scatter.add.f32 [tilespmem:s20], [sflag:$0x8], $0x80, s5, s13, $0xb8;
	[tilespmem:$0x1E800] =	vst v63  }
0x7d: {  	_ =	swait.ge [sflag:s26], $0x2000  }
0x7e: {  	[sflag:s26] =	ssyncset.done $0x0  }
0x7f: {  	[sflag:s26] =	ssyncadd.s32 $0xFFFFE000  }
0x80: {  	_ =	swait.ge [sflag:s28], $0x2000  }
0x81: {  	[sflag:s28] =	ssyncset.done $0x0  }
0x82: {  	s9 =	sadd.s32 $0x1, s9;
	[sflag:s28] =	ssyncadd.s32 $0xFFFFE000  }
0x83: {  	p0 =	sne.s32 s9, $0x8;
	_ =	swait.ge [sflag:s29], $0x2000  }
.Ltmp1:
0x84: {  	[sflag:s29] =	ssyncset.done $0x0;
	(pc) =	sbr.rel @p0 .LBB2_2-.Ltmp1, $4  }
0x85: {  	[sflag:s29] =	ssyncadd.s32 $0xFFFFE000  }
0x86: {  	_ =	swait.ge [sflag:s30], $0x2000  }
0x87: {  	[sflag:s30] =	ssyncset.done $0x0  }
0x88: {  	[sflag:s30] =	ssyncadd.s32 $0xFFFFE000  }
0x89: {  	[bflag:$0x0] =	sbarrier.arrive $0xFFFF  }
0x8a: {  	s9 =	rddreg [dreg:$0x4]  }
0x8b: {  	s10 =	rddreg [dreg:$0x6]  }
0x8c: {  	s6 =	rddreg [dreg:$0x7]  }
0x8d: {  	[hbm:s6], [sflag:s9] =	dma.local [spmem:s10], $0x2800  }
0x8e: {  	_ =	swait.ge [sflag:s11], $0x2800  }
0x8f: {  	s3 =	sadd.s32 $0x1, s3;
	s24 =	rddreg [dreg:$0x5]  }
0x90: {  	p0 =	sne.s32 s3, s24  }
.Ltmp2:
0x91: {  	_ = 	snop;
	(pc) =	sbr.rel @p0 .LBB2_1-.Ltmp2, $3  }
0x92: {  	_ =	sdelay $0x1  }
0x93: {  	[sflag:s11] =	ssyncset.done $0x0  }
0x94: {  	[sflag:s11] =	ssyncadd.s32 $0xFFFFD800  }
0x95: {  	_ =	sfence.sel $0x180000  }
0x96: {  	[bflag:$0x0] =	sbarrier.arrive $0xFFFF  }
0x97: {  	_ =	strace $0x9000004A  }
0x98: {  	s0 =	stileid.u32;
	[bflag:$0x2] =	sbarrier.arrive $0xFFFF  }
0x99: {  	p0 =	sne.s32 s0, $0x0;
	s0 =	rddreg [dreg:$0x2]  }
0x9a: {  	s0 =	sadd.s32 @!p0 $0x100000, s0  }
0x9b: {  	[sflag:s0] =	ssyncadd.tile.s32 @!p0 $0x1;
	_ =	shalt  }
.Lfunc_end2:
_tile_overlayer_lowered:
.L_overlay_start_2:
0x9c: {  	(tag) =	ssettag $0x2  }
0x9d: {  	s0 =	rddreg [dreg:$0x0];
	s2 =	stileid.u32  }
0x9e: {  	s1 =	rddreg [dreg:$0x1];
	p0 =	sne.s32 s2, $0x0  }
0x9f: {  	s3 =	rddreg [dreg:$0x2];
	[bflag:$0x3] =	sbarrier.arrive $0xFFFF;
	s2 =	simm.s32 @!p0 $0x1C09  }
0xa0: {  	[timem:s3], [sflag:s2] =	dma.local @!p0 [hbm:s0], s1  }
0xa1: {  	s0 =	simm.s32 @!p0 $0x9  }
0xa2: {  	_ =	swait.ge @!p0 [sflag:s0], s1  }
0xa3: {  	s1 =	ssub.s32 @!p0 $0x0, s1;
	[sflag:s0] =	ssyncset.done @!p0 $0x0  }
0xa4: {  	[sflag:s0] =	ssyncadd.s32 @!p0 s1  }
0xa5: {  	[bflag:$0x3] =	sbarrier.arrive $0xFFFF  }
0xa6: {  	_ =	shalt  }

// kernel: kernel.14.cloned.1.call-start
scs
__scs_entry_jumppad:
0x0: {  	(pc) =	sbr.rel $0x88, $3  }
0x1: {  	(tag) =	ssettag $0x0;
	lr =	simm.s32 $0x1  }
0x2: {  	[smem:$0x3F96] =	sst lr;
	_ =	strace $0xD0000000  }
0x3: {  	_ = 	snop  }
0x4: {  	_ = 	snop  }
0x5: {  	_ = 	snop  }
0x6: {  	_ = 	snop  }
0x7: {  	_ = 	snop  }
__scs_overlays_trampoline_lowered:
0x8: {  	[smem:$0x3FA5] =	sst s0  }
0x9: {  	[smem:$0x3FA6] =	sst s1  }
0xa: {  	[smem:$0x3FA7] =	sst s2  }
0xb: {  	[smem:$0x3FA8] =	sst s3  }
0xc: {  	[smem:$0x3FA9] =	sst s4  }
0xd: {  	[smem:$0x3FAA] =	sst s5  }
0xe: {  	[smem:$0x3FAB] =	sst s6  }
0xf: {  	[smem:$0x3FAC] =	sst s7  }
0x10: {  	[smem:$0x3FAD] =	sst s8  }
0x11: {  	[smem:$0x3FAE] =	sst s9;
	s0 =	simm.s32 @!p0 $0x0  }
0x12: {  	s1 =	sld [smem:$0x3F94];
	s0 =	simm.s32 @p0 $0x1  }
0x13: {  	[smem:$0x3FAF] =	sst s0;
	s0 =	simm.s32 @!p1 $0x0  }
0x14: {  	s2 =	sld [smem:$0x3F93];
	s0 =	simm.s32 @p1 $0x1  }
0x15: {  	[smem:$0x3FB0] =	sst s0;
	s0 =	simm.s32 @!p2 $0x0  }
0x16: {  	s3 =	sld [smem:$0x3FDB];
	s0 =	simm.s32 @p2 $0x1  }
0x17: {  	s4 =	simm.s32 $0x1BF5;
	[smem:$0x3FB2] =	sst s0  }
0x18: {  	s0 =	sld [smem:$0x3F95];
	_ =	swait.ge [sflag:s4], $0x0  }
0x19: {  	s7 =	sld [smem:$0x3F96]  }
0x1a: {  	s8 =	sadd.s32 $0xFFFFE003, lr  }
0x1b: {  	s9 =	sadd.s32 $0xFFFFFEF7, lr;
	s5 =	simm.s32 $0xFFFFFFFF;
	p2 =	slt.u32 s8, $0xFFFFF086  }
0x1c: {  	p1 =	slt.u32 s9, $0xF7A;
	s5 =	simm.s32 @!p2 $0x0  }
0x1d: {  	s5 =	simm.s32 @p1 $0x1;
	p0 =	seq.s32 s7, s2  }
0x1e: {  	s7 =	smul.u32 @!p0 $0xF7A, s2;
	p2 =	seq.s32 @!p0 s5, $0x0  }
0x1f: {  	s9 =	smul.u32 $0xF7A, s1;
	s8 =	simm.s32 @!p0 $0x1BF5;
	p2 =	por !p2, p0  }
0x20: {  	[sflag:s8] =	ssyncset.s32 @!p0 $0xFFFFF086;
	s6 =	sadd.s32 @!p0 s3, s7;
	s7 =	simm.s32 @!p0 $0x108  }
0x21: {  	s3 =	sadd.s32 s3, s9;
	s6 =	sadd.s32 @!p0 $0x88, s6;
	s7 =	simm.s32 @p2 $0x1082  }
0x22: {  	[simem:s7], [sflag:s8] =	dma.local @!p0 [hbm:s6], $0xF7A  }
0x23: {  	s9 =	sor.u32 $0xD0000000, s2;
	s6 =	simm.s32 $0x108;
	_ =	swait.ge @!p0 [sflag:s8], $0x0  }
0x24: {  	s3 =	sadd.s32 $0x88, s3;
	s6 =	simm.s32 @!p1 $0x1082;
	[sflag:s4] =	ssyncset.s32 $0xFFFFF086  }
0x25: {  	[simem:s6], [sflag:s4] =	dma.local [hbm:s3], $0xF7A  }
0x26: {  	[smem:$0x3F96] =	sst s1;
	(tag) =	ssettag s2;
	_ =	strace s9  }
0x27: {  	s1 =	sld [smem:$0x3FA6]  }
0x28: {  	s2 =	sld [smem:$0x3FA7]  }
0x29: {  	s4 =	sld [smem:$0x3FA9]  }
0x2a: {  	p0 =	seq.s32 s5, $0x0;
	s5 =	sld [smem:$0x3FAA]  }
0x2b: {  	s6 =	sld [smem:$0x3FAB]  }
0x2c: {  	s7 =	sld [smem:$0x3FAC]  }
0x2d: {  	s3 =	simm.s32 $0x108;
	s8 =	sld [smem:$0x3FAD]  }
0x2e: {  	s3 =	simm.s32 @!p0 $0x1082;
	s9 =	sld [smem:$0x3FAE]  }
0x2f: {  	lr =	sadd.s32 s0, s3;
	s0 =	sld [smem:$0x3FA5]  }
0x30: {  	s3 =	sld [smem:$0x3FA8]  }
0x31: {  	[smem:$0x3FB1] =	sst s10  }
0x32: {  	s10 =	sld [smem:$0x3FAF];
	_ =	sdelay $0x3  }
0x33: {  	p0 =	seq.s32 s10, $0x1;
	s10 =	sld [smem:$0x3FB1];
	_ =	sdelay $0x3  }
0x34: {  	[smem:$0x3FB1] =	sst s10  }
0x35: {  	s10 =	sld [smem:$0x3FB0];
	_ =	sdelay $0x3  }
0x36: {  	p1 =	seq.s32 s10, $0x1;
	s10 =	sld [smem:$0x3FB1];
	_ =	sdelay $0x3  }
0x37: {  	[smem:$0x3FB1] =	sst s10  }
0x38: {  	s10 =	sld [smem:$0x3FB2]  }
0x39: {  	_ = 	snop;
	(pc) =	sbr.ind lr, $3  }
0x3a: {  	_ = 	snop  }
0x3b: {  	_ = 	snop  }
0x3c: {  	p2 =	seq.s32 s10, $0x1;
	s10 =	sld [smem:$0x3FB1]  }
0x3d: {  	_ =	shalt  }
0x3e: {  	_ =	shalt  }
0x3f: {  	_ =	shalt  }
0x40: {  	_ =	shalt  }
0x41: {  	_ =	shalt  }
0x42: {  	_ =	shalt  }
0x43: {  	_ =	shalt  }
0x44: {  	_ =	shalt  }
0x45: {  	_ =	shalt  }
0x46: {  	_ =	shalt  }
0x47: {  	_ =	shalt  }
0x48: {  	_ =	shalt  }
0x49: {  	_ =	shalt  }
0x4a: {  	_ =	shalt  }
0x4b: {  	_ =	shalt  }
0x4c: {  	_ =	shalt  }
0x4d: {  	_ =	shalt  }
0x4e: {  	_ =	shalt  }
0x4f: {  	_ =	shalt  }
0x50: {  	_ =	shalt  }
0x51: {  	_ =	shalt  }
0x52: {  	_ =	shalt  }
0x53: {  	_ =	shalt  }
0x54: {  	_ =	shalt  }
0x55: {  	_ =	shalt  }
0x56: {  	_ =	shalt  }
0x57: {  	_ =	shalt  }
0x58: {  	_ =	shalt  }
0x59: {  	_ =	shalt  }
0x5a: {  	_ =	shalt  }
0x5b: {  	_ =	shalt  }
0x5c: {  	_ =	shalt  }
0x5d: {  	_ =	shalt  }
0x5e: {  	_ =	shalt  }
0x5f: {  	_ =	shalt  }
0x60: {  	_ =	shalt  }
0x61: {  	_ =	shalt  }
0x62: {  	_ =	shalt  }
0x63: {  	_ =	shalt  }
0x64: {  	_ =	shalt  }
0x65: {  	_ =	shalt  }
0x66: {  	_ =	shalt  }
0x67: {  	_ =	shalt  }
0x68: {  	_ =	shalt  }
0x69: {  	_ =	shalt  }
0x6a: {  	_ =	shalt  }
0x6b: {  	_ =	shalt  }
0x6c: {  	_ =	shalt  }
0x6d: {  	_ =	shalt  }
0x6e: {  	_ =	shalt  }
0x6f: {  	_ =	shalt  }
0x70: {  	_ =	shalt  }
0x71: {  	_ =	shalt  }
0x72: {  	_ =	shalt  }
0x73: {  	_ =	shalt  }
0x74: {  	_ =	shalt  }
0x75: {  	_ =	shalt  }
0x76: {  	_ =	shalt  }
0x77: {  	_ =	shalt  }
0x78: {  	_ =	shalt  }
0x79: {  	_ =	shalt  }
0x7a: {  	_ =	shalt  }
0x7b: {  	_ =	shalt  }
0x7c: {  	_ =	shalt  }
0x7d: {  	_ =	shalt  }
0x7e: {  	_ =	shalt  }
0x7f: {  	_ =	shalt  }
0x80: {  	_ =	shalt  }
0x81: {  	_ =	shalt  }
0x82: {  	_ =	shalt  }
0x83: {  	_ =	shalt  }
0x84: {  	_ =	shalt  }
0x85: {  	_ =	shalt  }
0x86: {  	_ =	shalt  }
0x87: {  	_ =	shalt  }
.Lfunc_end0:
.L_simem_size_0:
called_computation.2_lowered:
.L_overlay_start_0:
0x88: {  	s2 =	sld [smem:$0x3FD9]  }
0x89: {  	s3 =	sld [smem:$0x3FFE];
	_ =	sdelay $0x1  }
0x8a: {  	s1 =	srdreg.scid  }
0x8b: {  	s0 =	sand.u32 $0x1, s1  }
0x8c: {  	s16 =	sshll.u32 s0, $0xA;
	s2 =	sadd.s32 s3, s2  }
0x8d: {  	s2 =	sadd.s32 s2, s16  }
0x8e: {  	[smem:$0x3FBD] =	sst s2  }
0x8f: {  	_ = 	snop  }
0x90: {  	(tm) =	ssettm $0x1  }
0x91: {  	s17 =	sld [smem:$0x3FFB];
	_ =	sdelay $0x3  }
0x92: {  	_ =	strace s17  }
0x93: {  	s2 =	sld [smem:$0x3FFC];
	_ =	sdelay $0x3  }
0x94: {  	_ =	strace s2  }
0x95: {  	s2 =	sld [smem:$0x3FFD];
	_ =	sdelay $0x3  }
0x96: {  	_ =	strace s2  }
0x97: {  	_ =	strace $0x8FFFFFFF  }
0x98: {  	s18 =	sld [smem:$0x3FDB];
	_ =	sdelay $0x1  }
0x99: {  	s19 =	simm.s32 $_scs_section_size  }
0x9a: {  	s4 =	simm.s32 $_size__tile_overlayer_lowered;
	s5 =	simm.s32 $_tile_overlayer_lowered  }
0x9b: {  	s22 =	simm.s32 $0x1BFF;
	s21 =	sshll.u32 s5, $0x1;
	s2 =	sadd.s32 s19, s18  }
0x9c: {  	s6 =	simm.s32 $0x0;
	s20 =	sshll.u32 s4, $0x1;
	s4 =	sadd.s32 s21, s2  }
0x9d: {  	[timem:s6], [sflag:s22] =	dma.local [hbm:s4], s20  }
0x9e: {  	_ =	swait.ge [sflag:s22], s20  }
0x9f: {  	s3 =	ssub.s32 $0x0, s20;
	[sflag:s22] =	ssyncset.done $0x0  }
0xa0: {  	[sflag:s22] =	ssyncadd.s32 s3;
	_ =	sdelay $0x1  }
0xa1: {  	s23 =	simm.s32 $0x1B8B  }
0xa2: {  	_ =	swait.ge [sflag:s23], $0x1  }
0xa3: {  	[sflag:s23] =	ssyncset.done $0x0  }
0xa4: {  	s25 =	simm.s32 $0x1B8E;
	s24 =	sld [smem:$0x3FFE];
	[sflag:s23] =	ssyncadd.s32 $0xFFFFFFFF  }
0xa5: {  	s26 =	simm.s32 $execute0_lowered;
	[smem:$0x3FD2] =	sst s25  }
0xa6: {  	s4 =	sshll.u32 s26, $0x1;
	_ =	strace $0x8000004C;
	[dreg:$0x1] =	wrdreg $0xFFFFFFFF  }
0xa7: {  	s28 =	simm.s32 $_size_execute0_lowered;
	s2 =	sadd.s32 s2, s4;
	[dreg:$0x0] =	wrdreg $0x0  }
0xa8: {  	s4 =	sshll.u32 s28, $0x1;
	[dreg:$0x2] =	wrdreg s2  }
0xa9: {  	[dreg:$0x3] =	wrdreg s4  }
0xaa: {  	[dreg:$0x4] =	wrdreg $0xC0  }
0xab: {  	_ =	task [dreg:s6], $0x5FFFF  }
0xac: {  	[dreg:$0x1] =	wrdreg $0xFFFFFFFF  }
0xad: {  	[dreg:$0x0] =	wrdreg $0x60  }
0xae: {  	[dreg:$0x2] =	wrdreg s24  }
0xaf: {  	[dreg:$0x3] =	wrdreg $0xA8000  }
0xb0: {  	[dreg:$0x4] =	wrdreg $0x9  }
0xb1: {  	_ =	task.clear_ibuf [dreg:s6], $0x5FFFF;
	_ =	strace $0x9000004C  }
0xb2: {  	s29 =	simm.s32 $0x9;
	_ =	strace $0x8000004E  }
0xb3: {  	_ =	swait.ge [sflag:s29], $0x1  }
0xb4: {  	[sflag:s29] =	ssyncadd.s32 $0xFFFFFFFF  }
0xb5: {  	_ =	strace $0x9000004E  }
0xb6: {  	_ =	sfence  }
0xb7: {  	s30 =	sld [smem:$0x0];
	_ =	sdelay $0x2  }
0xb8: {  	s31 =	sshll.u32 s1, $0xD;
	s1 =	sshrl.u32 s1, $0x2  }
0xb9: {  	s3 =	sand.u32 $0x4000, s31;
	s1 =	sadd.s32 s1, s30  }
0xba: {  	s0 =	sor.u32 s3, s0;
	s1 =	sshll.u32 s1, $0x11  }
0xbb: {  	s0 =	sor.u32 s1, s0  }
0xbc: {  	s0 =	sadd.s32 $0x8F2B, s0  }
0xbd: {  	[sflag:s0] =	ssyncadd.remote.s32 $0x1  }
0xbe: {  	_ =	sfence.sel $0xFFFF  }
0xbf: {  	[dreg:$0x0] =	wrdreg $0xFFFFFFFF;
	(pc) =	sbr.abs _section_cstart, $3  }
0xc0: {  	[dreg:$0x1] =	wrdreg $0xFFFFFFFF  }
0xc1: {  	_ =	task.clear_ibuf [dreg:s6], $0x2FFFF;
	_ =	strace $0x9FFFFFFF  }
0xc2: {  	(tm) =	ssettm $0x7FFFFFFF  }
0xc3: {  	_ =	shalt  }
tec
execute0_lowered:
.L_overlay_start_1:
0x0: {  	(tag) =	ssettag $0x1  }
0x1: {  	s0 =	srdreg.scid;
	s5 =	rddreg [dreg:$0x0]  }
0x2: {  	s11 =	stileid.u32;
	s2 =	rddreg [dreg:$0x1];
	s3 =	simm.s32 $0x0  }
0x3: {  	s12 =	simm.s32 $0x1400;
	s13 =	simm.s32 $0x40;
	s14 =	simm.s32 $0x2800  }
0x4: {  	s15 =	simm.s32 $0x80;
	s16 =	simm.s32 $0x4800;
	s17 =	simm.s32 $0x100  }
0x5: {  	s18 =	simm.s32 $0x6800;
	s19 =	simm.s32 $0x180;
	s20 =	simm.s32 $0x8800  }
0x6: {  	s21 =	simm.s32 $0x1;
	s28 =	simm.s32 $0x6;
	s29 =	simm.s32 $0x7  }
0x7: {  	s30 =	simm.s32 $0x8;
	s31 =	simm.s32 $0x2600;
	s0 =	sand.u32 $0x1, s0  }
0x8: {  	s6 =	smul.u32 $0x2800, s11;
	[smem:$0x7FF] =	sst s3;
	s4 =	sadd.s32 $0x55400, s5  }
0x9: {  	s8 =	smul.u32 $0x50000, s11;
	s23 =	sshll.u32 s11, $0x6;
	s1 =	sshll.u32 s0, $0x4  }
0xa: {  	s7 =	smul.u32 $0x28000, s0;
	_ =	strace $0x8000004D;
	s0 =	ssub.s32 $0x2, s0  }
0xb: {  	s1 =	sor.u32 s11, s1;
	s9 =	sadd.s32 s6, s5;
	s22 =	sshrl.u32 s0, $0x1  }
0xc: {  	s8 =	sshrl.u32 s8, $0x2;
	s11 =	simm.s32 $0x9;
	s1 =	smul.u32 $0x1400, s1  }
0xd: {  	s0 =	ssub.s32 s0, s22;
	s10 =	sadd.s32 s8, s2;
	s24 =	sadd.s32 $0xF3600, s9  }
0xe: {  	s9 =	sor.u32 $0x1C09, s23;
	s22 =	simm.s32 $0x2;
	[dreg:$0x3] =	wrdreg s24  }
0xf: {  	s23 =	simm.s32 $0x3;
	s0 =	smax.u32 s0, $0x1;
	[dreg:$0x4] =	wrdreg s9  }
0x10: {  	s10 =	sshrl.u32 s10, $0x3;
	s1 =	sadd.s32 s1, s5;
	[dreg:$0x5] =	wrdreg s0  }
0x11: {  	s5 =	sadd.s32 s7, s5;
	s0 =	simm.s32 $0x2700;
	[dreg:$0x6] =	wrdreg s10  }
0x12: {  	s7 =	sadd.s32 $0x2D400, s1;
	s8 =	sadd.s32 $0x5400, s1;
	s25 =	sadd.s32 $0x11B600, s5  }
0x13: {  	s1 =	simm.s32 $0x2680;
	s5 =	simm.s32 $0x2780;
	s26 =	sadd.s32 s6, s25  }
0x14: {  	s25 =	simm.s32 $0x4;
	[dreg:$0x7] =	wrdreg s26;
	s26 =	simm.s32 $0x5  }
.LBB2_1:
0x15: {  	s6 =	rddreg [dreg:$0x3]  }
0x16: {  	[spmem:s10], [sflag:s9] =	dma.local [hbm:s6], $0x2800  }
0x17: {  	_ =	swait.ge [sflag:s11], $0x2800  }
0x18: {  	[sflag:s11] =	ssyncset.done $0x0  }
0x19: {  	[sflag:s11] =	ssyncadd.s32 $0xFFFFD800  }
0x1a: {  	s9 =	simm.s32 $0x0;
	[bflag:$0x0] =	sbarrier.arrive $0xFFFF  }
.LBB2_2:
0x1b: {  	s6 =	smul.u32 $0x280, s9;
	_ =	sdelay $0x1  }
0x1c: {  	s10 =	simm.s32 $0x0;
	s24 =	sadd.s32 s6, s7  }
0x1d: {  	[tilespmem:s10], [sflag:$0x9] =	stream.linear.gather [hbm4b:s24+s10], $0x1400, $0x38;
	[tilespmem:$0x1E800] =	vst v63  }
0x1e: {  	_ =	swait.ge [sflag:s11], $0x1400  }
0x1f: {  	[sflag:s11] =	ssyncset.done $0x0  }
0x20: {  	s6 =	sadd.s32 s6, s8;
	[sflag:s11] =	ssyncadd.s32 $0xFFFFEC00  }
0x21: {  	[tilespmem:s12], [sflag:$0x9] =	stream.linear.gather [hbm4b:s6+s10], $0x1400, $0x38;
	[tilespmem:$0x1E800] =	vst v63  }
0x22: {  	_ =	swait.ge [sflag:s11], $0x1400  }
0x23: {  	[sflag:s11] =	ssyncset.done $0x0  }
0x24: {  	[sflag:s11] =	ssyncadd.s32 $0xFFFFEC00  }
0x25: {  	[tilespmem:s14], [sflag:$0x1] =	stream.indirect.gather [hbm4b:s4+s13], $0x80, s10, s13, $0xb8;
	[tilespmem:$0x1E800] =	vst v63  }
0x26: {  	_ = 	snop  }
0x27: {  	[tilespmem:s16], [sflag:$0x2] =	stream.indirect.gather [hbm4b:s4+s13], $0x80, s15, s13, $0xb8;
	[tilespmem:$0x1E800] =	vst v63  }
0x28: {  	_ = 	snop  }
0x29: {  	[tilespmem:s18], [sflag:$0x3] =	stream.indirect.gather [hbm4b:s4+s13], $0x80, s17, s13, $0xb8;
	[tilespmem:$0x1E800] =	vst v63  }
0x2a: {  	_ = 	snop  }
0x2b: {  	[tilespmem:s20], [sflag:$0x4] =	stream.indirect.gather [hbm4b:s4+s13], $0x80, s19, s13, $0xb8;
	[tilespmem:$0x1E800] =	vst v63  }
0x2c: {  	_ =	swait.ge [sflag:s21], $0x2000  }
0x2d: {  	[sflag:s21] =	ssyncset.done $0x0  }
0x2e: {  	s24 =	simm.s32 $0x1400;
	[sflag:s21] =	ssyncadd.s32 $0xFFFFE000  }
0x2f: {  	[spmem:s2] =	stream.indirect.scatter.add.f32 [tilespmem:s14], [sflag:$0x5], $0x80, s24, s13, $0xb8;
	[tilespmem:$0x1E800] =	vst v63  }
0x30: {  	_ =	swait.ge [sflag:s22], $0x2000  }
0x31: {  	[sflag:s22] =	ssyncset.done $0x0  }
0x32: {  	s10 =	simm.s32 $0x1480;
	[sflag:s22] =	ssyncadd.s32 $0xFFFFE000  }
0x33: {  	[spmem:s2] =	stream.indirect.scatter.add.f32 [tilespmem:s16], [sflag:$0x6], $0x80, s10, s13, $0xb8;
	[tilespmem:$0x1E800] =	vst v63  }
0x34: {  	_ =	swait.ge [sflag:s23], $0x2000  }
0x35: {  	[sflag:s23] =	ssyncset.done $0x0  }
0x36: {  	s24 =	simm.s32 $0x1500;
	[sflag:s23] =	ssyncadd.s32 $0xFFFFE000  }
0x37: {  	[spmem:s2] =	stream.indirect.scatter.add.f32 [tilespmem:s18], [sflag:$0x7], $0x80, s24, s13, $0xb8;
	[tilespmem:$0x1E800] =	vst v63  }
0x38: {  	_ =	swait.ge [sflag:s25], $0x2000  }
0x39: {  	[sflag:s25] =	ssyncset.done $0x0  }
0x3a: {  	s10 =	simm.s32 $0x1580;
	[sflag:s25] =	ssyncadd.s32 $0xFFFFE000  }
0x3b: {  	[spmem:s2] =	stream.indirect.scatter.add.f32 [tilespmem:s20], [sflag:$0x8], $0x80, s10, s13, $0xb8;
	[tilespmem:$0x1E800] =	vst v63  }
0x3c: {  	_ =	swait.ge [sflag:s26], $0x2000  }
0x3d: {  	[sflag:s26] =	ssyncset.done $0x0  }
0x3e: {  	s24 =	simm.s32 $0x200;
	[sflag:s26] =	ssyncadd.s32 $0xFFFFE000  }
0x3f: {  	[tilespmem:s14], [sflag:$0x1] =	stream.indirect.gather [hbm4b:s4+s13], $0x80, s24, s13, $0xb8;
	[tilespmem:$0x1E800] =	vst v63  }
0x40: {  	_ =	swait.ge [sflag:s28], $0x2000  }
0x41: {  	[sflag:s28] =	ssyncset.done $0x0  }
0x42: {  	s10 =	simm.s32 $0x280;
	[sflag:s28] =	ssyncadd.s32 $0xFFFFE000  }
0x43: {  	[tilespmem:s16], [sflag:$0x2] =	stream.indirect.gather [hbm4b:s4+s13], $0x80, s10, s13, $0xb8;
	[tilespmem:$0x1E800] =	vst v63  }
0x44: {  	_ =	swait.ge [sflag:s29], $0x2000  }
0x45: {  	[sflag:s29] =	ssyncset.done $0x0  }
0x46: {  	s24 =	simm.s32 $0x300;
	[sflag:s29] =	ssyncadd.s32 $0xFFFFE000  }
0x47: {  	[tilespmem:s18], [sflag:$0x3] =	stream.indirect.gather [hbm4b:s4+s13], $0x80, s24, s13, $0xb8;
	[tilespmem:$0x1E800] =	vst v63  }
0x48: {  	_ =	swait.ge [sflag:s30], $0x2000  }
0x49: {  	[sflag:s30] =	ssyncset.done $0x0  }
0x4a: {  	s6 =	simm.s32 $0x380;
	s24 =	simm.s32 $0x800;
	[sflag:s30] =	ssyncadd.s32 $0xFFFFE000  }
.LBB2_3:
0x4b: {  	[tilespmem:s20], [sflag:$0x4] =	stream.indirect.gather [hbm4b:s4+s13], $0x80, s6, s13, $0xb8;
	[tilespmem:$0x1E800] =	vst v63  }
0x4c: {  	s6 =	smov.u32 s24  }
0x4d: {  	p0 =	sne.s32 s24, $0x4000;
	s24 =	sadd.s32 $0x800, s24;
	_ =	swait.ge [sflag:s21], $0x2000  }
0x4e: {  	s6 =	sshra.s32 s6, $0x2;
	[sflag:s21] =	ssyncset.done $0x0  }
0x4f: {  	s10 =	sadd.s32 $0x1400, s6;
	[sflag:s21] =	ssyncadd.s32 $0xFFFFE000  }
0x50: {  	[spmem:s2] =	stream.indirect.scatter.add.f32 [tilespmem:s14], [sflag:$0x5], $0x80, s10, s13, $0xb8;
	[tilespmem:$0x1E800] =	vst v63  }
0x51: {  	_ =	swait.ge [sflag:s22], $0x2000  }
0x52: {  	[sflag:s22] =	ssyncset.done $0x0  }
0x53: {  	s10 =	sadd.s32 $0x1480, s6;
	[sflag:s22] =	ssyncadd.s32 $0xFFFFE000  }
0x54: {  	[spmem:s2] =	stream.indirect.scatter.add.f32 [tilespmem:s16], [sflag:$0x6], $0x80, s10, s13, $0xb8;
	[tilespmem:$0x1E800] =	vst v63  }
0x55: {  	_ =	swait.ge [sflag:s23], $0x2000  }
0x56: {  	[sflag:s23] =	ssyncset.done $0x0  }
0x57: {  	s10 =	sadd.s32 $0x1500, s6;
	[sflag:s23] =	ssyncadd.s32 $0xFFFFE000  }
0x58: {  	[spmem:s2] =	stream.indirect.scatter.add.f32 [tilespmem:s18], [sflag:$0x7], $0x80, s10, s13, $0xb8;
	[tilespmem:$0x1E800] =	vst v63  }
0x59: {  	_ =	swait.ge [sflag:s25], $0x2000  }
0x5a: {  	[sflag:s25] =	ssyncset.done $0x0  }
0x5b: {  	s10 =	sadd.s32 $0x1580, s6;
	[sflag:s25] =	ssyncadd.s32 $0xFFFFE000  }
0x5c: {  	[spmem:s2] =	stream.indirect.scatter.add.f32 [tilespmem:s20], [sflag:$0x8], $0x80, s10, s13, $0xb8;
	[tilespmem:$0x1E800] =	vst v63  }
0x5d: {  	_ =	swait.ge [sflag:s26], $0x2000  }
0x5e: {  	[sflag:s26] =	ssyncset.done $0x0  }
0x5f: {  	s10 =	sadd.s32 $0x200, s6;
	[sflag:s26] =	ssyncadd.s32 $0xFFFFE000  }
0x60: {  	[tilespmem:s14], [sflag:$0x1] =	stream.indirect.gather [hbm4b:s4+s13], $0x80, s10, s13, $0xb8;
	[tilespmem:$0x1E800] =	vst v63  }
0x61: {  	_ =	swait.ge [sflag:s28], $0x2000  }
0x62: {  	[sflag:s28] =	ssyncset.done $0x0  }
0x63: {  	s10 =	sadd.s32 $0x280, s6;
	[sflag:s28] =	ssyncadd.s32 $0xFFFFE000  }
0x64: {  	[tilespmem:s16], [sflag:$0x2] =	stream.indirect.gather [hbm4b:s4+s13], $0x80, s10, s13, $0xb8;
	[tilespmem:$0x1E800] =	vst v63  }
0x65: {  	_ =	swait.ge [sflag:s29], $0x2000  }
0x66: {  	[sflag:s29] =	ssyncset.done $0x0  }
.Ltmp0:
0x67: {  	s10 =	sadd.s32 $0x300, s6;
	[sflag:s29] =	ssyncadd.s32 $0xFFFFE000;
	(pc) =	sbr.rel @p0 .LBB2_3-.Ltmp0, $4  }
0x68: {  	[tilespmem:s18], [sflag:$0x3] =	stream.indirect.gather [hbm4b:s4+s13], $0x80, s10, s13, $0xb8;
	[tilespmem:$0x1E800] =	vst v63  }
0x69: {  	_ =	swait.ge [sflag:s30], $0x2000  }
0x6a: {  	[sflag:s30] =	ssyncset.done $0x0  }
0x6b: {  	s6 =	sadd.s32 $0x380, s6;
	[sflag:s30] =	ssyncadd.s32 $0xFFFFE000  }
0x6c: {  	[tilespmem:s20], [sflag:$0x4] =	stream.indirect.gather [hbm4b:s4+s13], $0x80, s6, s13, $0xb8;
	[tilespmem:$0x1E800] =	vst v63  }
0x6d: {  	_ =	swait.ge [sflag:s21], $0x2000  }
0x6e: {  	[sflag:s21] =	ssyncset.done $0x0  }
0x6f: {  	[sflag:s21] =	ssyncadd.s32 $0xFFFFE000  }
0x70: {  	[spmem:s2] =	stream.indirect.scatter.add.f32 [tilespmem:s14], [sflag:$0x5], $0x80, s31, s13, $0xb8;
	[tilespmem:$0x1E800] =	vst v63  }
0x71: {  	_ =	swait.ge [sflag:s22], $0x2000  }
0x72: {  	[sflag:s22] =	ssyncset.done $0x0  }
0x73: {  	[sflag:s22] =	ssyncadd.s32 $0xFFFFE000  }
0x74: {  	[spmem:s2] =	stream.indirect.scatter.add.f32 [tilespmem:s16], [sflag:$0x6], $0x80, s1, s13, $0xb8;
	[tilespmem:$0x1E800] =	vst v63  }
0x75: {  	_ =	swait.ge [sflag:s23], $0x2000  }
0x76: {  	[sflag:s23] =	ssyncset.done $0x0  }
0x77: {  	[sflag:s23] =	ssyncadd.s32 $0xFFFFE000  }
0x78: {  	[spmem:s2] =	stream.indirect.scatter.add.f32 [tilespmem:s18], [sflag:$0x7], $0x80, s0, s13, $0xb8;
	[tilespmem:$0x1E800] =	vst v63  }
0x79: {  	_ =	swait.ge [sflag:s25], $0x2000  }
0x7a: {  	[sflag:s25] =	ssyncset.done $0x0  }
0x7b: {  	[sflag:s25] =	ssyncadd.s32 $0xFFFFE000  }
0x7c: {  	[spmem:s2] =	stream.indirect.scatter.add.f32 [tilespmem:s20], [sflag:$0x8], $0x80, s5, s13, $0xb8;
	[tilespmem:$0x1E800] =	vst v63  }
0x7d: {  	_ =	swait.ge [sflag:s26], $0x2000  }
0x7e: {  	[sflag:s26] =	ssyncset.done $0x0  }
0x7f: {  	[sflag:s26] =	ssyncadd.s32 $0xFFFFE000  }
0x80: {  	_ =	swait.ge [sflag:s28], $0x2000  }
0x81: {  	[sflag:s28] =	ssyncset.done $0x0  }
0x82: {  	s9 =	sadd.s32 $0x1, s9;
	[sflag:s28] =	ssyncadd.s32 $0xFFFFE000  }
0x83: {  	p0 =	sne.s32 s9, $0x8;
	_ =	swait.ge [sflag:s29], $0x2000  }
.Ltmp1:
0x84: {  	[sflag:s29] =	ssyncset.done $0x0;
	(pc) =	sbr.rel @p0 .LBB2_2-.Ltmp1, $4  }
0x85: {  	[sflag:s29] =	ssyncadd.s32 $0xFFFFE000  }
0x86: {  	_ =	swait.ge [sflag:s30], $0x2000  }
0x87: {  	[sflag:s30] =	ssyncset.done $0x0  }
0x88: {  	[sflag:s30] =	ssyncadd.s32 $0xFFFFE000  }
0x89: {  	[bflag:$0x0] =	sbarrier.arrive $0xFFFF  }
0x8a: {  	s9 =	rddreg [dreg:$0x4]  }
0x8b: {  	s10 =	rddreg [dreg:$0x6]  }
0x8c: {  	s6 =	rddreg [dreg:$0x7]  }
0x8d: {  	[hbm:s6], [sflag:s9] =	dma.local [spmem:s10], $0x2800  }
0x8e: {  	_ =	swait.ge [sflag:s11], $0x2800  }
0x8f: {  	s3 =	sadd.s32 $0x1, s3;
	s24 =	rddreg [dreg:$0x5]  }
0x90: {  	p0 =	sne.s32 s3, s24  }
.Ltmp2:
0x91: {  	_ = 	snop;
	(pc) =	sbr.rel @p0 .LBB2_1-.Ltmp2, $3  }
0x92: {  	_ =	sdelay $0x1  }
0x93: {  	[sflag:s11] =	ssyncset.done $0x0  }
0x94: {  	[sflag:s11] =	ssyncadd.s32 $0xFFFFD800  }
0x95: {  	_ =	sfence.sel $0x180000  }
0x96: {  	[bflag:$0x0] =	sbarrier.arrive $0xFFFF  }
0x97: {  	_ =	strace $0x9000004D  }
0x98: {  	s0 =	stileid.u32;
	[bflag:$0x2] =	sbarrier.arrive $0xFFFF  }
0x99: {  	p0 =	sne.s32 s0, $0x0;
	s0 =	rddreg [dreg:$0x2]  }
0x9a: {  	s0 =	sadd.s32 @!p0 $0x100000, s0  }
0x9b: {  	[sflag:s0] =	ssyncadd.tile.s32 @!p0 $0x1;
	_ =	shalt  }
.Lfunc_end2:
_tile_overlayer_lowered:
.L_overlay_start_2:
0x9c: {  	(tag) =	ssettag $0x2  }
0x9d: {  	s0 =	rddreg [dreg:$0x0];
	s2 =	stileid.u32  }
0x9e: {  	s1 =	rddreg [dreg:$0x1];
	p0 =	sne.s32 s2, $0x0  }
0x9f: {  	s3 =	rddreg [dreg:$0x2];
	[bflag:$0x3] =	sbarrier.arrive $0xFFFF;
	s2 =	simm.s32 @!p0 $0x1C09  }
0xa0: {  	[timem:s3], [sflag:s2] =	dma.local @!p0 [hbm:s0], s1  }
0xa1: {  	s0 =	simm.s32 @!p0 $0x9  }
0xa2: {  	_ =	swait.ge @!p0 [sflag:s0], s1  }
0xa3: {  	s1 =	ssub.s32 @!p0 $0x0, s1;
	[sflag:s0] =	ssyncset.done @!p0 $0x0  }
0xa4: {  	[sflag:s0] =	ssyncadd.s32 @!p0 s1  }
0xa5: {  	[bflag:$0x3] =	sbarrier.arrive $0xFFFF  }
0xa6: {  	_ =	shalt  }

// kernel: kernel.8.cloned.1.call-start
scs
__scs_entry_jumppad:
0x0: {  	(pc) =	sbr.rel $0x88, $3  }
0x1: {  	(tag) =	ssettag $0x0;
	lr =	simm.s32 $0x1  }
0x2: {  	[smem:$0x3F96] =	sst lr;
	_ =	strace $0xD0000000  }
0x3: {  	_ = 	snop  }
0x4: {  	_ = 	snop  }
0x5: {  	_ = 	snop  }
0x6: {  	_ = 	snop  }
0x7: {  	_ = 	snop  }
__scs_overlays_trampoline_lowered:
0x8: {  	[smem:$0x3FA5] =	sst s0  }
0x9: {  	[smem:$0x3FA6] =	sst s1  }
0xa: {  	[smem:$0x3FA7] =	sst s2  }
0xb: {  	[smem:$0x3FA8] =	sst s3  }
0xc: {  	[smem:$0x3FA9] =	sst s4  }
0xd: {  	[smem:$0x3FAA] =	sst s5  }
0xe: {  	[smem:$0x3FAB] =	sst s6  }
0xf: {  	[smem:$0x3FAC] =	sst s7  }
0x10: {  	[smem:$0x3FAD] =	sst s8  }
0x11: {  	[smem:$0x3FAE] =	sst s9;
	s0 =	simm.s32 @!p0 $0x0  }
0x12: {  	s1 =	sld [smem:$0x3F94];
	s0 =	simm.s32 @p0 $0x1  }
0x13: {  	[smem:$0x3FAF] =	sst s0;
	s0 =	simm.s32 @!p1 $0x0  }
0x14: {  	s2 =	sld [smem:$0x3F93];
	s0 =	simm.s32 @p1 $0x1  }
0x15: {  	[smem:$0x3FB0] =	sst s0;
	s0 =	simm.s32 @!p2 $0x0  }
0x16: {  	s3 =	sld [smem:$0x3FDB];
	s0 =	simm.s32 @p2 $0x1  }
0x17: {  	s4 =	simm.s32 $0x1BF5;
	[smem:$0x3FB2] =	sst s0  }
0x18: {  	s0 =	sld [smem:$0x3F95];
	_ =	swait.ge [sflag:s4], $0x0  }
0x19: {  	s7 =	sld [smem:$0x3F96]  }
0x1a: {  	s8 =	sadd.s32 $0xFFFFE003, lr  }
0x1b: {  	s9 =	sadd.s32 $0xFFFFFEF7, lr;
	s5 =	simm.s32 $0xFFFFFFFF;
	p2 =	slt.u32 s8, $0xFFFFF086  }
0x1c: {  	p1 =	slt.u32 s9, $0xF7A;
	s5 =	simm.s32 @!p2 $0x0  }
0x1d: {  	s5 =	simm.s32 @p1 $0x1;
	p0 =	seq.s32 s7, s2  }
0x1e: {  	s7 =	smul.u32 @!p0 $0xF7A, s2;
	p2 =	seq.s32 @!p0 s5, $0x0  }
0x1f: {  	s9 =	smul.u32 $0xF7A, s1;
	s8 =	simm.s32 @!p0 $0x1BF5;
	p2 =	por !p2, p0  }
0x20: {  	[sflag:s8] =	ssyncset.s32 @!p0 $0xFFFFF086;
	s6 =	sadd.s32 @!p0 s3, s7;
	s7 =	simm.s32 @!p0 $0x108  }
0x21: {  	s3 =	sadd.s32 s3, s9;
	s6 =	sadd.s32 @!p0 $0x88, s6;
	s7 =	simm.s32 @p2 $0x1082  }
0x22: {  	[simem:s7], [sflag:s8] =	dma.local @!p0 [hbm:s6], $0xF7A  }
0x23: {  	s9 =	sor.u32 $0xD0000000, s2;
	s6 =	simm.s32 $0x108;
	_ =	swait.ge @!p0 [sflag:s8], $0x0  }
0x24: {  	s3 =	sadd.s32 $0x88, s3;
	s6 =	simm.s32 @!p1 $0x1082;
	[sflag:s4] =	ssyncset.s32 $0xFFFFF086  }
0x25: {  	[simem:s6], [sflag:s4] =	dma.local [hbm:s3], $0xF7A  }
0x26: {  	[smem:$0x3F96] =	sst s1;
	(tag) =	ssettag s2;
	_ =	strace s9  }
0x27: {  	s1 =	sld [smem:$0x3FA6]  }
0x28: {  	s2 =	sld [smem:$0x3FA7]  }
0x29: {  	s4 =	sld [smem:$0x3FA9]  }
0x2a: {  	p0 =	seq.s32 s5, $0x0;
	s5 =	sld [smem:$0x3FAA]  }
0x2b: {  	s6 =	sld [smem:$0x3FAB]  }
0x2c: {  	s7 =	sld [smem:$0x3FAC]  }
0x2d: {  	s3 =	simm.s32 $0x108;
	s8 =	sld [smem:$0x3FAD]  }
0x2e: {  	s3 =	simm.s32 @!p0 $0x1082;
	s9 =	sld [smem:$0x3FAE]  }
0x2f: {  	lr =	sadd.s32 s0, s3;
	s0 =	sld [smem:$0x3FA5]  }
0x30: {  	s3 =	sld [smem:$0x3FA8]  }
0x31: {  	[smem:$0x3FB1] =	sst s10  }
0x32: {  	s10 =	sld [smem:$0x3FAF];
	_ =	sdelay $0x3  }
0x33: {  	p0 =	seq.s32 s10, $0x1;
	s10 =	sld [smem:$0x3FB1];
	_ =	sdelay $0x3  }
0x34: {  	[smem:$0x3FB1] =	sst s10  }
0x35: {  	s10 =	sld [smem:$0x3FB0];
	_ =	sdelay $0x3  }
0x36: {  	p1 =	seq.s32 s10, $0x1;
	s10 =	sld [smem:$0x3FB1];
	_ =	sdelay $0x3  }
0x37: {  	[smem:$0x3FB1] =	sst s10  }
0x38: {  	s10 =	sld [smem:$0x3FB2]  }
0x39: {  	_ = 	snop;
	(pc) =	sbr.ind lr, $3  }
0x3a: {  	_ = 	snop  }
0x3b: {  	_ = 	snop  }
0x3c: {  	p2 =	seq.s32 s10, $0x1;
	s10 =	sld [smem:$0x3FB1]  }
0x3d: {  	_ =	shalt  }
0x3e: {  	_ =	shalt  }
0x3f: {  	_ =	shalt  }
0x40: {  	_ =	shalt  }
0x41: {  	_ =	shalt  }
0x42: {  	_ =	shalt  }
0x43: {  	_ =	shalt  }
0x44: {  	_ =	shalt  }
0x45: {  	_ =	shalt  }
0x46: {  	_ =	shalt  }
0x47: {  	_ =	shalt  }
0x48: {  	_ =	shalt  }
0x49: {  	_ =	shalt  }
0x4a: {  	_ =	shalt  }
0x4b: {  	_ =	shalt  }
0x4c: {  	_ =	shalt  }
0x4d: {  	_ =	shalt  }
0x4e: {  	_ =	shalt  }
0x4f: {  	_ =	shalt  }
0x50: {  	_ =	shalt  }
0x51: {  	_ =	shalt  }
0x52: {  	_ =	shalt  }
0x53: {  	_ =	shalt  }
0x54: {  	_ =	shalt  }
0x55: {  	_ =	shalt  }
0x56: {  	_ =	shalt  }
0x57: {  	_ =	shalt  }
0x58: {  	_ =	shalt  }
0x59: {  	_ =	shalt  }
0x5a: {  	_ =	shalt  }
0x5b: {  	_ =	shalt  }
0x5c: {  	_ =	shalt  }
0x5d: {  	_ =	shalt  }
0x5e: {  	_ =	shalt  }
0x5f: {  	_ =	shalt  }
0x60: {  	_ =	shalt  }
0x61: {  	_ =	shalt  }
0x62: {  	_ =	shalt  }
0x63: {  	_ =	shalt  }
0x64: {  	_ =	shalt  }
0x65: {  	_ =	shalt  }
0x66: {  	_ =	shalt  }
0x67: {  	_ =	shalt  }
0x68: {  	_ =	shalt  }
0x69: {  	_ =	shalt  }
0x6a: {  	_ =	shalt  }
0x6b: {  	_ =	shalt  }
0x6c: {  	_ =	shalt  }
0x6d: {  	_ =	shalt  }
0x6e: {  	_ =	shalt  }
0x6f: {  	_ =	shalt  }
0x70: {  	_ =	shalt  }
0x71: {  	_ =	shalt  }
0x72: {  	_ =	shalt  }
0x73: {  	_ =	shalt  }
0x74: {  	_ =	shalt  }
0x75: {  	_ =	shalt  }
0x76: {  	_ =	shalt  }
0x77: {  	_ =	shalt  }
0x78: {  	_ =	shalt  }
0x79: {  	_ =	shalt  }
0x7a: {  	_ =	shalt  }
0x7b: {  	_ =	shalt  }
0x7c: {  	_ =	shalt  }
0x7d: {  	_ =	shalt  }
0x7e: {  	_ =	shalt  }
0x7f: {  	_ =	shalt  }
0x80: {  	_ =	shalt  }
0x81: {  	_ =	shalt  }
0x82: {  	_ =	shalt  }
0x83: {  	_ =	shalt  }
0x84: {  	_ =	shalt  }
0x85: {  	_ =	shalt  }
0x86: {  	_ =	shalt  }
0x87: {  	_ =	shalt  }
.Lfunc_end0:
.L_simem_size_0:
called_computation_lowered:
.L_overlay_start_0:
0x88: {  	s2 =	sld [smem:$0x3FD9]  }
0x89: {  	s3 =	sld [smem:$0x3FFE];
	_ =	sdelay $0x1  }
0x8a: {  	s1 =	srdreg.scid  }
0x8b: {  	s0 =	sand.u32 $0x1, s1  }
0x8c: {  	s17 =	sshll.u32 s0, $0xA;
	s2 =	sadd.s32 s3, s2  }
0x8d: {  	s2 =	sadd.s32 s2, s17  }
0x8e: {  	[smem:$0x3FBD] =	sst s2  }
0x8f: {  	_ = 	snop  }
0x90: {  	s2 =	sld [smem:$0x3FD0];
	(tm) =	ssettm $0x1  }
0x91: {  	s18 =	sld [smem:$0x3FFB];
	_ =	sdelay $0x3  }
0x92: {  	_ =	strace s18  }
0x93: {  	s3 =	sld [smem:$0x3FFC];
	_ =	sdelay $0x3  }
0x94: {  	_ =	strace s3  }
0x95: {  	s3 =	sld [smem:$0x3FFD];
	_ =	sdelay $0x3  }
0x96: {  	_ =	strace s3  }
0x97: {  	_ =	strace $0x8FFFFFFF  }
0x98: {  	s19 =	sld [smem:$0x3FDB];
	_ =	sdelay $0x1  }
0x99: {  	s4 =	simm.s32 $_scs_section_size  }
0x9a: {  	s5 =	simm.s32 $_size__tile_overlayer_lowered;
	s6 =	simm.s32 $_tile_overlayer_lowered  }
0x9b: {  	s22 =	simm.s32 $0x1BFF;
	s21 =	sshll.u32 s6, $0x1;
	s3 =	sadd.s32 s4, s19  }
0x9c: {  	s7 =	simm.s32 $0x0;
	s20 =	sshll.u32 s5, $0x1;
	s5 =	sadd.s32 s21, s3  }
0x9d: {  	[timem:s7], [sflag:s22] =	dma.local [hbm:s5], s20  }
0x9e: {  	_ =	swait.ge [sflag:s22], s20  }
0x9f: {  	s4 =	ssub.s32 $0x0, s20;
	[sflag:s22] =	ssyncset.done $0x0  }
0xa0: {  	[sflag:s22] =	ssyncadd.s32 s4;
	_ =	sdelay $0x1  }
0xa1: {  	s23 =	simm.s32 $0x1B8B  }
0xa2: {  	_ =	swait.ge [sflag:s23], $0x1  }
0xa3: {  	[sflag:s23] =	ssyncset.done $0x0  }
0xa4: {  	s25 =	simm.s32 $0x1B8E;
	s24 =	sld [smem:$0x3FFE];
	[sflag:s23] =	ssyncadd.s32 $0xFFFFFFFF  }
0xa5: {  	s26 =	simm.s32 $execute0_lowered;
	[smem:$0x3FD2] =	sst s25  }
0xa6: {  	s5 =	sshll.u32 s26, $0x1;
	_ =	strace $0x80000046;
	[dreg:$0x1] =	wrdreg $0xFFFFFFFF  }
0xa7: {  	s28 =	simm.s32 $_size_execute0_lowered;
	s3 =	sadd.s32 s3, s5;
	[dreg:$0x0] =	wrdreg $0x0  }
0xa8: {  	s5 =	sshll.u32 s28, $0x1;
	[dreg:$0x2] =	wrdreg s3  }
0xa9: {  	[dreg:$0x3] =	wrdreg s5  }
0xaa: {  	[dreg:$0x4] =	wrdreg $0xC0  }
0xab: {  	_ =	task [dreg:s7], $0x5FFFF  }
0xac: {  	[dreg:$0x1] =	wrdreg $0xFFFFFFFF  }
0xad: {  	[dreg:$0x0] =	wrdreg $0x60  }
0xae: {  	[dreg:$0x2] =	wrdreg s2  }
0xaf: {  	[dreg:$0x3] =	wrdreg s24  }
0xb0: {  	[dreg:$0x4] =	wrdreg $0x50800  }
0xb1: {  	[dreg:$0x5] =	wrdreg $0x9  }
0xb2: {  	_ =	task.clear_ibuf [dreg:s7], $0x6FFFF;
	_ =	strace $0x90000046  }
0xb3: {  	s29 =	simm.s32 $0x9;
	_ =	strace $0x80000048  }
0xb4: {  	_ =	swait.ge [sflag:s29], $0x1  }
0xb5: {  	[sflag:s29] =	ssyncadd.s32 $0xFFFFFFFF  }
0xb6: {  	_ =	strace $0x90000048  }
0xb7: {  	_ =	sfence  }
0xb8: {  	s30 =	sld [smem:$0x0];
	_ =	sdelay $0x2  }
0xb9: {  	s31 =	sshll.u32 s1, $0xD;
	s1 =	sshrl.u32 s1, $0x2  }
0xba: {  	s3 =	sand.u32 $0x4000, s31;
	s1 =	sadd.s32 s1, s30  }
0xbb: {  	s0 =	sor.u32 s3, s0;
	s1 =	sshll.u32 s1, $0x11  }
0xbc: {  	s0 =	sor.u32 s1, s0  }
0xbd: {  	s0 =	sadd.s32 $0x8F2B, s0  }
0xbe: {  	[sflag:s0] =	ssyncadd.remote.s32 $0x1  }
0xbf: {  	_ =	sfence.sel $0xFFFF  }
0xc0: {  	[dreg:$0x0] =	wrdreg $0xFFFFFFFF;
	(pc) =	sbr.abs _section_cstart, $3  }
0xc1: {  	[dreg:$0x1] =	wrdreg $0xFFFFFFFF  }
0xc2: {  	_ =	task.clear_ibuf [dreg:s7], $0x2FFFF;
	_ =	strace $0x9FFFFFFF  }
0xc3: {  	(tm) =	ssettm $0x7FFFFFFF  }
tec
execute0_lowered:
.L_overlay_start_1:
0x0: {  	(tag) =	ssettag $0x1  }
0x1: {  	s5 =	rddreg [dreg:$0x0]  }
0x2: {  	s6 =	rddreg [dreg:$0x1]  }
0x3: {  	s1 =	rddreg [dreg:$0x2];
	s3 =	srdreg.scid  }
0x4: {  	s0 =	rddreg [dreg:$0x3];
	s2 =	simm.s32 $0x0;
	s8 =	stileid.u32  }
0x5: {  	s12 =	simm.s32 $0x0;
	s3 =	sand.u32 $0x1, s3;
	[smem:$0x7FF] =	sst s2  }
0x6: {  	p0 =	sne.s32 s8, $0x0;
	s7 =	sshll.u32 s3, $0x4;
	_ =	strace $0x80000047  }
0x7: {  	s9 =	ssub.s32 $0x2, s3;
	s3 =	sadd.s32 $0x4800, s6;
	s4 =	sor.u32 s8, s7  }
0x8: {  	s10 =	sshrl.u32 s9, $0x1;
	s8 =	simm.s32 $0x1;
	s11 =	smul.u32 $0xA00, s4  }
0x9: {  	s4 =	sadd.s32 $0x4200, s6;
	s6 =	sadd.s32 s7, s6;
	s31 =	ssub.s32 s9, s10  }
0xa: {  	s9 =	simm.s32 $0x5000;
	s10 =	sshrl.u32 @!p0 s1, $0x3;
	s6 =	sadd.s32 $0x4A00, s6  }
0xb: {  	s7 =	smax.u32 s31, $0x1;
	s5 =	sadd.s32 s5, s11;
	s11 =	simm.s32 $0x80  }
.LBB2_1:
0xc: {  	[tilespmem:s2], [sflag:$0x1] =	stream.linear.gather [hbm4b:s5+s2], $0x5000, $0x38;
	[tilespmem:$0x5300] =	vst v63  }
0xd: {  	_ =	swait.ge [sflag:s8], $0x5000  }
0xe: {  	[sflag:s8] =	ssyncset.done $0x0  }
0xf: {  	[sflag:s8] =	ssyncadd.s32 $0xFFFFB000  }
0x10: {  	[tilespmem:s9], [sflag:$0x1] =	stream.linear.gather [hbm4b:s3+s2], $0x80, $0x38;
	[tilespmem:$0x5300] =	vst v63  }
0x11: {  	_ =	swait.ge [sflag:s8], $0x80  }
0x12: {  	[sflag:s8] =	ssyncset.done $0x0  }
0x13: {  	s13 =	simm.s32 @!p0 $0x1C01;
	[sflag:s8] =	ssyncadd.s32 $0xFFFFFF80  }
0x14: {  	[spmem:s10], [sflag:s13] =	dma.local @!p0 [hbm:s4], $0x500  }
0x15: {  	s13 =	simm.s32 @!p0 $0x1  }
0x16: {  	_ =	swait.ge @!p0 [sflag:s13], $0x500  }
0x17: {  	[sflag:s13] =	ssyncset.done @!p0 $0x0  }
0x18: {  	[sflag:s13] =	ssyncadd.s32 @!p0 $0xFFFFFB00  }
0x19: {  	s31 =	simm.s32 $0x0;
	[bflag:$0x0] =	sbarrier.arrive $0xFFFF  }
0x1a: {  	[spmem:s1] =	stream.indirect.scatter.add.f32 [tilespmem:s9], [sflag:$0x1], $0x1, s31, s11, $0xb8;
	[tilespmem:$0x5300] =	vst v63  }
0x1b: {  	_ =	swait.ge [sflag:s8], $0x80  }
0x1c: {  	s13 =	simm.s32 $0x200;
	[sflag:s8] =	ssyncset.done $0x0  }
.LBB2_2:
0x1d: {  	s14 =	sshra.s32 s13, $0x2;
	[sflag:s8] =	ssyncadd.s32 $0xFFFFFF80;
	p1 =	sne.s32 s13, $0x13E00  }
0x1e: {  	[spmem:s1] =	stream.indirect.scatter.add.f32 [tilespmem:s9], [sflag:$0x1], $0x1, s14, s11, $0xb8;
	[tilespmem:$0x5300] =	vst v63  }
.Ltmp0:
0x1f: {  	_ = 	snop;
	(pc) =	sbr.rel @p1 .LBB2_2-.Ltmp0, $4  }
0x20: {  	_ = 	snop  }
0x21: {  	s13 =	sadd.s32 $0x200, s13  }
0x22: {  	_ =	swait.ge [sflag:s8], $0x80  }
0x23: {  	[sflag:s8] =	ssyncset.done $0x0  }
0x24: {  	[sflag:s8] =	ssyncadd.s32 $0xFFFFFF80;
	s13 =	simm.s32 @!p0 $0x1;
	s12 =	sadd.s32 $0x1, s12  }
0x25: {  	s14 =	simm.s32 @!p0 $0x20;
	s15 =	simm.s32 @!p0 $0x10;
	p1 =	sne.s32 s12, s7  }
.Ltmp1:
0x26: {  	s16 =	simm.s32 @!p0 $0x1C01;
	[bflag:$0x0] =	sbarrier.arrive $0xFFFF;
	(pc) =	sbr.rel @p1 .LBB2_1-.Ltmp1, $4  }
0x27: {  	[hbm:s6@s14], [sflag:s16] =	dma.strided @!p0 [spmem:s10@s15], $0x500, s13, $0x10   }
0x28: {  	_ =	swait.ge @!p0 [sflag:s13], $0x500  }
0x29: {  	[sflag:s13] =	ssyncset.done @!p0 $0x0  }
0x2a: {  	[sflag:s13] =	ssyncadd.s32 @!p0 $0xFFFFFB00  }
0x2b: {  	_ =	sfence.sel $0x180000  }
0x2c: {  	[bflag:$0x0] =	sbarrier.arrive $0xFFFF  }
0x2d: {  	_ =	strace $0x90000047  }
0x2e: {  	s0 =	sadd.s32 @!p0 $0x100000, s0;
	[bflag:$0x2] =	sbarrier.arrive $0xFFFF  }
0x2f: {  	[sflag:s0] =	ssyncadd.tile.s32 @!p0 $0x1;
	_ =	shalt  }
.Lfunc_end2:
_tile_overlayer_lowered:
.L_overlay_start_2:
0x30: {  	(tag) =	ssettag $0x2  }
0x31: {  	s0 =	rddreg [dreg:$0x0];
	s2 =	stileid.u32  }
0x32: {  	s1 =	rddreg [dreg:$0x1];
	p0 =	sne.s32 s2, $0x0  }
0x33: {  	s3 =	rddreg [dreg:$0x2];
	[bflag:$0x3] =	sbarrier.arrive $0xFFFF;
	s2 =	simm.s32 @!p0 $0x1C01  }
0x34: {  	[timem:s3], [sflag:s2] =	dma.local @!p0 [hbm:s0], s1  }
0x35: {  	s0 =	simm.s32 @!p0 $0x1  }
0x36: {  	_ =	swait.ge @!p0 [sflag:s0], s1  }
0x37: {  	s1 =	ssub.s32 @!p0 $0x0, s1;
	[sflag:s0] =	ssyncset.done @!p0 $0x0  }
0x38: {  	[sflag:s0] =	ssyncadd.s32 @!p0 s1  }
0x39: {  	[bflag:$0x3] =	sbarrier.arrive $0xFFFF  }
0x3a: {  	_ =	shalt  }

</sc_bundles>
